<compile_context>
chip_gen: v7x
topology: tpu7x:2x2x1
jax: 0.10.2.dev20260603
libtpu: 0.0.44.dev20260713+nightly
codegen_flags: <defaults>
</compile_context>

<pallas_src>
import functools

import jax
import jax.numpy as jnp
from jax import lax
from jax.experimental import pallas as pl
from jax.experimental.pallas import tpu as pltpu
from jax.experimental.pallas import tpu_sc as plsc

_NC = 2
_NS = 16
_NW = _NC * _NS


def _make_gather(S, B, V, D):
    chunk = B // _NW
    NG = chunk // 16
    CB = chunk // 128
    R = D // 8
    assert chunk * _NW == B and NG * 16 == chunk and CB * 128 == chunk
    mesh = plsc.VectorSubcoreMesh(core_axis_name="c", subcore_axis_name="s")

    @functools.partial(
        pl.kernel,
        mesh=mesh,
        out_type=jax.ShapeDtypeStruct((S, R, B // 128, 8, 128), jnp.float32),
        scratch_types=[
            pltpu.VMEM((S, chunk), jnp.int32),
            pltpu.VMEM((chunk, D), jnp.float32),
            pltpu.VMEM((chunk, D), jnp.float32),
            pltpu.VMEM((CB, D, 129), jnp.float32),
            pltpu.VMEM((CB, D, 129), jnp.float32),
            pltpu.SemaphoreType.DMA((2,)),
            pltpu.SemaphoreType.DMA((2,)),
        ],
        compiler_params=pltpu.CompilerParams(
            use_tc_tiling_on_sc=False, needs_layout_passes=False
        ),
    )
    def gather_kernel(table_hbm, idx_hbm, out_hbm, idx_v, r0, r1, t0, t1,
                      gsem, ssem):
        rows = [r0, r1]
        rowsT = [t0, t1]
        wid = lax.axis_index("s") * _NC + lax.axis_index("c")
        col0 = wid * chunk

        pltpu.sync_copy(idx_hbm.at[:, pl.ds(col0, chunk)], idx_v)

        lane16 = lax.iota(jnp.int32, 16)

        def gather_copy(s, b):
            return pltpu.make_async_copy(
                table_hbm.at[idx_v.at[s]], rows[b], gsem.at[b]
            )

        def store_copies(s, b):
            return [
                pltpu.make_async_copy(
                    rowsT[b].at[:, pl.ds(r * 8, 8), pl.ds(0, 128)],
                    out_hbm.at[s, r, pl.ds(wid * CB, CB)],
                    ssem.at[b],
                )
                for r in range(R)
            ]

        dlo = lane16
        dhi = lane16 + 16

        def transpose_chunk(b):
            src, dst = rows[b], rowsT[b]

            def body(g, carry):
                j0 = g * 16
                cb = g // 8
                cbv = jnp.full((16,), 0, jnp.int32) + cb
                for t in range(16):
                    j = j0 + t
                    lv = jnp.full((16,), 0, jnp.int32) + (j - cb * 128)
                    lo = src[j, pl.ds(0, 16)]
                    hi = src[j, pl.ds(16, 16)]
                    plsc.store_scatter(dst, [cbv, dlo, lv], lo)
                    plsc.store_scatter(dst, [cbv, dhi, lv], hi)
                return carry

            lax.fori_loop(0, NG, body, 0)

        gather_copy(0, 0).start()

        def outer(k, carry):
            for sub in range(2):
                s = 2 * k + sub
                b = sub
                gather_copy(s, b).wait()

                @pl.when(s + 1 < S)
                def _():
                    gather_copy(s + 1, 1 - b).start()

                @pl.when(k >= 1)
                def _():
                    for cp in store_copies(s - 2, b):
                        cp.wait()

                transpose_chunk(b)
                for cp in store_copies(s, b):
                    cp.start()
            return carry

        lax.fori_loop(0, S // 2, outer, 0)
        for sub in range(2):
            for cp in store_copies(S - 2 + sub, sub):
                cp.wait()

    return gather_kernel


def kernel(x, table):
    Bm, S = x.shape
    V, D = table.shape
    xt = jnp.swapaxes(x, 0, 1).astype(jnp.int32)
    y = _make_gather(S, Bm, V, D)(table, xt)
    return jnp.transpose(y, (2, 4, 0, 1, 3)).reshape(Bm, S, D)

# --- scband reference (transcript-rebuilt; emitter-appended) ---
"""Pipeline reference for scband-torchmodel-46943992546184 (READ-ONLY COPY).

The authoritative reference and input builder live on the scoring server;
editing this copy changes nothing except your own understanding.
"""

import jax, jax.numpy as jnp
import numpy as np

NUM = 1000000
EMBED = 32

def setup_inputs(seed: int = 0) -> dict:
    key = jax.random.key(seed)
    k1, k2 = jax.random.split(key)
    x = jax.random.randint(k1, (16384, 26), 0, NUM, dtype=jnp.int64 if jax.config.jax_enable_x64 else jnp.int32)
    table = jax.random.normal(k2, (NUM, EMBED), dtype=jnp.float32)
    return {"x": x, "table": table}

def reference(x, table):
    # nn.Embedding forward: gather rows of the embedding table
    return jnp.take(table, x, axis=0)

if __name__ == "__main__":
    import jax
    _d = setup_inputs()
    print(jax.jit(kernel)(*tuple(_d.values())))

</pallas_src>

<mosaic_0001>
#map = affine_map<(d0, d1) -> (0, 0)>
#map1 = affine_map<(d0, d1) -> (0, 0, 0, 0, 0)>
module attributes {stable_mosaic.version = 14 : i64} {
  func.func @gather_kernel(%arg0: i32, %arg1: i32, %arg2: memref<1000000x32xf32, #tpu.memory_space<hbm>>, %arg3: memref<26x16384xi32, #tpu.memory_space<hbm>>, %arg4: memref<26x4x128x8x128xf32, #tpu.memory_space<hbm>>, %arg5: memref<26x512xi32, #tpu.memory_space<vmem>>, %arg6: memref<512x32xf32, #tpu.memory_space<vmem>>, %arg7: memref<512x32xf32, #tpu.memory_space<vmem>>, %arg8: memref<4x32x129xf32, #tpu.memory_space<vmem>>, %arg9: memref<4x32x129xf32, #tpu.memory_space<vmem>>, %arg10: memref<2x!tpu.dma_semaphore, #tpu.memory_space<semaphore_mem>>, %arg11: memref<2x!tpu.dma_semaphore, #tpu.memory_space<semaphore_mem>>) attributes {dimension_semantics = [#tpu.dimension_semantics<core_parallel>, #tpu.dimension_semantics<subcore_parallel>], iteration_bounds = array<i64: 2, 16>, scalar_prefetch = 0 : i64, scratch_operands = 7 : i64, tpu.core_type = #tpu.core_type<sc_vector_subcore>, window_params = [{transform_indices = #map}, {transform_indices = #map}, {transform_indices = #map1}]} {
    %mul3A = arith.constant 2 : i32
    %mul3A_0 = arith.muli %arg1, %mul3A : i32
    %add3A = arith.addi %mul3A_0, %arg0 : i32
    %mul3A_1 = arith.constant 512 : i32
    %mul3A_2 = arith.muli %add3A, %mul3A_1 : i32
    "tpu.region"() ({
      %run_scoped3A = tpu.sem_alloc : memref<!tpu.dma_semaphore, #tpu.memory_space<semaphore_mem>>
      %dma_start3A_203 = arith.constant 0 : i32
      %dma_start3A_204 = tpu.memref_slice %arg3[%dma_start3A_203, %mul3A_2] : memref<26x16384xi32, #tpu.memory_space<hbm>> -> memref<26x512xi32, #tpu.memory_space<hbm>>
      %dma_start3A_205 = arith.constant 0 : i32
      %dma_start3A_206 = tpu.memref_slice %arg3[%dma_start3A_205, %mul3A_2] : memref<26x16384xi32, #tpu.memory_space<hbm>> -> memref<26x512xi32, #tpu.memory_space<hbm>>
      tpu.enqueue_dma source(%dma_start3A_206 : memref<26x512xi32, #tpu.memory_space<hbm>>) target(%arg5 : memref<26x512xi32, #tpu.memory_space<vmem>>) target_semaphore(%run_scoped3A : memref<!tpu.dma_semaphore, #tpu.memory_space<semaphore_mem>>)
      %dma_wait3A_207 = arith.constant 0 : i32
      %dma_wait3A_208 = tpu.memref_slice %arg3[%dma_wait3A_207, %mul3A_2] : memref<26x16384xi32, #tpu.memory_space<hbm>> -> memref<26x512xi32, #tpu.memory_space<hbm>>
      %dma_wait3A_209 = arith.constant 0 : i32
      %dma_wait3A_210 = tpu.memref_slice %arg3[%dma_wait3A_209, %mul3A_2] : memref<26x16384xi32, #tpu.memory_space<hbm>> -> memref<26x512xi32, #tpu.memory_space<hbm>>
      tpu.wait_dma2 semaphore(%run_scoped3A : memref<!tpu.dma_semaphore, #tpu.memory_space<semaphore_mem>>) src(%dma_wait3A_210 : memref<26x512xi32, #tpu.memory_space<hbm>>) dst(%arg5 : memref<26x512xi32, #tpu.memory_space<vmem>>)
      tpu.yield
    }) : () -> ()
    %iota3A = tpu.iota {dimensions = array<i32: 0>} : vector<16xi32>
    %add3A_3 = arith.constant 16 : i32
    %add3A_4 = vector.broadcast %add3A_3 : i32 to vector<16xi32>
    %add3A_5 = arith.addi %iota3A, %add3A_4 : vector<16xi32>
    %dma_start3A = arith.constant 0 : i32
    %dma_start3A_6 = arith.constant 0 : i32
    %dma_start3A_7 = arith.constant 0 : i32
    %dma_start3A_8 = tpu.memref_slice %arg5[%dma_start3A, %dma_start3A_7] : memref<26x512xi32, #tpu.memory_space<vmem>> -> memref<1x512xi32, #tpu.memory_space<vmem>>
    %dma_start3A_9 = tpu.memref_squeeze %dma_start3A_8 : memref<1x512xi32, #tpu.memory_space<vmem>> -> memref<512xi32, #tpu.memory_space<vmem>>
    %dma_start3A_10 = arith.constant 0 : i32
    %dma_start3A_11 = arith.constant 0 : i32
    %dma_start3A_12 = tpu.memref_slice %arg2[%dma_start3A_10, %dma_start3A_11] : memref<1000000x32xf32, #tpu.memory_space<hbm>> -> memref<1000000x32xf32, #tpu.memory_space<hbm>>
    %dma_start3A_13 = tpu.memref_slice %arg10[%dma_start3A_6] : memref<2x!tpu.dma_semaphore, #tpu.memory_space<semaphore_mem>> -> memref<1x!tpu.dma_semaphore, #tpu.memory_space<semaphore_mem>>
    %dma_start3A_14 = tpu.memref_squeeze %dma_start3A_13 : memref<1x!tpu.dma_semaphore, #tpu.memory_space<semaphore_mem>> -> memref<!tpu.dma_semaphore, #tpu.memory_space<semaphore_mem>>
    tpu.enqueue_indirect_dma source(%dma_start3A_12 : memref<1000000x32xf32, #tpu.memory_space<hbm>>) target(%arg6 : memref<512x32xf32, #tpu.memory_space<vmem>>) offsets(%dma_start3A_9 : memref<512xi32, #tpu.memory_space<vmem>>) semaphore(%dma_start3A_14 : memref<!tpu.dma_semaphore, #tpu.memory_space<semaphore_mem>>)
    %scan3A = arith.constant 0 : i32
    %scan3A_15 = arith.constant 0 : i32
    %scan3A_16 = arith.constant 13 : i32
    %scan3A_17 = arith.addi %scan3A_15, %scan3A_16 : i32
    %scan3A_18 = arith.constant 1 : i32
    scf.for %scan3A_203 = %scan3A_15 to %scan3A_17 step %scan3A_18  : i32 {
      %mul3A_204 = arith.constant 2 : i32
      %mul3A_205 = arith.muli %mul3A_204, %scan3A_203 : i32
      %add3A_206 = arith.constant 0 : i32
      %add3A_207 = arith.addi %mul3A_205, %add3A_206 : i32
      %dma_wait3A_208 = arith.constant 0 : i32
      %dma_wait3A_209 = arith.constant 0 : i32
      %dma_wait3A_210 = tpu.memref_slice %arg5[%add3A_207, %dma_wait3A_209] : memref<26x512xi32, #tpu.memory_space<vmem>> -> memref<1x512xi32, #tpu.memory_space<vmem>>
      %dma_wait3A_211 = tpu.memref_squeeze %dma_wait3A_210 : memref<1x512xi32, #tpu.memory_space<vmem>> -> memref<512xi32, #tpu.memory_space<vmem>>
      %dma_wait3A_212 = arith.constant 0 : i32
      %dma_wait3A_213 = arith.constant 0 : i32
      %dma_wait3A_214 = tpu.memref_slice %arg2[%dma_wait3A_212, %dma_wait3A_213] : memref<1000000x32xf32, #tpu.memory_space<hbm>> -> memref<1000000x32xf32, #tpu.memory_space<hbm>>
      %dma_wait3A_215 = tpu.memref_slice %arg10[%dma_wait3A_208] : memref<2x!tpu.dma_semaphore, #tpu.memory_space<semaphore_mem>> -> memref<1x!tpu.dma_semaphore, #tpu.memory_space<semaphore_mem>>
      %dma_wait3A_216 = tpu.memref_squeeze %dma_wait3A_215 : memref<1x!tpu.dma_semaphore, #tpu.memory_space<semaphore_mem>> -> memref<!tpu.dma_semaphore, #tpu.memory_space<semaphore_mem>>
      tpu.wait_indirect_dma semaphore(%dma_wait3A_216 : memref<!tpu.dma_semaphore, #tpu.memory_space<semaphore_mem>>) src(%dma_wait3A_214 : memref<1000000x32xf32, #tpu.memory_space<hbm>>) dst(%arg6 : memref<512x32xf32, #tpu.memory_space<vmem>>)
      %add3A_217 = arith.constant 1 : i32
      %add3A_218 = arith.addi %add3A_207, %add3A_217 : i32
      %lt3A = arith.constant 26 : i32
      %lt3A_219 = arith.cmpi slt, %add3A_218, %lt3A : i32
      %convert_element_type3A = arith.extui %lt3A_219 : i1 to i32
      %cond3A = arith.constant 0 : i32
      %cond3A_220 = arith.cmpi ne, %convert_element_type3A, %cond3A : i32
      scf.if %cond3A_220 {
        %add3A_438 = arith.constant 1 : i32
        %add3A_439 = arith.addi %add3A_207, %add3A_438 : i32
        %dma_start3A_440 = arith.constant 1 : i32
        %dma_start3A_441 = arith.constant 0 : i32
        %dma_start3A_442 = tpu.memref_slice %arg5[%add3A_439, %dma_start3A_441] : memref<26x512xi32, #tpu.memory_space<vmem>> -> memref<1x512xi32, #tpu.memory_space<vmem>>
        %dma_start3A_443 = tpu.memref_squeeze %dma_start3A_442 : memref<1x512xi32, #tpu.memory_space<vmem>> -> memref<512xi32, #tpu.memory_space<vmem>>
        %dma_start3A_444 = arith.constant 0 : i32
        %dma_start3A_445 = arith.constant 0 : i32
        %dma_start3A_446 = tpu.memref_slice %arg2[%dma_start3A_444, %dma_start3A_445] : memref<1000000x32xf32, #tpu.memory_space<hbm>> -> memref<1000000x32xf32, #tpu.memory_space<hbm>>
        %dma_start3A_447 = tpu.memref_slice %arg10[%dma_start3A_440] : memref<2x!tpu.dma_semaphore, #tpu.memory_space<semaphore_mem>> -> memref<1x!tpu.dma_semaphore, #tpu.memory_space<semaphore_mem>>
        %dma_start3A_448 = tpu.memref_squeeze %dma_start3A_447 : memref<1x!tpu.dma_semaphore, #tpu.memory_space<semaphore_mem>> -> memref<!tpu.dma_semaphore, #tpu.memory_space<semaphore_mem>>
        tpu.enqueue_indirect_dma source(%dma_start3A_446 : memref<1000000x32xf32, #tpu.memory_space<hbm>>) target(%arg7 : memref<512x32xf32, #tpu.memory_space<vmem>>) offsets(%dma_start3A_443 : memref<512xi32, #tpu.memory_space<vmem>>) semaphore(%dma_start3A_448 : memref<!tpu.dma_semaphore, #tpu.memory_space<semaphore_mem>>)
      } else {
      }
      %ge3A = arith.constant 1 : i32
      %ge3A_221 = arith.cmpi sge, %scan3A_203, %ge3A : i32
      %convert_element_type3A_222 = arith.extui %ge3A_221 : i1 to i32
      %cond3A_223 = arith.constant 0 : i32
      %cond3A_224 = arith.cmpi ne, %convert_element_type3A_222, %cond3A_223 : i32
      scf.if %cond3A_224 {
        %sub3A = arith.constant 2 : i32
        %sub3A_438 = arith.subi %add3A_207, %sub3A : i32
        %mul3A_439 = arith.constant 4 : i32
        %mul3A_440 = arith.muli %add3A, %mul3A_439 : i32
        %mul3A_441 = arith.constant 4 : i32
        %mul3A_442 = arith.muli %add3A, %mul3A_441 : i32
        %mul3A_443 = arith.constant 4 : i32
        %mul3A_444 = arith.muli %add3A, %mul3A_443 : i32
        %mul3A_445 = arith.constant 4 : i32
        %mul3A_446 = arith.muli %add3A, %mul3A_445 : i32
        %dma_wait3A_447 = arith.constant 0 : i32
        %dma_wait3A_448 = arith.constant 0 : i32
        %dma_wait3A_449 = arith.constant 0 : i32
        %dma_wait3A_450 = arith.constant 0 : i32
        %dma_wait3A_451 = arith.constant 0 : i32
        %dma_wait3A_452 = tpu.memref_slice %arg8[%dma_wait3A_449, %dma_wait3A_450, %dma_wait3A_451] : memref<4x32x129xf32, #tpu.memory_space<vmem>> -> memref<4x8x128xf32, #tpu.memory_space<vmem>>
        %dma_wait3A_453 = arith.constant 0 : i32
        %dma_wait3A_454 = arith.constant 0 : i32
        %dma_wait3A_455 = tpu.memref_slice %arg4[%sub3A_438, %dma_wait3A_447, %mul3A_440, %dma_wait3A_453, %dma_wait3A_454] : memref<26x4x128x8x128xf32, #tpu.memory_space<hbm>> -> memref<1x1x4x8x128xf32, #tpu.memory_space<hbm>>
        %dma_wait3A_456 = tpu.memref_squeeze %dma_wait3A_455 : memref<1x1x4x8x128xf32, #tpu.memory_space<hbm>> -> memref<4x8x128xf32, #tpu.memory_space<hbm>>
        %dma_wait3A_457 = tpu.memref_slice %arg11[%dma_wait3A_448] : memref<2x!tpu.dma_semaphore, #tpu.memory_space<semaphore_mem>> -> memref<1x!tpu.dma_semaphore, #tpu.memory_space<semaphore_mem>>
        %dma_wait3A_458 = tpu.memref_squeeze %dma_wait3A_457 : memref<1x!tpu.dma_semaphore, #tpu.memory_space<semaphore_mem>> -> memref<!tpu.dma_semaphore, #tpu.memory_space<semaphore_mem>>
        %dma_wait3A_459 = arith.constant 0 : i32
        %dma_wait3A_460 = arith.constant 0 : i32
        %dma_wait3A_461 = tpu.memref_slice %arg4[%sub3A_438, %dma_wait3A_447, %mul3A_440, %dma_wait3A_459, %dma_wait3A_460] : memref<26x4x128x8x128xf32, #tpu.memory_space<hbm>> -> memref<1x1x4x8x128xf32, #tpu.memory_space<hbm>>
        %dma_wait3A_462 = tpu.memref_squeeze %dma_wait3A_461 : memref<1x1x4x8x128xf32, #tpu.memory_space<hbm>> -> memref<4x8x128xf32, #tpu.memory_space<hbm>>
        %dma_wait3A_463 = arith.constant 0 : i32
        %dma_wait3A_464 = arith.constant 0 : i32
        %dma_wait3A_465 = arith.constant 0 : i32
        %dma_wait3A_466 = tpu.memref_slice %arg8[%dma_wait3A_463, %dma_wait3A_464, %dma_wait3A_465] : memref<4x32x129xf32, #tpu.memory_space<vmem>> -> memref<4x8x128xf32, #tpu.memory_space<vmem>>
        tpu.wait_dma2 semaphore(%dma_wait3A_458 : memref<!tpu.dma_semaphore, #tpu.memory_space<semaphore_mem>>) src(%dma_wait3A_466 : memref<4x8x128xf32, #tpu.memory_space<vmem>>) dst(%dma_wait3A_462 : memref<4x8x128xf32, #tpu.memory_space<hbm>>)
        %dma_wait3A_467 = arith.constant 1 : i32
        %dma_wait3A_468 = arith.constant 0 : i32
        %dma_wait3A_469 = arith.constant 0 : i32
        %dma_wait3A_470 = arith.constant 8 : i32
        %dma_wait3A_471 = arith.constant 0 : i32
        %dma_wait3A_472 = tpu.memref_slice %arg8[%dma_wait3A_469, %dma_wait3A_470, %dma_wait3A_471] : memref<4x32x129xf32, #tpu.memory_space<vmem>> -> memref<4x8x128xf32, #tpu.memory_space<vmem>>
        %dma_wait3A_473 = arith.constant 0 : i32
        %dma_wait3A_474 = arith.constant 0 : i32
        %dma_wait3A_475 = tpu.memref_slice %arg4[%sub3A_438, %dma_wait3A_467, %mul3A_442, %dma_wait3A_473, %dma_wait3A_474] : memref<26x4x128x8x128xf32, #tpu.memory_space<hbm>> -> memref<1x1x4x8x128xf32, #tpu.memory_space<hbm>>
        %dma_wait3A_476 = tpu.memref_squeeze %dma_wait3A_475 : memref<1x1x4x8x128xf32, #tpu.memory_space<hbm>> -> memref<4x8x128xf32, #tpu.memory_space<hbm>>
        %dma_wait3A_477 = tpu.memref_slice %arg11[%dma_wait3A_468] : memref<2x!tpu.dma_semaphore, #tpu.memory_space<semaphore_mem>> -> memref<1x!tpu.dma_semaphore, #tpu.memory_space<semaphore_mem>>
        %dma_wait3A_478 = tpu.memref_squeeze %dma_wait3A_477 : memref<1x!tpu.dma_semaphore, #tpu.memory_space<semaphore_mem>> -> memref<!tpu.dma_semaphore, #tpu.memory_space<semaphore_mem>>
        %dma_wait3A_479 = arith.constant 0 : i32
        %dma_wait3A_480 = arith.constant 0 : i32
        %dma_wait3A_481 = tpu.memref_slice %arg4[%sub3A_438, %dma_wait3A_467, %mul3A_442, %dma_wait3A_479, %dma_wait3A_480] : memref<26x4x128x8x128xf32, #tpu.memory_space<hbm>> -> memref<1x1x4x8x128xf32, #tpu.memory_space<hbm>>
        %dma_wait3A_482 = tpu.memref_squeeze %dma_wait3A_481 : memref<1x1x4x8x128xf32, #tpu.memory_space<hbm>> -> memref<4x8x128xf32, #tpu.memory_space<hbm>>
        %dma_wait3A_483 = arith.constant 0 : i32
        %dma_wait3A_484 = arith.constant 8 : i32
        %dma_wait3A_485 = arith.constant 0 : i32
        %dma_wait3A_486 = tpu.memref_slice %arg8[%dma_wait3A_483, %dma_wait3A_484, %dma_wait3A_485] : memref<4x32x129xf32, #tpu.memory_space<vmem>> -> memref<4x8x128xf32, #tpu.memory_space<vmem>>
        tpu.wait_dma2 semaphore(%dma_wait3A_478 : memref<!tpu.dma_semaphore, #tpu.memory_space<semaphore_mem>>) src(%dma_wait3A_486 : memref<4x8x128xf32, #tpu.memory_space<vmem>>) dst(%dma_wait3A_482 : memref<4x8x128xf32, #tpu.memory_space<hbm>>)
        %dma_wait3A_487 = arith.constant 2 : i32
        %dma_wait3A_488 = arith.constant 0 : i32
        %dma_wait3A_489 = arith.constant 0 : i32
        %dma_wait3A_490 = arith.constant 16 : i32
        %dma_wait3A_491 = arith.constant 0 : i32
        %dma_wait3A_492 = tpu.memref_slice %arg8[%dma_wait3A_489, %dma_wait3A_490, %dma_wait3A_491] : memref<4x32x129xf32, #tpu.memory_space<vmem>> -> memref<4x8x128xf32, #tpu.memory_space<vmem>>
        %dma_wait3A_493 = arith.constant 0 : i32
        %dma_wait3A_494 = arith.constant 0 : i32
        %dma_wait3A_495 = tpu.memref_slice %arg4[%sub3A_438, %dma_wait3A_487, %mul3A_444, %dma_wait3A_493, %dma_wait3A_494] : memref<26x4x128x8x128xf32, #tpu.memory_space<hbm>> -> memref<1x1x4x8x128xf32, #tpu.memory_space<hbm>>
        %dma_wait3A_496 = tpu.memref_squeeze %dma_wait3A_495 : memref<1x1x4x8x128xf32, #tpu.memory_space<hbm>> -> memref<4x8x128xf32, #tpu.memory_space<hbm>>
        %dma_wait3A_497 = tpu.memref_slice %arg11[%dma_wait3A_488] : memref<2x!tpu.dma_semaphore, #tpu.memory_space<semaphore_mem>> -> memref<1x!tpu.dma_semaphore, #tpu.memory_space<semaphore_mem>>
        %dma_wait3A_498 = tpu.memref_squeeze %dma_wait3A_497 : memref<1x!tpu.dma_semaphore, #tpu.memory_space<semaphore_mem>> -> memref<!tpu.dma_semaphore, #tpu.memory_space<semaphore_mem>>
        %dma_wait3A_499 = arith.constant 0 : i32
        %dma_wait3A_500 = arith.constant 0 : i32
        %dma_wait3A_501 = tpu.memref_slice %arg4[%sub3A_438, %dma_wait3A_487, %mul3A_444, %dma_wait3A_499, %dma_wait3A_500] : memref<26x4x128x8x128xf32, #tpu.memory_space<hbm>> -> memref<1x1x4x8x128xf32, #tpu.memory_space<hbm>>
        %dma_wait3A_502 = tpu.memref_squeeze %dma_wait3A_501 : memref<1x1x4x8x128xf32, #tpu.memory_space<hbm>> -> memref<4x8x128xf32, #tpu.memory_space<hbm>>
        %dma_wait3A_503 = arith.constant 0 : i32
        %dma_wait3A_504 = arith.constant 16 : i32
        %dma_wait3A_505 = arith.constant 0 : i32
        %dma_wait3A_506 = tpu.memref_slice %arg8[%dma_wait3A_503, %dma_wait3A_504, %dma_wait3A_505] : memref<4x32x129xf32, #tpu.memory_space<vmem>> -> memref<4x8x128xf32, #tpu.memory_space<vmem>>
        tpu.wait_dma2 semaphore(%dma_wait3A_498 : memref<!tpu.dma_semaphore, #tpu.memory_space<semaphore_mem>>) src(%dma_wait3A_506 : memref<4x8x128xf32, #tpu.memory_space<vmem>>) dst(%dma_wait3A_502 : memref<4x8x128xf32, #tpu.memory_space<hbm>>)
        %dma_wait3A_507 = arith.constant 3 : i32
        %dma_wait3A_508 = arith.constant 0 : i32
        %dma_wait3A_509 = arith.constant 0 : i32
        %dma_wait3A_510 = arith.constant 24 : i32
        %dma_wait3A_511 = arith.constant 0 : i32
        %dma_wait3A_512 = tpu.memref_slice %arg8[%dma_wait3A_509, %dma_wait3A_510, %dma_wait3A_511] : memref<4x32x129xf32, #tpu.memory_space<vmem>> -> memref<4x8x128xf32, #tpu.memory_space<vmem>>
        %dma_wait3A_513 = arith.constant 0 : i32
        %dma_wait3A_514 = arith.constant 0 : i32
        %dma_wait3A_515 = tpu.memref_slice %arg4[%sub3A_438, %dma_wait3A_507, %mul3A_446, %dma_wait3A_513, %dma_wait3A_514] : memref<26x4x128x8x128xf32, #tpu.memory_space<hbm>> -> memref<1x1x4x8x128xf32, #tpu.memory_space<hbm>>
        %dma_wait3A_516 = tpu.memref_squeeze %dma_wait3A_515 : memref<1x1x4x8x128xf32, #tpu.memory_space<hbm>> -> memref<4x8x128xf32, #tpu.memory_space<hbm>>
        %dma_wait3A_517 = tpu.memref_slice %arg11[%dma_wait3A_508] : memref<2x!tpu.dma_semaphore, #tpu.memory_space<semaphore_mem>> -> memref<1x!tpu.dma_semaphore, #tpu.memory_space<semaphore_mem>>
        %dma_wait3A_518 = tpu.memref_squeeze %dma_wait3A_517 : memref<1x!tpu.dma_semaphore, #tpu.memory_space<semaphore_mem>> -> memref<!tpu.dma_semaphore, #tpu.memory_space<semaphore_mem>>
        %dma_wait3A_519 = arith.constant 0 : i32
        %dma_wait3A_520 = arith.constant 0 : i32
        %dma_wait3A_521 = tpu.memref_slice %arg4[%sub3A_438, %dma_wait3A_507, %mul3A_446, %dma_wait3A_519, %dma_wait3A_520] : memref<26x4x128x8x128xf32, #tpu.memory_space<hbm>> -> memref<1x1x4x8x128xf32, #tpu.memory_space<hbm>>
        %dma_wait3A_522 = tpu.memref_squeeze %dma_wait3A_521 : memref<1x1x4x8x128xf32, #tpu.memory_space<hbm>> -> memref<4x8x128xf32, #tpu.memory_space<hbm>>
        %dma_wait3A_523 = arith.constant 0 : i32
        %dma_wait3A_524 = arith.constant 24 : i32
        %dma_wait3A_525 = arith.constant 0 : i32
        %dma_wait3A_526 = tpu.memref_slice %arg8[%dma_wait3A_523, %dma_wait3A_524, %dma_wait3A_525] : memref<4x32x129xf32, #tpu.memory_space<vmem>> -> memref<4x8x128xf32, #tpu.memory_space<vmem>>
        tpu.wait_dma2 semaphore(%dma_wait3A_518 : memref<!tpu.dma_semaphore, #tpu.memory_space<semaphore_mem>>) src(%dma_wait3A_526 : memref<4x8x128xf32, #tpu.memory_space<vmem>>) dst(%dma_wait3A_522 : memref<4x8x128xf32, #tpu.memory_space<hbm>>)
      } else {
      }
      %scan3A_225 = arith.constant 0 : i32
      %scan3A_226 = arith.constant 0 : i32
      %scan3A_227 = arith.constant 32 : i32
      %scan3A_228 = arith.addi %scan3A_226, %scan3A_227 : i32
      %scan3A_229 = arith.constant 1 : i32
      scf.for %scan3A_438 = %scan3A_226 to %scan3A_228 step %scan3A_229  : i32 {
        %mul3A_439 = arith.constant 16 : i32
        %mul3A_440 = arith.muli %scan3A_438, %mul3A_439 : i32
        %jit3A = arith.constant 8 : i32
        %div3A = arith.divsi %scan3A_438, %jit3A : i32
        %sign3A = arith.constant 0 : i32
        %sign3A_441 = arith.cmpi sgt, %scan3A_438, %sign3A : i32
        %sign3A_442 = arith.extui %sign3A_441 : i1 to i32
        %sign3A_443 = arith.constant 0 : i32
        %sign3A_444 = arith.cmpi slt, %scan3A_438, %sign3A_443 : i32
        %sign3A_445 = arith.extui %sign3A_444 : i1 to i32
        %sign3A_446 = arith.subi %sign3A_442, %sign3A_445 : i32
        %sign3A_447 = arith.constant 0 : i32
        %sign3A_448 = arith.cmpi sgt, %jit3A, %sign3A_447 : i32
        %sign3A_449 = arith.extui %sign3A_448 : i1 to i32
        %sign3A_450 = arith.constant 0 : i32
        %sign3A_451 = arith.cmpi slt, %jit3A, %sign3A_450 : i32
        %sign3A_452 = arith.extui %sign3A_451 : i1 to i32
        %sign3A_453 = arith.subi %sign3A_449, %sign3A_452 : i32
        %ne3A = arith.cmpi ne, %sign3A_446, %sign3A_453 : i32
        %rem3A = arith.remsi %scan3A_438, %jit3A : i32
        %ne3A_454 = arith.constant 0 : i32
        %ne3A_455 = arith.cmpi ne, %rem3A, %ne3A_454 : i32
        %and3A = arith.andi %ne3A, %ne3A_455 : i1
        %sub3A = arith.constant 1 : i32
        %sub3A_456 = arith.subi %div3A, %sub3A : i32
        %select_n3A = arith.select %and3A, %sub3A_456, %div3A : i32
        %broadcast_in_dim3A = arith.constant 0 : i32
        %broadcast_in_dim3A_457 = vector.broadcast %broadcast_in_dim3A : i32 to vector<16xi32>
        %add3A_458 = vector.broadcast %select_n3A : i32 to vector<16xi32>
        %add3A_459 = arith.addi %broadcast_in_dim3A_457, %add3A_458 : vector<16xi32>
        %add3A_460 = arith.constant 0 : i32
        %add3A_461 = arith.addi %mul3A_440, %add3A_460 : i32
        %broadcast_in_dim3A_462 = arith.constant 0 : i32
        %broadcast_in_dim3A_463 = vector.broadcast %broadcast_in_dim3A_462 : i32 to vector<16xi32>
        %mul3A_464 = arith.constant 128 : i32
        %mul3A_465 = arith.muli %select_n3A, %mul3A_464 : i32
        %sub3A_466 = arith.subi %add3A_461, %mul3A_465 : i32
        %add3A_467 = vector.broadcast %sub3A_466 : i32 to vector<16xi32>
        %add3A_468 = arith.addi %broadcast_in_dim3A_463, %add3A_467 : vector<16xi32>
        %get3A = arith.index_cast %add3A_461 : i32 to index
        %get3A_469 = arith.constant 0 : index
        %get3A_470 = tpu.vector_load %arg6[%get3A, %get3A_469] {strides = array<i32>} : memref<512x32xf32, #tpu.memory_space<vmem>>, vector<16xf32>,
        %get3A_471 = arith.index_cast %add3A_461 : i32 to index
        %get3A_472 = arith.constant 16 : index
        %get3A_473 = tpu.vector_load %arg6[%get3A_471, %get3A_472] {strides = array<i32>} : memref<512x32xf32, #tpu.memory_space<vmem>>, vector<16xf32>,
        tpu.vector_store_idx %arg8[%add3A_459, %iota3A, %add3A_468], %get3A_470 : memref<4x32x129xf32, #tpu.memory_space<vmem>>[vector<16xi32>, vector<16xi32>, vector<16xi32>], vector<16xf32>,
        tpu.vector_store_idx %arg8[%add3A_459, %add3A_5, %add3A_468], %get3A_473 : memref<4x32x129xf32, #tpu.memory_space<vmem>>[vector<16xi32>, vector<16xi32>, vector<16xi32>], vector<16xf32>,
        %add3A_474 = arith.constant 1 : i32
        %add3A_475 = arith.addi %mul3A_440, %add3A_474 : i32
        %broadcast_in_dim3A_476 = arith.constant 0 : i32
        %broadcast_in_dim3A_477 = vector.broadcast %broadcast_in_dim3A_476 : i32 to vector<16xi32>
        %mul3A_478 = arith.constant 128 : i32
        %mul3A_479 = arith.muli %select_n3A, %mul3A_478 : i32
        %sub3A_480 = arith.subi %add3A_475, %mul3A_479 : i32
        %add3A_481 = vector.broadcast %sub3A_480 : i32 to vector<16xi32>
        %add3A_482 = arith.addi %broadcast_in_dim3A_477, %add3A_481 : vector<16xi32>
        %get3A_483 = arith.index_cast %add3A_475 : i32 to index
        %get3A_484 = arith.constant 0 : index
        %get3A_485 = tpu.vector_load %arg6[%get3A_483, %get3A_484] {strides = array<i32>} : memref<512x32xf32, #tpu.memory_space<vmem>>, vector<16xf32>,
        %get3A_486 = arith.index_cast %add3A_475 : i32 to index
        %get3A_487 = arith.constant 16 : index
        %get3A_488 = tpu.vector_load %arg6[%get3A_486, %get3A_487] {strides = array<i32>} : memref<512x32xf32, #tpu.memory_space<vmem>>, vector<16xf32>,
        tpu.vector_store_idx %arg8[%add3A_459, %iota3A, %add3A_482], %get3A_485 : memref<4x32x129xf32, #tpu.memory_space<vmem>>[vector<16xi32>, vector<16xi32>, vector<16xi32>], vector<16xf32>,
        tpu.vector_store_idx %arg8[%add3A_459, %add3A_5, %add3A_482], %get3A_488 : memref<4x32x129xf32, #tpu.memory_space<vmem>>[vector<16xi32>, vector<16xi32>, vector<16xi32>], vector<16xf32>,
        %add3A_489 = arith.constant 2 : i32
        %add3A_490 = arith.addi %mul3A_440, %add3A_489 : i32
        %broadcast_in_dim3A_491 = arith.constant 0 : i32
        %broadcast_in_dim3A_492 = vector.broadcast %broadcast_in_dim3A_491 : i32 to vector<16xi32>
        %mul3A_493 = arith.constant 128 : i32
        %mul3A_494 = arith.muli %select_n3A, %mul3A_493 : i32
        %sub3A_495 = arith.subi %add3A_490, %mul3A_494 : i32
        %add3A_496 = vector.broadcast %sub3A_495 : i32 to vector<16xi32>
        %add3A_497 = arith.addi %broadcast_in_dim3A_492, %add3A_496 : vector<16xi32>
        %get3A_498 = arith.index_cast %add3A_490 : i32 to index
        %get3A_499 = arith.constant 0 : index
        %get3A_500 = tpu.vector_load %arg6[%get3A_498, %get3A_499] {strides = array<i32>} : memref<512x32xf32, #tpu.memory_space<vmem>>, vector<16xf32>,
        %get3A_501 = arith.index_cast %add3A_490 : i32 to index
        %get3A_502 = arith.constant 16 : index
        %get3A_503 = tpu.vector_load %arg6[%get3A_501, %get3A_502] {strides = array<i32>} : memref<512x32xf32, #tpu.memory_space<vmem>>, vector<16xf32>,
        tpu.vector_store_idx %arg8[%add3A_459, %iota3A, %add3A_497], %get3A_500 : memref<4x32x129xf32, #tpu.memory_space<vmem>>[vector<16xi32>, vector<16xi32>, vector<16xi32>], vector<16xf32>,
        tpu.vector_store_idx %arg8[%add3A_459, %add3A_5, %add3A_497], %get3A_503 : memref<4x32x129xf32, #tpu.memory_space<vmem>>[vector<16xi32>, vector<16xi32>, vector<16xi32>], vector<16xf32>,
        %add3A_504 = arith.constant 3 : i32
        %add3A_505 = arith.addi %mul3A_440, %add3A_504 : i32
        %broadcast_in_dim3A_506 = arith.constant 0 : i32
        %broadcast_in_dim3A_507 = vector.broadcast %broadcast_in_dim3A_506 : i32 to vector<16xi32>
        %mul3A_508 = arith.constant 128 : i32
        %mul3A_509 = arith.muli %select_n3A, %mul3A_508 : i32
        %sub3A_510 = arith.subi %add3A_505, %mul3A_509 : i32
        %add3A_511 = vector.broadcast %sub3A_510 : i32 to vector<16xi32>
        %add3A_512 = arith.addi %broadcast_in_dim3A_507, %add3A_511 : vector<16xi32>
        %get3A_513 = arith.index_cast %add3A_505 : i32 to index
        %get3A_514 = arith.constant 0 : index
        %get3A_515 = tpu.vector_load %arg6[%get3A_513, %get3A_514] {strides = array<i32>} : memref<512x32xf32, #tpu.memory_space<vmem>>, vector<16xf32>,
        %get3A_516 = arith.index_cast %add3A_505 : i32 to index
        %get3A_517 = arith.constant 16 : index
        %get3A_518 = tpu.vector_load %arg6[%get3A_516, %get3A_517] {strides = array<i32>} : memref<512x32xf32, #tpu.memory_space<vmem>>, vector<16xf32>,
        tpu.vector_store_idx %arg8[%add3A_459, %iota3A, %add3A_512], %get3A_515 : memref<4x32x129xf32, #tpu.memory_space<vmem>>[vector<16xi32>, vector<16xi32>, vector<16xi32>], vector<16xf32>,
        tpu.vector_store_idx %arg8[%add3A_459, %add3A_5, %add3A_512], %get3A_518 : memref<4x32x129xf32, #tpu.memory_space<vmem>>[vector<16xi32>, vector<16xi32>, vector<16xi32>], vector<16xf32>,
        %add3A_519 = arith.constant 4 : i32
        %add3A_520 = arith.addi %mul3A_440, %add3A_519 : i32
        %broadcast_in_dim3A_521 = arith.constant 0 : i32
        %broadcast_in_dim3A_522 = vector.broadcast %broadcast_in_dim3A_521 : i32 to vector<16xi32>
        %mul3A_523 = arith.constant 128 : i32
        %mul3A_524 = arith.muli %select_n3A, %mul3A_523 : i32
        %sub3A_525 = arith.subi %add3A_520, %mul3A_524 : i32
        %add3A_526 = vector.broadcast %sub3A_525 : i32 to vector<16xi32>
        %add3A_527 = arith.addi %broadcast_in_dim3A_522, %add3A_526 : vector<16xi32>
        %get3A_528 = arith.index_cast %add3A_520 : i32 to index
        %get3A_529 = arith.constant 0 : index
        %get3A_530 = tpu.vector_load %arg6[%get3A_528, %get3A_529] {strides = array<i32>} : memref<512x32xf32, #tpu.memory_space<vmem>>, vector<16xf32>,
        %get3A_531 = arith.index_cast %add3A_520 : i32 to index
        %get3A_532 = arith.constant 16 : index
        %get3A_533 = tpu.vector_load %arg6[%get3A_531, %get3A_532] {strides = array<i32>} : memref<512x32xf32, #tpu.memory_space<vmem>>, vector<16xf32>,
        tpu.vector_store_idx %arg8[%add3A_459, %iota3A, %add3A_527], %get3A_530 : memref<4x32x129xf32, #tpu.memory_space<vmem>>[vector<16xi32>, vector<16xi32>, vector<16xi32>], vector<16xf32>,
        tpu.vector_store_idx %arg8[%add3A_459, %add3A_5, %add3A_527], %get3A_533 : memref<4x32x129xf32, #tpu.memory_space<vmem>>[vector<16xi32>, vector<16xi32>, vector<16xi32>], vector<16xf32>,
        %add3A_534 = arith.constant 5 : i32
        %add3A_535 = arith.addi %mul3A_440, %add3A_534 : i32
        %broadcast_in_dim3A_536 = arith.constant 0 : i32
        %broadcast_in_dim3A_537 = vector.broadcast %broadcast_in_dim3A_536 : i32 to vector<16xi32>
        %mul3A_538 = arith.constant 128 : i32
        %mul3A_539 = arith.muli %select_n3A, %mul3A_538 : i32
        %sub3A_540 = arith.subi %add3A_535, %mul3A_539 : i32
        %add3A_541 = vector.broadcast %sub3A_540 : i32 to vector<16xi32>
        %add3A_542 = arith.addi %broadcast_in_dim3A_537, %add3A_541 : vector<16xi32>
        %get3A_543 = arith.index_cast %add3A_535 : i32 to index
        %get3A_544 = arith.constant 0 : index
        %get3A_545 = tpu.vector_load %arg6[%get3A_543, %get3A_544] {strides = array<i32>} : memref<512x32xf32, #tpu.memory_space<vmem>>, vector<16xf32>,
        %get3A_546 = arith.index_cast %add3A_535 : i32 to index
        %get3A_547 = arith.constant 16 : index
        %get3A_548 = tpu.vector_load %arg6[%get3A_546, %get3A_547] {strides = array<i32>} : memref<512x32xf32, #tpu.memory_space<vmem>>, vector<16xf32>,
        tpu.vector_store_idx %arg8[%add3A_459, %iota3A, %add3A_542], %get3A_545 : memref<4x32x129xf32, #tpu.memory_space<vmem>>[vector<16xi32>, vector<16xi32>, vector<16xi32>], vector<16xf32>,
        tpu.vector_store_idx %arg8[%add3A_459, %add3A_5, %add3A_542], %get3A_548 : memref<4x32x129xf32, #tpu.memory_space<vmem>>[vector<16xi32>, vector<16xi32>, vector<16xi32>], vector<16xf32>,
        %add3A_549 = arith.constant 6 : i32
        %add3A_550 = arith.addi %mul3A_440, %add3A_549 : i32
        %broadcast_in_dim3A_551 = arith.constant 0 : i32
        %broadcast_in_dim3A_552 = vector.broadcast %broadcast_in_dim3A_551 : i32 to vector<16xi32>
        %mul3A_553 = arith.constant 128 : i32
        %mul3A_554 = arith.muli %select_n3A, %mul3A_553 : i32
        %sub3A_555 = arith.subi %add3A_550, %mul3A_554 : i32
        %add3A_556 = vector.broadcast %sub3A_555 : i32 to vector<16xi32>
        %add3A_557 = arith.addi %broadcast_in_dim3A_552, %add3A_556 : vector<16xi32>
        %get3A_558 = arith.index_cast %add3A_550 : i32 to index
        %get3A_559 = arith.constant 0 : index
        %get3A_560 = tpu.vector_load %arg6[%get3A_558, %get3A_559] {strides = array<i32>} : memref<512x32xf32, #tpu.memory_space<vmem>>, vector<16xf32>,
        %get3A_561 = arith.index_cast %add3A_550 : i32 to index
        %get3A_562 = arith.constant 16 : index
        %get3A_563 = tpu.vector_load %arg6[%get3A_561, %get3A_562] {strides = array<i32>} : memref<512x32xf32, #tpu.memory_space<vmem>>, vector<16xf32>,
        tpu.vector_store_idx %arg8[%add3A_459, %iota3A, %add3A_557], %get3A_560 : memref<4x32x129xf32, #tpu.memory_space<vmem>>[vector<16xi32>, vector<16xi32>, vector<16xi32>], vector<16xf32>,
        tpu.vector_store_idx %arg8[%add3A_459, %add3A_5, %add3A_557], %get3A_563 : memref<4x32x129xf32, #tpu.memory_space<vmem>>[vector<16xi32>, vector<16xi32>, vector<16xi32>], vector<16xf32>,
        %add3A_564 = arith.constant 7 : i32
        %add3A_565 = arith.addi %mul3A_440, %add3A_564 : i32
        %broadcast_in_dim3A_566 = arith.constant 0 : i32
        %broadcast_in_dim3A_567 = vector.broadcast %broadcast_in_dim3A_566 : i32 to vector<16xi32>
        %mul3A_568 = arith.constant 128 : i32
        %mul3A_569 = arith.muli %select_n3A, %mul3A_568 : i32
        %sub3A_570 = arith.subi %add3A_565, %mul3A_569 : i32
        %add3A_571 = vector.broadcast %sub3A_570 : i32 to vector<16xi32>
        %add3A_572 = arith.addi %broadcast_in_dim3A_567, %add3A_571 : vector<16xi32>
        %get3A_573 = arith.index_cast %add3A_565 : i32 to index
        %get3A_574 = arith.constant 0 : index
        %get3A_575 = tpu.vector_load %arg6[%get3A_573, %get3A_574] {strides = array<i32>} : memref<512x32xf32, #tpu.memory_space<vmem>>, vector<16xf32>,
        %get3A_576 = arith.index_cast %add3A_565 : i32 to index
        %get3A_577 = arith.constant 16 : index
        %get3A_578 = tpu.vector_load %arg6[%get3A_576, %get3A_577] {strides = array<i32>} : memref<512x32xf32, #tpu.memory_space<vmem>>, vector<16xf32>,
        tpu.vector_store_idx %arg8[%add3A_459, %iota3A, %add3A_572], %get3A_575 : memref<4x32x129xf32, #tpu.memory_space<vmem>>[vector<16xi32>, vector<16xi32>, vector<16xi32>], vector<16xf32>,
        tpu.vector_store_idx %arg8[%add3A_459, %add3A_5, %add3A_572], %get3A_578 : memref<4x32x129xf32, #tpu.memory_space<vmem>>[vector<16xi32>, vector<16xi32>, vector<16xi32>], vector<16xf32>,
        %add3A_579 = arith.constant 8 : i32
        %add3A_580 = arith.addi %mul3A_440, %add3A_579 : i32
        %broadcast_in_dim3A_581 = arith.constant 0 : i32
        %broadcast_in_dim3A_582 = vector.broadcast %broadcast_in_dim3A_581 : i32 to vector<16xi32>
        %mul3A_583 = arith.constant 128 : i32
        %mul3A_584 = arith.muli %select_n3A, %mul3A_583 : i32
        %sub3A_585 = arith.subi %add3A_580, %mul3A_584 : i32
        %add3A_586 = vector.broadcast %sub3A_585 : i32 to vector<16xi32>
        %add3A_587 = arith.addi %broadcast_in_dim3A_582, %add3A_586 : vector<16xi32>
        %get3A_588 = arith.index_cast %add3A_580 : i32 to index
        %get3A_589 = arith.constant 0 : index
        %get3A_590 = tpu.vector_load %arg6[%get3A_588, %get3A_589] {strides = array<i32>} : memref<512x32xf32, #tpu.memory_space<vmem>>, vector<16xf32>,
        %get3A_591 = arith.index_cast %add3A_580 : i32 to index
        %get3A_592 = arith.constant 16 : index
        %get3A_593 = tpu.vector_load %arg6[%get3A_591, %get3A_592] {strides = array<i32>} : memref<512x32xf32, #tpu.memory_space<vmem>>, vector<16xf32>,
        tpu.vector_store_idx %arg8[%add3A_459, %iota3A, %add3A_587], %get3A_590 : memref<4x32x129xf32, #tpu.memory_space<vmem>>[vector<16xi32>, vector<16xi32>, vector<16xi32>], vector<16xf32>,
        tpu.vector_store_idx %arg8[%add3A_459, %add3A_5, %add3A_587], %get3A_593 : memref<4x32x129xf32, #tpu.memory_space<vmem>>[vector<16xi32>, vector<16xi32>, vector<16xi32>], vector<16xf32>,
        %add3A_594 = arith.constant 9 : i32
        %add3A_595 = arith.addi %mul3A_440, %add3A_594 : i32
        %broadcast_in_dim3A_596 = arith.constant 0 : i32
        %broadcast_in_dim3A_597 = vector.broadcast %broadcast_in_dim3A_596 : i32 to vector<16xi32>
        %mul3A_598 = arith.constant 128 : i32
        %mul3A_599 = arith.muli %select_n3A, %mul3A_598 : i32
        %sub3A_600 = arith.subi %add3A_595, %mul3A_599 : i32
        %add3A_601 = vector.broadcast %sub3A_600 : i32 to vector<16xi32>
        %add3A_602 = arith.addi %broadcast_in_dim3A_597, %add3A_601 : vector<16xi32>
        %get3A_603 = arith.index_cast %add3A_595 : i32 to index
        %get3A_604 = arith.constant 0 : index
        %get3A_605 = tpu.vector_load %arg6[%get3A_603, %get3A_604] {strides = array<i32>} : memref<512x32xf32, #tpu.memory_space<vmem>>, vector<16xf32>,
        %get3A_606 = arith.index_cast %add3A_595 : i32 to index
        %get3A_607 = arith.constant 16 : index
        %get3A_608 = tpu.vector_load %arg6[%get3A_606, %get3A_607] {strides = array<i32>} : memref<512x32xf32, #tpu.memory_space<vmem>>, vector<16xf32>,
        tpu.vector_store_idx %arg8[%add3A_459, %iota3A, %add3A_602], %get3A_605 : memref<4x32x129xf32, #tpu.memory_space<vmem>>[vector<16xi32>, vector<16xi32>, vector<16xi32>], vector<16xf32>,
        tpu.vector_store_idx %arg8[%add3A_459, %add3A_5, %add3A_602], %get3A_608 : memref<4x32x129xf32, #tpu.memory_space<vmem>>[vector<16xi32>, vector<16xi32>, vector<16xi32>], vector<16xf32>,
        %add3A_609 = arith.constant 10 : i32
        %add3A_610 = arith.addi %mul3A_440, %add3A_609 : i32
        %broadcast_in_dim3A_611 = arith.constant 0 : i32
        %broadcast_in_dim3A_612 = vector.broadcast %broadcast_in_dim3A_611 : i32 to vector<16xi32>
        %mul3A_613 = arith.constant 128 : i32
        %mul3A_614 = arith.muli %select_n3A, %mul3A_613 : i32
        %sub3A_615 = arith.subi %add3A_610, %mul3A_614 : i32
        %add3A_616 = vector.broadcast %sub3A_615 : i32 to vector<16xi32>
        %add3A_617 = arith.addi %broadcast_in_dim3A_612, %add3A_616 : vector<16xi32>
        %get3A_618 = arith.index_cast %add3A_610 : i32 to index
        %get3A_619 = arith.constant 0 : index
        %get3A_620 = tpu.vector_load %arg6[%get3A_618, %get3A_619] {strides = array<i32>} : memref<512x32xf32, #tpu.memory_space<vmem>>, vector<16xf32>,
        %get3A_621 = arith.index_cast %add3A_610 : i32 to index
        %get3A_622 = arith.constant 16 : index
        %get3A_623 = tpu.vector_load %arg6[%get3A_621, %get3A_622] {strides = array<i32>} : memref<512x32xf32, #tpu.memory_space<vmem>>, vector<16xf32>,
        tpu.vector_store_idx %arg8[%add3A_459, %iota3A, %add3A_617], %get3A_620 : memref<4x32x129xf32, #tpu.memory_space<vmem>>[vector<16xi32>, vector<16xi32>, vector<16xi32>], vector<16xf32>,
        tpu.vector_store_idx %arg8[%add3A_459, %add3A_5, %add3A_617], %get3A_623 : memref<4x32x129xf32, #tpu.memory_space<vmem>>[vector<16xi32>, vector<16xi32>, vector<16xi32>], vector<16xf32>,
        %add3A_624 = arith.constant 11 : i32
        %add3A_625 = arith.addi %mul3A_440, %add3A_624 : i32
        %broadcast_in_dim3A_626 = arith.constant 0 : i32
        %broadcast_in_dim3A_627 = vector.broadcast %broadcast_in_dim3A_626 : i32 to vector<16xi32>
        %mul3A_628 = arith.constant 128 : i32
        %mul3A_629 = arith.muli %select_n3A, %mul3A_628 : i32
        %sub3A_630 = arith.subi %add3A_625, %mul3A_629 : i32
        %add3A_631 = vector.broadcast %sub3A_630 : i32 to vector<16xi32>
        %add3A_632 = arith.addi %broadcast_in_dim3A_627, %add3A_631 : vector<16xi32>
        %get3A_633 = arith.index_cast %add3A_625 : i32 to index
        %get3A_634 = arith.constant 0 : index
        %get3A_635 = tpu.vector_load %arg6[%get3A_633, %get3A_634] {strides = array<i32>} : memref<512x32xf32, #tpu.memory_space<vmem>>, vector<16xf32>,
        %get3A_636 = arith.index_cast %add3A_625 : i32 to index
        %get3A_637 = arith.constant 16 : index
        %get3A_638 = tpu.vector_load %arg6[%get3A_636, %get3A_637] {strides = array<i32>} : memref<512x32xf32, #tpu.memory_space<vmem>>, vector<16xf32>,
        tpu.vector_store_idx %arg8[%add3A_459, %iota3A, %add3A_632], %get3A_635 : memref<4x32x129xf32, #tpu.memory_space<vmem>>[vector<16xi32>, vector<16xi32>, vector<16xi32>], vector<16xf32>,
        tpu.vector_store_idx %arg8[%add3A_459, %add3A_5, %add3A_632], %get3A_638 : memref<4x32x129xf32, #tpu.memory_space<vmem>>[vector<16xi32>, vector<16xi32>, vector<16xi32>], vector<16xf32>,
        %add3A_639 = arith.constant 12 : i32
        %add3A_640 = arith.addi %mul3A_440, %add3A_639 : i32
        %broadcast_in_dim3A_641 = arith.constant 0 : i32
        %broadcast_in_dim3A_642 = vector.broadcast %broadcast_in_dim3A_641 : i32 to vector<16xi32>
        %mul3A_643 = arith.constant 128 : i32
        %mul3A_644 = arith.muli %select_n3A, %mul3A_643 : i32
        %sub3A_645 = arith.subi %add3A_640, %mul3A_644 : i32
        %add3A_646 = vector.broadcast %sub3A_645 : i32 to vector<16xi32>
        %add3A_647 = arith.addi %broadcast_in_dim3A_642, %add3A_646 : vector<16xi32>
        %get3A_648 = arith.index_cast %add3A_640 : i32 to index
        %get3A_649 = arith.constant 0 : index
        %get3A_650 = tpu.vector_load %arg6[%get3A_648, %get3A_649] {strides = array<i32>} : memref<512x32xf32, #tpu.memory_space<vmem>>, vector<16xf32>,
        %get3A_651 = arith.index_cast %add3A_640 : i32 to index
        %get3A_652 = arith.constant 16 : index
        %get3A_653 = tpu.vector_load %arg6[%get3A_651, %get3A_652] {strides = array<i32>} : memref<512x32xf32, #tpu.memory_space<vmem>>, vector<16xf32>,
        tpu.vector_store_idx %arg8[%add3A_459, %iota3A, %add3A_647], %get3A_650 : memref<4x32x129xf32, #tpu.memory_space<vmem>>[vector<16xi32>, vector<16xi32>, vector<16xi32>], vector<16xf32>,
        tpu.vector_store_idx %arg8[%add3A_459, %add3A_5, %add3A_647], %get3A_653 : memref<4x32x129xf32, #tpu.memory_space<vmem>>[vector<16xi32>, vector<16xi32>, vector<16xi32>], vector<16xf32>,
        %add3A_654 = arith.constant 13 : i32
        %add3A_655 = arith.addi %mul3A_440, %add3A_654 : i32
        %broadcast_in_dim3A_656 = arith.constant 0 : i32
        %broadcast_in_dim3A_657 = vector.broadcast %broadcast_in_dim3A_656 : i32 to vector<16xi32>
        %mul3A_658 = arith.constant 128 : i32
        %mul3A_659 = arith.muli %select_n3A, %mul3A_658 : i32
        %sub3A_660 = arith.subi %add3A_655, %mul3A_659 : i32
        %add3A_661 = vector.broadcast %sub3A_660 : i32 to vector<16xi32>
        %add3A_662 = arith.addi %broadcast_in_dim3A_657, %add3A_661 : vector<16xi32>
        %get3A_663 = arith.index_cast %add3A_655 : i32 to index
        %get3A_664 = arith.constant 0 : index
        %get3A_665 = tpu.vector_load %arg6[%get3A_663, %get3A_664] {strides = array<i32>} : memref<512x32xf32, #tpu.memory_space<vmem>>, vector<16xf32>,
        %get3A_666 = arith.index_cast %add3A_655 : i32 to index
        %get3A_667 = arith.constant 16 : index
        %get3A_668 = tpu.vector_load %arg6[%get3A_666, %get3A_667] {strides = array<i32>} : memref<512x32xf32, #tpu.memory_space<vmem>>, vector<16xf32>,
        tpu.vector_store_idx %arg8[%add3A_459, %iota3A, %add3A_662], %get3A_665 : memref<4x32x129xf32, #tpu.memory_space<vmem>>[vector<16xi32>, vector<16xi32>, vector<16xi32>], vector<16xf32>,
        tpu.vector_store_idx %arg8[%add3A_459, %add3A_5, %add3A_662], %get3A_668 : memref<4x32x129xf32, #tpu.memory_space<vmem>>[vector<16xi32>, vector<16xi32>, vector<16xi32>], vector<16xf32>,
        %add3A_669 = arith.constant 14 : i32
        %add3A_670 = arith.addi %mul3A_440, %add3A_669 : i32
        %broadcast_in_dim3A_671 = arith.constant 0 : i32
        %broadcast_in_dim3A_672 = vector.broadcast %broadcast_in_dim3A_671 : i32 to vector<16xi32>
        %mul3A_673 = arith.constant 128 : i32
        %mul3A_674 = arith.muli %select_n3A, %mul3A_673 : i32
        %sub3A_675 = arith.subi %add3A_670, %mul3A_674 : i32
        %add3A_676 = vector.broadcast %sub3A_675 : i32 to vector<16xi32>
        %add3A_677 = arith.addi %broadcast_in_dim3A_672, %add3A_676 : vector<16xi32>
        %get3A_678 = arith.index_cast %add3A_670 : i32 to index
        %get3A_679 = arith.constant 0 : index
        %get3A_680 = tpu.vector_load %arg6[%get3A_678, %get3A_679] {strides = array<i32>} : memref<512x32xf32, #tpu.memory_space<vmem>>, vector<16xf32>,
        %get3A_681 = arith.index_cast %add3A_670 : i32 to index
        %get3A_682 = arith.constant 16 : index
        %get3A_683 = tpu.vector_load %arg6[%get3A_681, %get3A_682] {strides = array<i32>} : memref<512x32xf32, #tpu.memory_space<vmem>>, vector<16xf32>,
        tpu.vector_store_idx %arg8[%add3A_459, %iota3A, %add3A_677], %get3A_680 : memref<4x32x129xf32, #tpu.memory_space<vmem>>[vector<16xi32>, vector<16xi32>, vector<16xi32>], vector<16xf32>,
        tpu.vector_store_idx %arg8[%add3A_459, %add3A_5, %add3A_677], %get3A_683 : memref<4x32x129xf32, #tpu.memory_space<vmem>>[vector<16xi32>, vector<16xi32>, vector<16xi32>], vector<16xf32>,
        %add3A_684 = arith.constant 15 : i32
        %add3A_685 = arith.addi %mul3A_440, %add3A_684 : i32
        %broadcast_in_dim3A_686 = arith.constant 0 : i32
        %broadcast_in_dim3A_687 = vector.broadcast %broadcast_in_dim3A_686 : i32 to vector<16xi32>
        %mul3A_688 = arith.constant 128 : i32
        %mul3A_689 = arith.muli %select_n3A, %mul3A_688 : i32
        %sub3A_690 = arith.subi %add3A_685, %mul3A_689 : i32
        %add3A_691 = vector.broadcast %sub3A_690 : i32 to vector<16xi32>
        %add3A_692 = arith.addi %broadcast_in_dim3A_687, %add3A_691 : vector<16xi32>
        %get3A_693 = arith.index_cast %add3A_685 : i32 to index
        %get3A_694 = arith.constant 0 : index
        %get3A_695 = tpu.vector_load %arg6[%get3A_693, %get3A_694] {strides = array<i32>} : memref<512x32xf32, #tpu.memory_space<vmem>>, vector<16xf32>,
        %get3A_696 = arith.index_cast %add3A_685 : i32 to index
        %get3A_697 = arith.constant 16 : index
        %get3A_698 = tpu.vector_load %arg6[%get3A_696, %get3A_697] {strides = array<i32>} : memref<512x32xf32, #tpu.memory_space<vmem>>, vector<16xf32>,
        tpu.vector_store_idx %arg8[%add3A_459, %iota3A, %add3A_692], %get3A_695 : memref<4x32x129xf32, #tpu.memory_space<vmem>>[vector<16xi32>, vector<16xi32>, vector<16xi32>], vector<16xf32>,
        tpu.vector_store_idx %arg8[%add3A_459, %add3A_5, %add3A_692], %get3A_698 : memref<4x32x129xf32, #tpu.memory_space<vmem>>[vector<16xi32>, vector<16xi32>, vector<16xi32>], vector<16xf32>,
      }
      %scan3A_230 = arith.constant 32 : i32
      %mul3A_231 = arith.constant 4 : i32
      %mul3A_232 = arith.muli %add3A, %mul3A_231 : i32
      %mul3A_233 = arith.constant 4 : i32
      %mul3A_234 = arith.muli %add3A, %mul3A_233 : i32
      %mul3A_235 = arith.constant 4 : i32
      %mul3A_236 = arith.muli %add3A, %mul3A_235 : i32
      %mul3A_237 = arith.constant 4 : i32
      %mul3A_238 = arith.muli %add3A, %mul3A_237 : i32
      %dma_start3A_239 = arith.constant 0 : i32
      %dma_start3A_240 = arith.constant 0 : i32
      %dma_start3A_241 = arith.constant 0 : i32
      %dma_start3A_242 = arith.constant 0 : i32
      %dma_start3A_243 = arith.constant 0 : i32
      %dma_start3A_244 = tpu.memref_slice %arg8[%dma_start3A_241, %dma_start3A_242, %dma_start3A_243] : memref<4x32x129xf32, #tpu.memory_space<vmem>> -> memref<4x8x128xf32, #tpu.memory_space<vmem>>
      %dma_start3A_245 = arith.constant 0 : i32
      %dma_start3A_246 = arith.constant 0 : i32
      %dma_start3A_247 = tpu.memref_slice %arg4[%add3A_207, %dma_start3A_239, %mul3A_232, %dma_start3A_245, %dma_start3A_246] : memref<26x4x128x8x128xf32, #tpu.memory_space<hbm>> -> memref<1x1x4x8x128xf32, #tpu.memory_space<hbm>>
      %dma_start3A_248 = tpu.memref_squeeze %dma_start3A_247 : memref<1x1x4x8x128xf32, #tpu.memory_space<hbm>> -> memref<4x8x128xf32, #tpu.memory_space<hbm>>
      %dma_start3A_249 = tpu.memref_slice %arg11[%dma_start3A_240] : memref<2x!tpu.dma_semaphore, #tpu.memory_space<semaphore_mem>> -> memref<1x!tpu.dma_semaphore, #tpu.memory_space<semaphore_mem>>
      %dma_start3A_250 = tpu.memref_squeeze %dma_start3A_249 : memref<1x!tpu.dma_semaphore, #tpu.memory_space<semaphore_mem>> -> memref<!tpu.dma_semaphore, #tpu.memory_space<semaphore_mem>>
      %dma_start3A_251 = arith.constant 0 : i32
      %dma_start3A_252 = arith.constant 0 : i32
      %dma_start3A_253 = tpu.memref_slice %arg4[%add3A_207, %dma_start3A_239, %mul3A_232, %dma_start3A_251, %dma_start3A_252] : memref<26x4x128x8x128xf32, #tpu.memory_space<hbm>> -> memref<1x1x4x8x128xf32, #tpu.memory_space<hbm>>
      %dma_start3A_254 = tpu.memref_squeeze %dma_start3A_253 : memref<1x1x4x8x128xf32, #tpu.memory_space<hbm>> -> memref<4x8x128xf32, #tpu.memory_space<hbm>>
      %dma_start3A_255 = arith.constant 0 : i32
      %dma_start3A_256 = arith.constant 0 : i32
      %dma_start3A_257 = arith.constant 0 : i32
      %dma_start3A_258 = tpu.memref_slice %arg8[%dma_start3A_255, %dma_start3A_256, %dma_start3A_257] : memref<4x32x129xf32, #tpu.memory_space<vmem>> -> memref<4x8x128xf32, #tpu.memory_space<vmem>>
      tpu.enqueue_dma source(%dma_start3A_258 : memref<4x8x128xf32, #tpu.memory_space<vmem>>) target(%dma_start3A_254 : memref<4x8x128xf32, #tpu.memory_space<hbm>>) target_semaphore(%dma_start3A_250 : memref<!tpu.dma_semaphore, #tpu.memory_space<semaphore_mem>>)
      %dma_start3A_259 = arith.constant 1 : i32
      %dma_start3A_260 = arith.constant 0 : i32
      %dma_start3A_261 = arith.constant 0 : i32
      %dma_start3A_262 = arith.constant 8 : i32
      %dma_start3A_263 = arith.constant 0 : i32
      %dma_start3A_264 = tpu.memref_slice %arg8[%dma_start3A_261, %dma_start3A_262, %dma_start3A_263] : memref<4x32x129xf32, #tpu.memory_space<vmem>> -> memref<4x8x128xf32, #tpu.memory_space<vmem>>
      %dma_start3A_265 = arith.constant 0 : i32
      %dma_start3A_266 = arith.constant 0 : i32
      %dma_start3A_267 = tpu.memref_slice %arg4[%add3A_207, %dma_start3A_259, %mul3A_234, %dma_start3A_265, %dma_start3A_266] : memref<26x4x128x8x128xf32, #tpu.memory_space<hbm>> -> memref<1x1x4x8x128xf32, #tpu.memory_space<hbm>>
      %dma_start3A_268 = tpu.memref_squeeze %dma_start3A_267 : memref<1x1x4x8x128xf32, #tpu.memory_space<hbm>> -> memref<4x8x128xf32, #tpu.memory_space<hbm>>
      %dma_start3A_269 = tpu.memref_slice %arg11[%dma_start3A_260] : memref<2x!tpu.dma_semaphore, #tpu.memory_space<semaphore_mem>> -> memref<1x!tpu.dma_semaphore, #tpu.memory_space<semaphore_mem>>
      %dma_start3A_270 = tpu.memref_squeeze %dma_start3A_269 : memref<1x!tpu.dma_semaphore, #tpu.memory_space<semaphore_mem>> -> memref<!tpu.dma_semaphore, #tpu.memory_space<semaphore_mem>>
      %dma_start3A_271 = arith.constant 0 : i32
      %dma_start3A_272 = arith.constant 0 : i32
      %dma_start3A_273 = tpu.memref_slice %arg4[%add3A_207, %dma_start3A_259, %mul3A_234, %dma_start3A_271, %dma_start3A_272] : memref<26x4x128x8x128xf32, #tpu.memory_space<hbm>> -> memref<1x1x4x8x128xf32, #tpu.memory_space<hbm>>
      %dma_start3A_274 = tpu.memref_squeeze %dma_start3A_273 : memref<1x1x4x8x128xf32, #tpu.memory_space<hbm>> -> memref<4x8x128xf32, #tpu.memory_space<hbm>>
      %dma_start3A_275 = arith.constant 0 : i32
      %dma_start3A_276 = arith.constant 8 : i32
      %dma_start3A_277 = arith.constant 0 : i32
      %dma_start3A_278 = tpu.memref_slice %arg8[%dma_start3A_275, %dma_start3A_276, %dma_start3A_277] : memref<4x32x129xf32, #tpu.memory_space<vmem>> -> memref<4x8x128xf32, #tpu.memory_space<vmem>>
      tpu.enqueue_dma source(%dma_start3A_278 : memref<4x8x128xf32, #tpu.memory_space<vmem>>) target(%dma_start3A_274 : memref<4x8x128xf32, #tpu.memory_space<hbm>>) target_semaphore(%dma_start3A_270 : memref<!tpu.dma_semaphore, #tpu.memory_space<semaphore_mem>>)
      %dma_start3A_279 = arith.constant 2 : i32
      %dma_start3A_280 = arith.constant 0 : i32
      %dma_start3A_281 = arith.constant 0 : i32
      %dma_start3A_282 = arith.constant 16 : i32
      %dma_start3A_283 = arith.constant 0 : i32
      %dma_start3A_284 = tpu.memref_slice %arg8[%dma_start3A_281, %dma_start3A_282, %dma_start3A_283] : memref<4x32x129xf32, #tpu.memory_space<vmem>> -> memref<4x8x128xf32, #tpu.memory_space<vmem>>
      %dma_start3A_285 = arith.constant 0 : i32
      %dma_start3A_286 = arith.constant 0 : i32
      %dma_start3A_287 = tpu.memref_slice %arg4[%add3A_207, %dma_start3A_279, %mul3A_236, %dma_start3A_285, %dma_start3A_286] : memref<26x4x128x8x128xf32, #tpu.memory_space<hbm>> -> memref<1x1x4x8x128xf32, #tpu.memory_space<hbm>>
      %dma_start3A_288 = tpu.memref_squeeze %dma_start3A_287 : memref<1x1x4x8x128xf32, #tpu.memory_space<hbm>> -> memref<4x8x128xf32, #tpu.memory_space<hbm>>
      %dma_start3A_289 = tpu.memref_slice %arg11[%dma_start3A_280] : memref<2x!tpu.dma_semaphore, #tpu.memory_space<semaphore_mem>> -> memref<1x!tpu.dma_semaphore, #tpu.memory_space<semaphore_mem>>
      %dma_start3A_290 = tpu.memref_squeeze %dma_start3A_289 : memref<1x!tpu.dma_semaphore, #tpu.memory_space<semaphore_mem>> -> memref<!tpu.dma_semaphore, #tpu.memory_space<semaphore_mem>>
      %dma_start3A_291 = arith.constant 0 : i32
      %dma_start3A_292 = arith.constant 0 : i32
      %dma_start3A_293 = tpu.memref_slice %arg4[%add3A_207, %dma_start3A_279, %mul3A_236, %dma_start3A_291, %dma_start3A_292] : memref<26x4x128x8x128xf32, #tpu.memory_space<hbm>> -> memref<1x1x4x8x128xf32, #tpu.memory_space<hbm>>
      %dma_start3A_294 = tpu.memref_squeeze %dma_start3A_293 : memref<1x1x4x8x128xf32, #tpu.memory_space<hbm>> -> memref<4x8x128xf32, #tpu.memory_space<hbm>>
      %dma_start3A_295 = arith.constant 0 : i32
      %dma_start3A_296 = arith.constant 16 : i32
      %dma_start3A_297 = arith.constant 0 : i32
      %dma_start3A_298 = tpu.memref_slice %arg8[%dma_start3A_295, %dma_start3A_296, %dma_start3A_297] : memref<4x32x129xf32, #tpu.memory_space<vmem>> -> memref<4x8x128xf32, #tpu.memory_space<vmem>>
      tpu.enqueue_dma source(%dma_start3A_298 : memref<4x8x128xf32, #tpu.memory_space<vmem>>) target(%dma_start3A_294 : memref<4x8x128xf32, #tpu.memory_space<hbm>>) target_semaphore(%dma_start3A_290 : memref<!tpu.dma_semaphore, #tpu.memory_space<semaphore_mem>>)
      %dma_start3A_299 = arith.constant 3 : i32
      %dma_start3A_300 = arith.constant 0 : i32
      %dma_start3A_301 = arith.constant 0 : i32
      %dma_start3A_302 = arith.constant 24 : i32
      %dma_start3A_303 = arith.constant 0 : i32
      %dma_start3A_304 = tpu.memref_slice %arg8[%dma_start3A_301, %dma_start3A_302, %dma_start3A_303] : memref<4x32x129xf32, #tpu.memory_space<vmem>> -> memref<4x8x128xf32, #tpu.memory_space<vmem>>
      %dma_start3A_305 = arith.constant 0 : i32
      %dma_start3A_306 = arith.constant 0 : i32
      %dma_start3A_307 = tpu.memref_slice %arg4[%add3A_207, %dma_start3A_299, %mul3A_238, %dma_start3A_305, %dma_start3A_306] : memref<26x4x128x8x128xf32, #tpu.memory_space<hbm>> -> memref<1x1x4x8x128xf32, #tpu.memory_space<hbm>>
      %dma_start3A_308 = tpu.memref_squeeze %dma_start3A_307 : memref<1x1x4x8x128xf32, #tpu.memory_space<hbm>> -> memref<4x8x128xf32, #tpu.memory_space<hbm>>
      %dma_start3A_309 = tpu.memref_slice %arg11[%dma_start3A_300] : memref<2x!tpu.dma_semaphore, #tpu.memory_space<semaphore_mem>> -> memref<1x!tpu.dma_semaphore, #tpu.memory_space<semaphore_mem>>
      %dma_start3A_310 = tpu.memref_squeeze %dma_start3A_309 : memref<1x!tpu.dma_semaphore, #tpu.memory_space<semaphore_mem>> -> memref<!tpu.dma_semaphore, #tpu.memory_space<semaphore_mem>>
      %dma_start3A_311 = arith.constant 0 : i32
      %dma_start3A_312 = arith.constant 0 : i32
      %dma_start3A_313 = tpu.memref_slice %arg4[%add3A_207, %dma_start3A_299, %mul3A_238, %dma_start3A_311, %dma_start3A_312] : memref<26x4x128x8x128xf32, #tpu.memory_space<hbm>> -> memref<1x1x4x8x128xf32, #tpu.memory_space<hbm>>
      %dma_start3A_314 = tpu.memref_squeeze %dma_start3A_313 : memref<1x1x4x8x128xf32, #tpu.memory_space<hbm>> -> memref<4x8x128xf32, #tpu.memory_space<hbm>>
      %dma_start3A_315 = arith.constant 0 : i32
      %dma_start3A_316 = arith.constant 24 : i32
      %dma_start3A_317 = arith.constant 0 : i32
      %dma_start3A_318 = tpu.memref_slice %arg8[%dma_start3A_315, %dma_start3A_316, %dma_start3A_317] : memref<4x32x129xf32, #tpu.memory_space<vmem>> -> memref<4x8x128xf32, #tpu.memory_space<vmem>>
      tpu.enqueue_dma source(%dma_start3A_318 : memref<4x8x128xf32, #tpu.memory_space<vmem>>) target(%dma_start3A_314 : memref<4x8x128xf32, #tpu.memory_space<hbm>>) target_semaphore(%dma_start3A_310 : memref<!tpu.dma_semaphore, #tpu.memory_space<semaphore_mem>>)
      %mul3A_319 = arith.constant 2 : i32
      %mul3A_320 = arith.muli %mul3A_319, %scan3A_203 : i32
      %add3A_321 = arith.constant 1 : i32
      %add3A_322 = arith.addi %mul3A_320, %add3A_321 : i32
      %dma_wait3A_323 = arith.constant 1 : i32
      %dma_wait3A_324 = arith.constant 0 : i32
      %dma_wait3A_325 = tpu.memref_slice %arg5[%add3A_322, %dma_wait3A_324] : memref<26x512xi32, #tpu.memory_space<vmem>> -> memref<1x512xi32, #tpu.memory_space<vmem>>
      %dma_wait3A_326 = tpu.memref_squeeze %dma_wait3A_325 : memref<1x512xi32, #tpu.memory_space<vmem>> -> memref<512xi32, #tpu.memory_space<vmem>>
      %dma_wait3A_327 = arith.constant 0 : i32
      %dma_wait3A_328 = arith.constant 0 : i32
      %dma_wait3A_329 = tpu.memref_slice %arg2[%dma_wait3A_327, %dma_wait3A_328] : memref<1000000x32xf32, #tpu.memory_space<hbm>> -> memref<1000000x32xf32, #tpu.memory_space<hbm>>
      %dma_wait3A_330 = tpu.memref_slice %arg10[%dma_wait3A_323] : memref<2x!tpu.dma_semaphore, #tpu.memory_space<semaphore_mem>> -> memref<1x!tpu.dma_semaphore, #tpu.memory_space<semaphore_mem>>
      %dma_wait3A_331 = tpu.memref_squeeze %dma_wait3A_330 : memref<1x!tpu.dma_semaphore, #tpu.memory_space<semaphore_mem>> -> memref<!tpu.dma_semaphore, #tpu.memory_space<semaphore_mem>>
      tpu.wait_indirect_dma semaphore(%dma_wait3A_331 : memref<!tpu.dma_semaphore, #tpu.memory_space<semaphore_mem>>) src(%dma_wait3A_329 : memref<1000000x32xf32, #tpu.memory_space<hbm>>) dst(%arg7 : memref<512x32xf32, #tpu.memory_space<vmem>>)
      %add3A_332 = arith.constant 1 : i32
      %add3A_333 = arith.addi %add3A_322, %add3A_332 : i32
      %lt3A_334 = arith.constant 26 : i32
      %lt3A_335 = arith.cmpi slt, %add3A_333, %lt3A_334 : i32
      %convert_element_type3A_336 = arith.extui %lt3A_335 : i1 to i32
      %cond3A_337 = arith.constant 0 : i32
      %cond3A_338 = arith.cmpi ne, %convert_element_type3A_336, %cond3A_337 : i32
      scf.if %cond3A_338 {
        %add3A_438 = arith.constant 1 : i32
        %add3A_439 = arith.addi %add3A_322, %add3A_438 : i32
        %dma_start3A_440 = arith.constant 0 : i32
        %dma_start3A_441 = arith.constant 0 : i32
        %dma_start3A_442 = tpu.memref_slice %arg5[%add3A_439, %dma_start3A_441] : memref<26x512xi32, #tpu.memory_space<vmem>> -> memref<1x512xi32, #tpu.memory_space<vmem>>
        %dma_start3A_443 = tpu.memref_squeeze %dma_start3A_442 : memref<1x512xi32, #tpu.memory_space<vmem>> -> memref<512xi32, #tpu.memory_space<vmem>>
        %dma_start3A_444 = arith.constant 0 : i32
        %dma_start3A_445 = arith.constant 0 : i32
        %dma_start3A_446 = tpu.memref_slice %arg2[%dma_start3A_444, %dma_start3A_445] : memref<1000000x32xf32, #tpu.memory_space<hbm>> -> memref<1000000x32xf32, #tpu.memory_space<hbm>>
        %dma_start3A_447 = tpu.memref_slice %arg10[%dma_start3A_440] : memref<2x!tpu.dma_semaphore, #tpu.memory_space<semaphore_mem>> -> memref<1x!tpu.dma_semaphore, #tpu.memory_space<semaphore_mem>>
        %dma_start3A_448 = tpu.memref_squeeze %dma_start3A_447 : memref<1x!tpu.dma_semaphore, #tpu.memory_space<semaphore_mem>> -> memref<!tpu.dma_semaphore, #tpu.memory_space<semaphore_mem>>
        tpu.enqueue_indirect_dma source(%dma_start3A_446 : memref<1000000x32xf32, #tpu.memory_space<hbm>>) target(%arg6 : memref<512x32xf32, #tpu.memory_space<vmem>>) offsets(%dma_start3A_443 : memref<512xi32, #tpu.memory_space<vmem>>) semaphore(%dma_start3A_448 : memref<!tpu.dma_semaphore, #tpu.memory_space<semaphore_mem>>)
      } else {
      }
      %ge3A_339 = arith.constant 1 : i32
      %ge3A_340 = arith.cmpi sge, %scan3A_203, %ge3A_339 : i32
      %convert_element_type3A_341 = arith.extui %ge3A_340 : i1 to i32
      %cond3A_342 = arith.constant 0 : i32
      %cond3A_343 = arith.cmpi ne, %convert_element_type3A_341, %cond3A_342 : i32
      scf.if %cond3A_343 {
        %sub3A = arith.constant 2 : i32
        %sub3A_438 = arith.subi %add3A_322, %sub3A : i32
        %mul3A_439 = arith.constant 4 : i32
        %mul3A_440 = arith.muli %add3A, %mul3A_439 : i32
        %mul3A_441 = arith.constant 4 : i32
        %mul3A_442 = arith.muli %add3A, %mul3A_441 : i32
        %mul3A_443 = arith.constant 4 : i32
        %mul3A_444 = arith.muli %add3A, %mul3A_443 : i32
        %mul3A_445 = arith.constant 4 : i32
        %mul3A_446 = arith.muli %add3A, %mul3A_445 : i32
        %dma_wait3A_447 = arith.constant 0 : i32
        %dma_wait3A_448 = arith.constant 1 : i32
        %dma_wait3A_449 = arith.constant 0 : i32
        %dma_wait3A_450 = arith.constant 0 : i32
        %dma_wait3A_451 = arith.constant 0 : i32
        %dma_wait3A_452 = tpu.memref_slice %arg9[%dma_wait3A_449, %dma_wait3A_450, %dma_wait3A_451] : memref<4x32x129xf32, #tpu.memory_space<vmem>> -> memref<4x8x128xf32, #tpu.memory_space<vmem>>
        %dma_wait3A_453 = arith.constant 0 : i32
        %dma_wait3A_454 = arith.constant 0 : i32
        %dma_wait3A_455 = tpu.memref_slice %arg4[%sub3A_438, %dma_wait3A_447, %mul3A_440, %dma_wait3A_453, %dma_wait3A_454] : memref<26x4x128x8x128xf32, #tpu.memory_space<hbm>> -> memref<1x1x4x8x128xf32, #tpu.memory_space<hbm>>
        %dma_wait3A_456 = tpu.memref_squeeze %dma_wait3A_455 : memref<1x1x4x8x128xf32, #tpu.memory_space<hbm>> -> memref<4x8x128xf32, #tpu.memory_space<hbm>>
        %dma_wait3A_457 = tpu.memref_slice %arg11[%dma_wait3A_448] : memref<2x!tpu.dma_semaphore, #tpu.memory_space<semaphore_mem>> -> memref<1x!tpu.dma_semaphore, #tpu.memory_space<semaphore_mem>>
        %dma_wait3A_458 = tpu.memref_squeeze %dma_wait3A_457 : memref<1x!tpu.dma_semaphore, #tpu.memory_space<semaphore_mem>> -> memref<!tpu.dma_semaphore, #tpu.memory_space<semaphore_mem>>
        %dma_wait3A_459 = arith.constant 0 : i32
        %dma_wait3A_460 = arith.constant 0 : i32
        %dma_wait3A_461 = tpu.memref_slice %arg4[%sub3A_438, %dma_wait3A_447, %mul3A_440, %dma_wait3A_459, %dma_wait3A_460] : memref<26x4x128x8x128xf32, #tpu.memory_space<hbm>> -> memref<1x1x4x8x128xf32, #tpu.memory_space<hbm>>
        %dma_wait3A_462 = tpu.memref_squeeze %dma_wait3A_461 : memref<1x1x4x8x128xf32, #tpu.memory_space<hbm>> -> memref<4x8x128xf32, #tpu.memory_space<hbm>>
        %dma_wait3A_463 = arith.constant 0 : i32
        %dma_wait3A_464 = arith.constant 0 : i32
        %dma_wait3A_465 = arith.constant 0 : i32
        %dma_wait3A_466 = tpu.memref_slice %arg9[%dma_wait3A_463, %dma_wait3A_464, %dma_wait3A_465] : memref<4x32x129xf32, #tpu.memory_space<vmem>> -> memref<4x8x128xf32, #tpu.memory_space<vmem>>
        tpu.wait_dma2 semaphore(%dma_wait3A_458 : memref<!tpu.dma_semaphore, #tpu.memory_space<semaphore_mem>>) src(%dma_wait3A_466 : memref<4x8x128xf32, #tpu.memory_space<vmem>>) dst(%dma_wait3A_462 : memref<4x8x128xf32, #tpu.memory_space<hbm>>)
        %dma_wait3A_467 = arith.constant 1 : i32
        %dma_wait3A_468 = arith.constant 1 : i32
        %dma_wait3A_469 = arith.constant 0 : i32
        %dma_wait3A_470 = arith.constant 8 : i32
        %dma_wait3A_471 = arith.constant 0 : i32
        %dma_wait3A_472 = tpu.memref_slice %arg9[%dma_wait3A_469, %dma_wait3A_470, %dma_wait3A_471] : memref<4x32x129xf32, #tpu.memory_space<vmem>> -> memref<4x8x128xf32, #tpu.memory_space<vmem>>
        %dma_wait3A_473 = arith.constant 0 : i32
        %dma_wait3A_474 = arith.constant 0 : i32
        %dma_wait3A_475 = tpu.memref_slice %arg4[%sub3A_438, %dma_wait3A_467, %mul3A_442, %dma_wait3A_473, %dma_wait3A_474] : memref<26x4x128x8x128xf32, #tpu.memory_space<hbm>> -> memref<1x1x4x8x128xf32, #tpu.memory_space<hbm>>
        %dma_wait3A_476 = tpu.memref_squeeze %dma_wait3A_475 : memref<1x1x4x8x128xf32, #tpu.memory_space<hbm>> -> memref<4x8x128xf32, #tpu.memory_space<hbm>>
        %dma_wait3A_477 = tpu.memref_slice %arg11[%dma_wait3A_468] : memref<2x!tpu.dma_semaphore, #tpu.memory_space<semaphore_mem>> -> memref<1x!tpu.dma_semaphore, #tpu.memory_space<semaphore_mem>>
        %dma_wait3A_478 = tpu.memref_squeeze %dma_wait3A_477 : memref<1x!tpu.dma_semaphore, #tpu.memory_space<semaphore_mem>> -> memref<!tpu.dma_semaphore, #tpu.memory_space<semaphore_mem>>
        %dma_wait3A_479 = arith.constant 0 : i32
        %dma_wait3A_480 = arith.constant 0 : i32
        %dma_wait3A_481 = tpu.memref_slice %arg4[%sub3A_438, %dma_wait3A_467, %mul3A_442, %dma_wait3A_479, %dma_wait3A_480] : memref<26x4x128x8x128xf32, #tpu.memory_space<hbm>> -> memref<1x1x4x8x128xf32, #tpu.memory_space<hbm>>
        %dma_wait3A_482 = tpu.memref_squeeze %dma_wait3A_481 : memref<1x1x4x8x128xf32, #tpu.memory_space<hbm>> -> memref<4x8x128xf32, #tpu.memory_space<hbm>>
        %dma_wait3A_483 = arith.constant 0 : i32
        %dma_wait3A_484 = arith.constant 8 : i32
        %dma_wait3A_485 = arith.constant 0 : i32
        %dma_wait3A_486 = tpu.memref_slice %arg9[%dma_wait3A_483, %dma_wait3A_484, %dma_wait3A_485] : memref<4x32x129xf32, #tpu.memory_space<vmem>> -> memref<4x8x128xf32, #tpu.memory_space<vmem>>
        tpu.wait_dma2 semaphore(%dma_wait3A_478 : memref<!tpu.dma_semaphore, #tpu.memory_space<semaphore_mem>>) src(%dma_wait3A_486 : memref<4x8x128xf32, #tpu.memory_space<vmem>>) dst(%dma_wait3A_482 : memref<4x8x128xf32, #tpu.memory_space<hbm>>)
        %dma_wait3A_487 = arith.constant 2 : i32
        %dma_wait3A_488 = arith.constant 1 : i32
        %dma_wait3A_489 = arith.constant 0 : i32
        %dma_wait3A_490 = arith.constant 16 : i32
        %dma_wait3A_491 = arith.constant 0 : i32
        %dma_wait3A_492 = tpu.memref_slice %arg9[%dma_wait3A_489, %dma_wait3A_490, %dma_wait3A_491] : memref<4x32x129xf32, #tpu.memory_space<vmem>> -> memref<4x8x128xf32, #tpu.memory_space<vmem>>
        %dma_wait3A_493 = arith.constant 0 : i32
        %dma_wait3A_494 = arith.constant 0 : i32
        %dma_wait3A_495 = tpu.memref_slice %arg4[%sub3A_438, %dma_wait3A_487, %mul3A_444, %dma_wait3A_493, %dma_wait3A_494] : memref<26x4x128x8x128xf32, #tpu.memory_space<hbm>> -> memref<1x1x4x8x128xf32, #tpu.memory_space<hbm>>
        %dma_wait3A_496 = tpu.memref_squeeze %dma_wait3A_495 : memref<1x1x4x8x128xf32, #tpu.memory_space<hbm>> -> memref<4x8x128xf32, #tpu.memory_space<hbm>>
        %dma_wait3A_497 = tpu.memref_slice %arg11[%dma_wait3A_488] : memref<2x!tpu.dma_semaphore, #tpu.memory_space<semaphore_mem>> -> memref<1x!tpu.dma_semaphore, #tpu.memory_space<semaphore_mem>>
        %dma_wait3A_498 = tpu.memref_squeeze %dma_wait3A_497 : memref<1x!tpu.dma_semaphore, #tpu.memory_space<semaphore_mem>> -> memref<!tpu.dma_semaphore, #tpu.memory_space<semaphore_mem>>
        %dma_wait3A_499 = arith.constant 0 : i32
        %dma_wait3A_500 = arith.constant 0 : i32
        %dma_wait3A_501 = tpu.memref_slice %arg4[%sub3A_438, %dma_wait3A_487, %mul3A_444, %dma_wait3A_499, %dma_wait3A_500] : memref<26x4x128x8x128xf32, #tpu.memory_space<hbm>> -> memref<1x1x4x8x128xf32, #tpu.memory_space<hbm>>
        %dma_wait3A_502 = tpu.memref_squeeze %dma_wait3A_501 : memref<1x1x4x8x128xf32, #tpu.memory_space<hbm>> -> memref<4x8x128xf32, #tpu.memory_space<hbm>>
        %dma_wait3A_503 = arith.constant 0 : i32
        %dma_wait3A_504 = arith.constant 16 : i32
        %dma_wait3A_505 = arith.constant 0 : i32
        %dma_wait3A_506 = tpu.memref_slice %arg9[%dma_wait3A_503, %dma_wait3A_504, %dma_wait3A_505] : memref<4x32x129xf32, #tpu.memory_space<vmem>> -> memref<4x8x128xf32, #tpu.memory_space<vmem>>
        tpu.wait_dma2 semaphore(%dma_wait3A_498 : memref<!tpu.dma_semaphore, #tpu.memory_space<semaphore_mem>>) src(%dma_wait3A_506 : memref<4x8x128xf32, #tpu.memory_space<vmem>>) dst(%dma_wait3A_502 : memref<4x8x128xf32, #tpu.memory_space<hbm>>)
        %dma_wait3A_507 = arith.constant 3 : i32
        %dma_wait3A_508 = arith.constant 1 : i32
        %dma_wait3A_509 = arith.constant 0 : i32
        %dma_wait3A_510 = arith.constant 24 : i32
        %dma_wait3A_511 = arith.constant 0 : i32
        %dma_wait3A_512 = tpu.memref_slice %arg9[%dma_wait3A_509, %dma_wait3A_510, %dma_wait3A_511] : memref<4x32x129xf32, #tpu.memory_space<vmem>> -> memref<4x8x128xf32, #tpu.memory_space<vmem>>
        %dma_wait3A_513 = arith.constant 0 : i32
        %dma_wait3A_514 = arith.constant 0 : i32
        %dma_wait3A_515 = tpu.memref_slice %arg4[%sub3A_438, %dma_wait3A_507, %mul3A_446, %dma_wait3A_513, %dma_wait3A_514] : memref<26x4x128x8x128xf32, #tpu.memory_space<hbm>> -> memref<1x1x4x8x128xf32, #tpu.memory_space<hbm>>
        %dma_wait3A_516 = tpu.memref_squeeze %dma_wait3A_515 : memref<1x1x4x8x128xf32, #tpu.memory_space<hbm>> -> memref<4x8x128xf32, #tpu.memory_space<hbm>>
        %dma_wait3A_517 = tpu.memref_slice %arg11[%dma_wait3A_508] : memref<2x!tpu.dma_semaphore, #tpu.memory_space<semaphore_mem>> -> memref<1x!tpu.dma_semaphore, #tpu.memory_space<semaphore_mem>>
        %dma_wait3A_518 = tpu.memref_squeeze %dma_wait3A_517 : memref<1x!tpu.dma_semaphore, #tpu.memory_space<semaphore_mem>> -> memref<!tpu.dma_semaphore, #tpu.memory_space<semaphore_mem>>
        %dma_wait3A_519 = arith.constant 0 : i32
        %dma_wait3A_520 = arith.constant 0 : i32
        %dma_wait3A_521 = tpu.memref_slice %arg4[%sub3A_438, %dma_wait3A_507, %mul3A_446, %dma_wait3A_519, %dma_wait3A_520] : memref<26x4x128x8x128xf32, #tpu.memory_space<hbm>> -> memref<1x1x4x8x128xf32, #tpu.memory_space<hbm>>
        %dma_wait3A_522 = tpu.memref_squeeze %dma_wait3A_521 : memref<1x1x4x8x128xf32, #tpu.memory_space<hbm>> -> memref<4x8x128xf32, #tpu.memory_space<hbm>>
        %dma_wait3A_523 = arith.constant 0 : i32
        %dma_wait3A_524 = arith.constant 24 : i32
        %dma_wait3A_525 = arith.constant 0 : i32
        %dma_wait3A_526 = tpu.memref_slice %arg9[%dma_wait3A_523, %dma_wait3A_524, %dma_wait3A_525] : memref<4x32x129xf32, #tpu.memory_space<vmem>> -> memref<4x8x128xf32, #tpu.memory_space<vmem>>
        tpu.wait_dma2 semaphore(%dma_wait3A_518 : memref<!tpu.dma_semaphore, #tpu.memory_space<semaphore_mem>>) src(%dma_wait3A_526 : memref<4x8x128xf32, #tpu.memory_space<vmem>>) dst(%dma_wait3A_522 : memref<4x8x128xf32, #tpu.memory_space<hbm>>)
      } else {
      }
      %scan3A_344 = arith.constant 0 : i32
      %scan3A_345 = arith.constant 0 : i32
      %scan3A_346 = arith.constant 32 : i32
      %scan3A_347 = arith.addi %scan3A_345, %scan3A_346 : i32
      %scan3A_348 = arith.constant 1 : i32
      scf.for %scan3A_438 = %scan3A_345 to %scan3A_347 step %scan3A_348  : i32 {
        %mul3A_439 = arith.constant 16 : i32
        %mul3A_440 = arith.muli %scan3A_438, %mul3A_439 : i32
        %jit3A = arith.constant 8 : i32
        %div3A = arith.divsi %scan3A_438, %jit3A : i32
        %sign3A = arith.constant 0 : i32
        %sign3A_441 = arith.cmpi sgt, %scan3A_438, %sign3A : i32
        %sign3A_442 = arith.extui %sign3A_441 : i1 to i32
        %sign3A_443 = arith.constant 0 : i32
        %sign3A_444 = arith.cmpi slt, %scan3A_438, %sign3A_443 : i32
        %sign3A_445 = arith.extui %sign3A_444 : i1 to i32
        %sign3A_446 = arith.subi %sign3A_442, %sign3A_445 : i32
        %sign3A_447 = arith.constant 0 : i32
        %sign3A_448 = arith.cmpi sgt, %jit3A, %sign3A_447 : i32
        %sign3A_449 = arith.extui %sign3A_448 : i1 to i32
        %sign3A_450 = arith.constant 0 : i32
        %sign3A_451 = arith.cmpi slt, %jit3A, %sign3A_450 : i32
        %sign3A_452 = arith.extui %sign3A_451 : i1 to i32
        %sign3A_453 = arith.subi %sign3A_449, %sign3A_452 : i32
        %ne3A = arith.cmpi ne, %sign3A_446, %sign3A_453 : i32
        %rem3A = arith.remsi %scan3A_438, %jit3A : i32
        %ne3A_454 = arith.constant 0 : i32
        %ne3A_455 = arith.cmpi ne, %rem3A, %ne3A_454 : i32
        %and3A = arith.andi %ne3A, %ne3A_455 : i1
        %sub3A = arith.constant 1 : i32
        %sub3A_456 = arith.subi %div3A, %sub3A : i32
        %select_n3A = arith.select %and3A, %sub3A_456, %div3A : i32
        %broadcast_in_dim3A = arith.constant 0 : i32
        %broadcast_in_dim3A_457 = vector.broadcast %broadcast_in_dim3A : i32 to vector<16xi32>
        %add3A_458 = vector.broadcast %select_n3A : i32 to vector<16xi32>
        %add3A_459 = arith.addi %broadcast_in_dim3A_457, %add3A_458 : vector<16xi32>
        %add3A_460 = arith.constant 0 : i32
        %add3A_461 = arith.addi %mul3A_440, %add3A_460 : i32
        %broadcast_in_dim3A_462 = arith.constant 0 : i32
        %broadcast_in_dim3A_463 = vector.broadcast %broadcast_in_dim3A_462 : i32 to vector<16xi32>
        %mul3A_464 = arith.constant 128 : i32
        %mul3A_465 = arith.muli %select_n3A, %mul3A_464 : i32
        %sub3A_466 = arith.subi %add3A_461, %mul3A_465 : i32
        %add3A_467 = vector.broadcast %sub3A_466 : i32 to vector<16xi32>
        %add3A_468 = arith.addi %broadcast_in_dim3A_463, %add3A_467 : vector<16xi32>
        %get3A = arith.index_cast %add3A_461 : i32 to index
        %get3A_469 = arith.constant 0 : index
        %get3A_470 = tpu.vector_load %arg7[%get3A, %get3A_469] {strides = array<i32>} : memref<512x32xf32, #tpu.memory_space<vmem>>, vector<16xf32>,
        %get3A_471 = arith.index_cast %add3A_461 : i32 to index
        %get3A_472 = arith.constant 16 : index
        %get3A_473 = tpu.vector_load %arg7[%get3A_471, %get3A_472] {strides = array<i32>} : memref<512x32xf32, #tpu.memory_space<vmem>>, vector<16xf32>,
        tpu.vector_store_idx %arg9[%add3A_459, %iota3A, %add3A_468], %get3A_470 : memref<4x32x129xf32, #tpu.memory_space<vmem>>[vector<16xi32>, vector<16xi32>, vector<16xi32>], vector<16xf32>,
        tpu.vector_store_idx %arg9[%add3A_459, %add3A_5, %add3A_468], %get3A_473 : memref<4x32x129xf32, #tpu.memory_space<vmem>>[vector<16xi32>, vector<16xi32>, vector<16xi32>], vector<16xf32>,
        %add3A_474 = arith.constant 1 : i32
        %add3A_475 = arith.addi %mul3A_440, %add3A_474 : i32
        %broadcast_in_dim3A_476 = arith.constant 0 : i32
        %broadcast_in_dim3A_477 = vector.broadcast %broadcast_in_dim3A_476 : i32 to vector<16xi32>
        %mul3A_478 = arith.constant 128 : i32
        %mul3A_479 = arith.muli %select_n3A, %mul3A_478 : i32
        %sub3A_480 = arith.subi %add3A_475, %mul3A_479 : i32
        %add3A_481 = vector.broadcast %sub3A_480 : i32 to vector<16xi32>
        %add3A_482 = arith.addi %broadcast_in_dim3A_477, %add3A_481 : vector<16xi32>
        %get3A_483 = arith.index_cast %add3A_475 : i32 to index
        %get3A_484 = arith.constant 0 : index
        %get3A_485 = tpu.vector_load %arg7[%get3A_483, %get3A_484] {strides = array<i32>} : memref<512x32xf32, #tpu.memory_space<vmem>>, vector<16xf32>,
        %get3A_486 = arith.index_cast %add3A_475 : i32 to index
        %get3A_487 = arith.constant 16 : index
        %get3A_488 = tpu.vector_load %arg7[%get3A_486, %get3A_487] {strides = array<i32>} : memref<512x32xf32, #tpu.memory_space<vmem>>, vector<16xf32>,
        tpu.vector_store_idx %arg9[%add3A_459, %iota3A, %add3A_482], %get3A_485 : memref<4x32x129xf32, #tpu.memory_space<vmem>>[vector<16xi32>, vector<16xi32>, vector<16xi32>], vector<16xf32>,
        tpu.vector_store_idx %arg9[%add3A_459, %add3A_5, %add3A_482], %get3A_488 : memref<4x32x129xf32, #tpu.memory_space<vmem>>[vector<16xi32>, vector<16xi32>, vector<16xi32>], vector<16xf32>,
        %add3A_489 = arith.constant 2 : i32
        %add3A_490 = arith.addi %mul3A_440, %add3A_489 : i32
        %broadcast_in_dim3A_491 = arith.constant 0 : i32
        %broadcast_in_dim3A_492 = vector.broadcast %broadcast_in_dim3A_491 : i32 to vector<16xi32>
        %mul3A_493 = arith.constant 128 : i32
        %mul3A_494 = arith.muli %select_n3A, %mul3A_493 : i32
        %sub3A_495 = arith.subi %add3A_490, %mul3A_494 : i32
        %add3A_496 = vector.broadcast %sub3A_495 : i32 to vector<16xi32>
        %add3A_497 = arith.addi %broadcast_in_dim3A_492, %add3A_496 : vector<16xi32>
        %get3A_498 = arith.index_cast %add3A_490 : i32 to index
        %get3A_499 = arith.constant 0 : index
        %get3A_500 = tpu.vector_load %arg7[%get3A_498, %get3A_499] {strides = array<i32>} : memref<512x32xf32, #tpu.memory_space<vmem>>, vector<16xf32>,
        %get3A_501 = arith.index_cast %add3A_490 : i32 to index
        %get3A_502 = arith.constant 16 : index
        %get3A_503 = tpu.vector_load %arg7[%get3A_501, %get3A_502] {strides = array<i32>} : memref<512x32xf32, #tpu.memory_space<vmem>>, vector<16xf32>,
        tpu.vector_store_idx %arg9[%add3A_459, %iota3A, %add3A_497], %get3A_500 : memref<4x32x129xf32, #tpu.memory_space<vmem>>[vector<16xi32>, vector<16xi32>, vector<16xi32>], vector<16xf32>,
        tpu.vector_store_idx %arg9[%add3A_459, %add3A_5, %add3A_497], %get3A_503 : memref<4x32x129xf32, #tpu.memory_space<vmem>>[vector<16xi32>, vector<16xi32>, vector<16xi32>], vector<16xf32>,
        %add3A_504 = arith.constant 3 : i32
        %add3A_505 = arith.addi %mul3A_440, %add3A_504 : i32
        %broadcast_in_dim3A_506 = arith.constant 0 : i32
        %broadcast_in_dim3A_507 = vector.broadcast %broadcast_in_dim3A_506 : i32 to vector<16xi32>
        %mul3A_508 = arith.constant 128 : i32
        %mul3A_509 = arith.muli %select_n3A, %mul3A_508 : i32
        %sub3A_510 = arith.subi %add3A_505, %mul3A_509 : i32
        %add3A_511 = vector.broadcast %sub3A_510 : i32 to vector<16xi32>
        %add3A_512 = arith.addi %broadcast_in_dim3A_507, %add3A_511 : vector<16xi32>
        %get3A_513 = arith.index_cast %add3A_505 : i32 to index
        %get3A_514 = arith.constant 0 : index
        %get3A_515 = tpu.vector_load %arg7[%get3A_513, %get3A_514] {strides = array<i32>} : memref<512x32xf32, #tpu.memory_space<vmem>>, vector<16xf32>,
        %get3A_516 = arith.index_cast %add3A_505 : i32 to index
        %get3A_517 = arith.constant 16 : index
        %get3A_518 = tpu.vector_load %arg7[%get3A_516, %get3A_517] {strides = array<i32>} : memref<512x32xf32, #tpu.memory_space<vmem>>, vector<16xf32>,
        tpu.vector_store_idx %arg9[%add3A_459, %iota3A, %add3A_512], %get3A_515 : memref<4x32x129xf32, #tpu.memory_space<vmem>>[vector<16xi32>, vector<16xi32>, vector<16xi32>], vector<16xf32>,
        tpu.vector_store_idx %arg9[%add3A_459, %add3A_5, %add3A_512], %get3A_518 : memref<4x32x129xf32, #tpu.memory_space<vmem>>[vector<16xi32>, vector<16xi32>, vector<16xi32>], vector<16xf32>,
        %add3A_519 = arith.constant 4 : i32
        %add3A_520 = arith.addi %mul3A_440, %add3A_519 : i32
        %broadcast_in_dim3A_521 = arith.constant 0 : i32
        %broadcast_in_dim3A_522 = vector.broadcast %broadcast_in_dim3A_521 : i32 to vector<16xi32>
        %mul3A_523 = arith.constant 128 : i32
        %mul3A_524 = arith.muli %select_n3A, %mul3A_523 : i32
        %sub3A_525 = arith.subi %add3A_520, %mul3A_524 : i32
        %add3A_526 = vector.broadcast %sub3A_525 : i32 to vector<16xi32>
        %add3A_527 = arith.addi %broadcast_in_dim3A_522, %add3A_526 : vector<16xi32>
        %get3A_528 = arith.index_cast %add3A_520 : i32 to index
        %get3A_529 = arith.constant 0 : index
        %get3A_530 = tpu.vector_load %arg7[%get3A_528, %get3A_529] {strides = array<i32>} : memref<512x32xf32, #tpu.memory_space<vmem>>, vector<16xf32>,
        %get3A_531 = arith.index_cast %add3A_520 : i32 to index
        %get3A_532 = arith.constant 16 : index
        %get3A_533 = tpu.vector_load %arg7[%get3A_531, %get3A_532] {strides = array<i32>} : memref<512x32xf32, #tpu.memory_space<vmem>>, vector<16xf32>,
        tpu.vector_store_idx %arg9[%add3A_459, %iota3A, %add3A_527], %get3A_530 : memref<4x32x129xf32, #tpu.memory_space<vmem>>[vector<16xi32>, vector<16xi32>, vector<16xi32>], vector<16xf32>,
        tpu.vector_store_idx %arg9[%add3A_459, %add3A_5, %add3A_527], %get3A_533 : memref<4x32x129xf32, #tpu.memory_space<vmem>>[vector<16xi32>, vector<16xi32>, vector<16xi32>], vector<16xf32>,
        %add3A_534 = arith.constant 5 : i32
        %add3A_535 = arith.addi %mul3A_440, %add3A_534 : i32
        %broadcast_in_dim3A_536 = arith.constant 0 : i32
        %broadcast_in_dim3A_537 = vector.broadcast %broadcast_in_dim3A_536 : i32 to vector<16xi32>
        %mul3A_538 = arith.constant 128 : i32
        %mul3A_539 = arith.muli %select_n3A, %mul3A_538 : i32
        %sub3A_540 = arith.subi %add3A_535, %mul3A_539 : i32
        %add3A_541 = vector.broadcast %sub3A_540 : i32 to vector<16xi32>
        %add3A_542 = arith.addi %broadcast_in_dim3A_537, %add3A_541 : vector<16xi32>
        %get3A_543 = arith.index_cast %add3A_535 : i32 to index
        %get3A_544 = arith.constant 0 : index
        %get3A_545 = tpu.vector_load %arg7[%get3A_543, %get3A_544] {strides = array<i32>} : memref<512x32xf32, #tpu.memory_space<vmem>>, vector<16xf32>,
        %get3A_546 = arith.index_cast %add3A_535 : i32 to index
        %get3A_547 = arith.constant 16 : index
        %get3A_548 = tpu.vector_load %arg7[%get3A_546, %get3A_547] {strides = array<i32>} : memref<512x32xf32, #tpu.memory_space<vmem>>, vector<16xf32>,
        tpu.vector_store_idx %arg9[%add3A_459, %iota3A, %add3A_542], %get3A_545 : memref<4x32x129xf32, #tpu.memory_space<vmem>>[vector<16xi32>, vector<16xi32>, vector<16xi32>], vector<16xf32>,
        tpu.vector_store_idx %arg9[%add3A_459, %add3A_5, %add3A_542], %get3A_548 : memref<4x32x129xf32, #tpu.memory_space<vmem>>[vector<16xi32>, vector<16xi32>, vector<16xi32>], vector<16xf32>,
        %add3A_549 = arith.constant 6 : i32
        %add3A_550 = arith.addi %mul3A_440, %add3A_549 : i32
        %broadcast_in_dim3A_551 = arith.constant 0 : i32
        %broadcast_in_dim3A_552 = vector.broadcast %broadcast_in_dim3A_551 : i32 to vector<16xi32>
        %mul3A_553 = arith.constant 128 : i32
        %mul3A_554 = arith.muli %select_n3A, %mul3A_553 : i32
        %sub3A_555 = arith.subi %add3A_550, %mul3A_554 : i32
        %add3A_556 = vector.broadcast %sub3A_555 : i32 to vector<16xi32>
        %add3A_557 = arith.addi %broadcast_in_dim3A_552, %add3A_556 : vector<16xi32>
        %get3A_558 = arith.index_cast %add3A_550 : i32 to index
        %get3A_559 = arith.constant 0 : index
        %get3A_560 = tpu.vector_load %arg7[%get3A_558, %get3A_559] {strides = array<i32>} : memref<512x32xf32, #tpu.memory_space<vmem>>, vector<16xf32>,
        %get3A_561 = arith.index_cast %add3A_550 : i32 to index
        %get3A_562 = arith.constant 16 : index
        %get3A_563 = tpu.vector_load %arg7[%get3A_561, %get3A_562] {strides = array<i32>} : memref<512x32xf32, #tpu.memory_space<vmem>>, vector<16xf32>,
        tpu.vector_store_idx %arg9[%add3A_459, %iota3A, %add3A_557], %get3A_560 : memref<4x32x129xf32, #tpu.memory_space<vmem>>[vector<16xi32>, vector<16xi32>, vector<16xi32>], vector<16xf32>,
        tpu.vector_store_idx %arg9[%add3A_459, %add3A_5, %add3A_557], %get3A_563 : memref<4x32x129xf32, #tpu.memory_space<vmem>>[vector<16xi32>, vector<16xi32>, vector<16xi32>], vector<16xf32>,
        %add3A_564 = arith.constant 7 : i32
        %add3A_565 = arith.addi %mul3A_440, %add3A_564 : i32
        %broadcast_in_dim3A_566 = arith.constant 0 : i32
        %broadcast_in_dim3A_567 = vector.broadcast %broadcast_in_dim3A_566 : i32 to vector<16xi32>
        %mul3A_568 = arith.constant 128 : i32
        %mul3A_569 = arith.muli %select_n3A, %mul3A_568 : i32
        %sub3A_570 = arith.subi %add3A_565, %mul3A_569 : i32
        %add3A_571 = vector.broadcast %sub3A_570 : i32 to vector<16xi32>
        %add3A_572 = arith.addi %broadcast_in_dim3A_567, %add3A_571 : vector<16xi32>
        %get3A_573 = arith.index_cast %add3A_565 : i32 to index
        %get3A_574 = arith.constant 0 : index
        %get3A_575 = tpu.vector_load %arg7[%get3A_573, %get3A_574] {strides = array<i32>} : memref<512x32xf32, #tpu.memory_space<vmem>>, vector<16xf32>,
        %get3A_576 = arith.index_cast %add3A_565 : i32 to index
        %get3A_577 = arith.constant 16 : index
        %get3A_578 = tpu.vector_load %arg7[%get3A_576, %get3A_577] {strides = array<i32>} : memref<512x32xf32, #tpu.memory_space<vmem>>, vector<16xf32>,
        tpu.vector_store_idx %arg9[%add3A_459, %iota3A, %add3A_572], %get3A_575 : memref<4x32x129xf32, #tpu.memory_space<vmem>>[vector<16xi32>, vector<16xi32>, vector<16xi32>], vector<16xf32>,
        tpu.vector_store_idx %arg9[%add3A_459, %add3A_5, %add3A_572], %get3A_578 : memref<4x32x129xf32, #tpu.memory_space<vmem>>[vector<16xi32>, vector<16xi32>, vector<16xi32>], vector<16xf32>,
        %add3A_579 = arith.constant 8 : i32
        %add3A_580 = arith.addi %mul3A_440, %add3A_579 : i32
        %broadcast_in_dim3A_581 = arith.constant 0 : i32
        %broadcast_in_dim3A_582 = vector.broadcast %broadcast_in_dim3A_581 : i32 to vector<16xi32>
        %mul3A_583 = arith.constant 128 : i32
        %mul3A_584 = arith.muli %select_n3A, %mul3A_583 : i32
        %sub3A_585 = arith.subi %add3A_580, %mul3A_584 : i32
        %add3A_586 = vector.broadcast %sub3A_585 : i32 to vector<16xi32>
        %add3A_587 = arith.addi %broadcast_in_dim3A_582, %add3A_586 : vector<16xi32>
        %get3A_588 = arith.index_cast %add3A_580 : i32 to index
        %get3A_589 = arith.constant 0 : index
        %get3A_590 = tpu.vector_load %arg7[%get3A_588, %get3A_589] {strides = array<i32>} : memref<512x32xf32, #tpu.memory_space<vmem>>, vector<16xf32>,
        %get3A_591 = arith.index_cast %add3A_580 : i32 to index
        %get3A_592 = arith.constant 16 : index
        %get3A_593 = tpu.vector_load %arg7[%get3A_591, %get3A_592] {strides = array<i32>} : memref<512x32xf32, #tpu.memory_space<vmem>>, vector<16xf32>,
        tpu.vector_store_idx %arg9[%add3A_459, %iota3A, %add3A_587], %get3A_590 : memref<4x32x129xf32, #tpu.memory_space<vmem>>[vector<16xi32>, vector<16xi32>, vector<16xi32>], vector<16xf32>,
        tpu.vector_store_idx %arg9[%add3A_459, %add3A_5, %add3A_587], %get3A_593 : memref<4x32x129xf32, #tpu.memory_space<vmem>>[vector<16xi32>, vector<16xi32>, vector<16xi32>], vector<16xf32>,
        %add3A_594 = arith.constant 9 : i32
        %add3A_595 = arith.addi %mul3A_440, %add3A_594 : i32
        %broadcast_in_dim3A_596 = arith.constant 0 : i32
        %broadcast_in_dim3A_597 = vector.broadcast %broadcast_in_dim3A_596 : i32 to vector<16xi32>
        %mul3A_598 = arith.constant 128 : i32
        %mul3A_599 = arith.muli %select_n3A, %mul3A_598 : i32
        %sub3A_600 = arith.subi %add3A_595, %mul3A_599 : i32
        %add3A_601 = vector.broadcast %sub3A_600 : i32 to vector<16xi32>
        %add3A_602 = arith.addi %broadcast_in_dim3A_597, %add3A_601 : vector<16xi32>
        %get3A_603 = arith.index_cast %add3A_595 : i32 to index
        %get3A_604 = arith.constant 0 : index
        %get3A_605 = tpu.vector_load %arg7[%get3A_603, %get3A_604] {strides = array<i32>} : memref<512x32xf32, #tpu.memory_space<vmem>>, vector<16xf32>,
        %get3A_606 = arith.index_cast %add3A_595 : i32 to index
        %get3A_607 = arith.constant 16 : index
        %get3A_608 = tpu.vector_load %arg7[%get3A_606, %get3A_607] {strides = array<i32>} : memref<512x32xf32, #tpu.memory_space<vmem>>, vector<16xf32>,
        tpu.vector_store_idx %arg9[%add3A_459, %iota3A, %add3A_602], %get3A_605 : memref<4x32x129xf32, #tpu.memory_space<vmem>>[vector<16xi32>, vector<16xi32>, vector<16xi32>], vector<16xf32>,
        tpu.vector_store_idx %arg9[%add3A_459, %add3A_5, %add3A_602], %get3A_608 : memref<4x32x129xf32, #tpu.memory_space<vmem>>[vector<16xi32>, vector<16xi32>, vector<16xi32>], vector<16xf32>,
        %add3A_609 = arith.constant 10 : i32
        %add3A_610 = arith.addi %mul3A_440, %add3A_609 : i32
        %broadcast_in_dim3A_611 = arith.constant 0 : i32
        %broadcast_in_dim3A_612 = vector.broadcast %broadcast_in_dim3A_611 : i32 to vector<16xi32>
        %mul3A_613 = arith.constant 128 : i32
        %mul3A_614 = arith.muli %select_n3A, %mul3A_613 : i32
        %sub3A_615 = arith.subi %add3A_610, %mul3A_614 : i32
        %add3A_616 = vector.broadcast %sub3A_615 : i32 to vector<16xi32>
        %add3A_617 = arith.addi %broadcast_in_dim3A_612, %add3A_616 : vector<16xi32>
        %get3A_618 = arith.index_cast %add3A_610 : i32 to index
        %get3A_619 = arith.constant 0 : index
        %get3A_620 = tpu.vector_load %arg7[%get3A_618, %get3A_619] {strides = array<i32>} : memref<512x32xf32, #tpu.memory_space<vmem>>, vector<16xf32>,
        %get3A_621 = arith.index_cast %add3A_610 : i32 to index
        %get3A_622 = arith.constant 16 : index
        %get3A_623 = tpu.vector_load %arg7[%get3A_621, %get3A_622] {strides = array<i32>} : memref<512x32xf32, #tpu.memory_space<vmem>>, vector<16xf32>,
        tpu.vector_store_idx %arg9[%add3A_459, %iota3A, %add3A_617], %get3A_620 : memref<4x32x129xf32, #tpu.memory_space<vmem>>[vector<16xi32>, vector<16xi32>, vector<16xi32>], vector<16xf32>,
        tpu.vector_store_idx %arg9[%add3A_459, %add3A_5, %add3A_617], %get3A_623 : memref<4x32x129xf32, #tpu.memory_space<vmem>>[vector<16xi32>, vector<16xi32>, vector<16xi32>], vector<16xf32>,
        %add3A_624 = arith.constant 11 : i32
        %add3A_625 = arith.addi %mul3A_440, %add3A_624 : i32
        %broadcast_in_dim3A_626 = arith.constant 0 : i32
        %broadcast_in_dim3A_627 = vector.broadcast %broadcast_in_dim3A_626 : i32 to vector<16xi32>
        %mul3A_628 = arith.constant 128 : i32
        %mul3A_629 = arith.muli %select_n3A, %mul3A_628 : i32
        %sub3A_630 = arith.subi %add3A_625, %mul3A_629 : i32
        %add3A_631 = vector.broadcast %sub3A_630 : i32 to vector<16xi32>
        %add3A_632 = arith.addi %broadcast_in_dim3A_627, %add3A_631 : vector<16xi32>
        %get3A_633 = arith.index_cast %add3A_625 : i32 to index
        %get3A_634 = arith.constant 0 : index
        %get3A_635 = tpu.vector_load %arg7[%get3A_633, %get3A_634] {strides = array<i32>} : memref<512x32xf32, #tpu.memory_space<vmem>>, vector<16xf32>,
        %get3A_636 = arith.index_cast %add3A_625 : i32 to index
        %get3A_637 = arith.constant 16 : index
        %get3A_638 = tpu.vector_load %arg7[%get3A_636, %get3A_637] {strides = array<i32>} : memref<512x32xf32, #tpu.memory_space<vmem>>, vector<16xf32>,
        tpu.vector_store_idx %arg9[%add3A_459, %iota3A, %add3A_632], %get3A_635 : memref<4x32x129xf32, #tpu.memory_space<vmem>>[vector<16xi32>, vector<16xi32>, vector<16xi32>], vector<16xf32>,
        tpu.vector_store_idx %arg9[%add3A_459, %add3A_5, %add3A_632], %get3A_638 : memref<4x32x129xf32, #tpu.memory_space<vmem>>[vector<16xi32>, vector<16xi32>, vector<16xi32>], vector<16xf32>,
        %add3A_639 = arith.constant 12 : i32
        %add3A_640 = arith.addi %mul3A_440, %add3A_639 : i32
        %broadcast_in_dim3A_641 = arith.constant 0 : i32
        %broadcast_in_dim3A_642 = vector.broadcast %broadcast_in_dim3A_641 : i32 to vector<16xi32>
        %mul3A_643 = arith.constant 128 : i32
        %mul3A_644 = arith.muli %select_n3A, %mul3A_643 : i32
        %sub3A_645 = arith.subi %add3A_640, %mul3A_644 : i32
        %add3A_646 = vector.broadcast %sub3A_645 : i32 to vector<16xi32>
        %add3A_647 = arith.addi %broadcast_in_dim3A_642, %add3A_646 : vector<16xi32>
        %get3A_648 = arith.index_cast %add3A_640 : i32 to index
        %get3A_649 = arith.constant 0 : index
        %get3A_650 = tpu.vector_load %arg7[%get3A_648, %get3A_649] {strides = array<i32>} : memref<512x32xf32, #tpu.memory_space<vmem>>, vector<16xf32>,
        %get3A_651 = arith.index_cast %add3A_640 : i32 to index
        %get3A_652 = arith.constant 16 : index
        %get3A_653 = tpu.vector_load %arg7[%get3A_651, %get3A_652] {strides = array<i32>} : memref<512x32xf32, #tpu.memory_space<vmem>>, vector<16xf32>,
        tpu.vector_store_idx %arg9[%add3A_459, %iota3A, %add3A_647], %get3A_650 : memref<4x32x129xf32, #tpu.memory_space<vmem>>[vector<16xi32>, vector<16xi32>, vector<16xi32>], vector<16xf32>,
        tpu.vector_store_idx %arg9[%add3A_459, %add3A_5, %add3A_647], %get3A_653 : memref<4x32x129xf32, #tpu.memory_space<vmem>>[vector<16xi32>, vector<16xi32>, vector<16xi32>], vector<16xf32>,
        %add3A_654 = arith.constant 13 : i32
        %add3A_655 = arith.addi %mul3A_440, %add3A_654 : i32
        %broadcast_in_dim3A_656 = arith.constant 0 : i32
        %broadcast_in_dim3A_657 = vector.broadcast %broadcast_in_dim3A_656 : i32 to vector<16xi32>
        %mul3A_658 = arith.constant 128 : i32
        %mul3A_659 = arith.muli %select_n3A, %mul3A_658 : i32
        %sub3A_660 = arith.subi %add3A_655, %mul3A_659 : i32
        %add3A_661 = vector.broadcast %sub3A_660 : i32 to vector<16xi32>
        %add3A_662 = arith.addi %broadcast_in_dim3A_657, %add3A_661 : vector<16xi32>
        %get3A_663 = arith.index_cast %add3A_655 : i32 to index
        %get3A_664 = arith.constant 0 : index
        %get3A_665 = tpu.vector_load %arg7[%get3A_663, %get3A_664] {strides = array<i32>} : memref<512x32xf32, #tpu.memory_space<vmem>>, vector<16xf32>,
        %get3A_666 = arith.index_cast %add3A_655 : i32 to index
        %get3A_667 = arith.constant 16 : index
        %get3A_668 = tpu.vector_load %arg7[%get3A_666, %get3A_667] {strides = array<i32>} : memref<512x32xf32, #tpu.memory_space<vmem>>, vector<16xf32>,
        tpu.vector_store_idx %arg9[%add3A_459, %iota3A, %add3A_662], %get3A_665 : memref<4x32x129xf32, #tpu.memory_space<vmem>>[vector<16xi32>, vector<16xi32>, vector<16xi32>], vector<16xf32>,
        tpu.vector_store_idx %arg9[%add3A_459, %add3A_5, %add3A_662], %get3A_668 : memref<4x32x129xf32, #tpu.memory_space<vmem>>[vector<16xi32>, vector<16xi32>, vector<16xi32>], vector<16xf32>,
        %add3A_669 = arith.constant 14 : i32
        %add3A_670 = arith.addi %mul3A_440, %add3A_669 : i32
        %broadcast_in_dim3A_671 = arith.constant 0 : i32
        %broadcast_in_dim3A_672 = vector.broadcast %broadcast_in_dim3A_671 : i32 to vector<16xi32>
        %mul3A_673 = arith.constant 128 : i32
        %mul3A_674 = arith.muli %select_n3A, %mul3A_673 : i32
        %sub3A_675 = arith.subi %add3A_670, %mul3A_674 : i32
        %add3A_676 = vector.broadcast %sub3A_675 : i32 to vector<16xi32>
        %add3A_677 = arith.addi %broadcast_in_dim3A_672, %add3A_676 : vector<16xi32>
        %get3A_678 = arith.index_cast %add3A_670 : i32 to index
        %get3A_679 = arith.constant 0 : index
        %get3A_680 = tpu.vector_load %arg7[%get3A_678, %get3A_679] {strides = array<i32>} : memref<512x32xf32, #tpu.memory_space<vmem>>, vector<16xf32>,
        %get3A_681 = arith.index_cast %add3A_670 : i32 to index
        %get3A_682 = arith.constant 16 : index
        %get3A_683 = tpu.vector_load %arg7[%get3A_681, %get3A_682] {strides = array<i32>} : memref<512x32xf32, #tpu.memory_space<vmem>>, vector<16xf32>,
        tpu.vector_store_idx %arg9[%add3A_459, %iota3A, %add3A_677], %get3A_680 : memref<4x32x129xf32, #tpu.memory_space<vmem>>[vector<16xi32>, vector<16xi32>, vector<16xi32>], vector<16xf32>,
        tpu.vector_store_idx %arg9[%add3A_459, %add3A_5, %add3A_677], %get3A_683 : memref<4x32x129xf32, #tpu.memory_space<vmem>>[vector<16xi32>, vector<16xi32>, vector<16xi32>], vector<16xf32>,
        %add3A_684 = arith.constant 15 : i32
        %add3A_685 = arith.addi %mul3A_440, %add3A_684 : i32
        %broadcast_in_dim3A_686 = arith.constant 0 : i32
        %broadcast_in_dim3A_687 = vector.broadcast %broadcast_in_dim3A_686 : i32 to vector<16xi32>
        %mul3A_688 = arith.constant 128 : i32
        %mul3A_689 = arith.muli %select_n3A, %mul3A_688 : i32
        %sub3A_690 = arith.subi %add3A_685, %mul3A_689 : i32
        %add3A_691 = vector.broadcast %sub3A_690 : i32 to vector<16xi32>
        %add3A_692 = arith.addi %broadcast_in_dim3A_687, %add3A_691 : vector<16xi32>
        %get3A_693 = arith.index_cast %add3A_685 : i32 to index
        %get3A_694 = arith.constant 0 : index
        %get3A_695 = tpu.vector_load %arg7[%get3A_693, %get3A_694] {strides = array<i32>} : memref<512x32xf32, #tpu.memory_space<vmem>>, vector<16xf32>,
        %get3A_696 = arith.index_cast %add3A_685 : i32 to index
        %get3A_697 = arith.constant 16 : index
        %get3A_698 = tpu.vector_load %arg7[%get3A_696, %get3A_697] {strides = array<i32>} : memref<512x32xf32, #tpu.memory_space<vmem>>, vector<16xf32>,
        tpu.vector_store_idx %arg9[%add3A_459, %iota3A, %add3A_692], %get3A_695 : memref<4x32x129xf32, #tpu.memory_space<vmem>>[vector<16xi32>, vector<16xi32>, vector<16xi32>], vector<16xf32>,
        tpu.vector_store_idx %arg9[%add3A_459, %add3A_5, %add3A_692], %get3A_698 : memref<4x32x129xf32, #tpu.memory_space<vmem>>[vector<16xi32>, vector<16xi32>, vector<16xi32>], vector<16xf32>,
      }
      %scan3A_349 = arith.constant 32 : i32
      %mul3A_350 = arith.constant 4 : i32
      %mul3A_351 = arith.muli %add3A, %mul3A_350 : i32
      %mul3A_352 = arith.constant 4 : i32
      %mul3A_353 = arith.muli %add3A, %mul3A_352 : i32
      %mul3A_354 = arith.constant 4 : i32
      %mul3A_355 = arith.muli %add3A, %mul3A_354 : i32
      %mul3A_356 = arith.constant 4 : i32
      %mul3A_357 = arith.muli %add3A, %mul3A_356 : i32
      %dma_start3A_358 = arith.constant 0 : i32
      %dma_start3A_359 = arith.constant 1 : i32
      %dma_start3A_360 = arith.constant 0 : i32
      %dma_start3A_361 = arith.constant 0 : i32
      %dma_start3A_362 = arith.constant 0 : i32
      %dma_start3A_363 = tpu.memref_slice %arg9[%dma_start3A_360, %dma_start3A_361, %dma_start3A_362] : memref<4x32x129xf32, #tpu.memory_space<vmem>> -> memref<4x8x128xf32, #tpu.memory_space<vmem>>
      %dma_start3A_364 = arith.constant 0 : i32
      %dma_start3A_365 = arith.constant 0 : i32
      %dma_start3A_366 = tpu.memref_slice %arg4[%add3A_322, %dma_start3A_358, %mul3A_351, %dma_start3A_364, %dma_start3A_365] : memref<26x4x128x8x128xf32, #tpu.memory_space<hbm>> -> memref<1x1x4x8x128xf32, #tpu.memory_space<hbm>>
      %dma_start3A_367 = tpu.memref_squeeze %dma_start3A_366 : memref<1x1x4x8x128xf32, #tpu.memory_space<hbm>> -> memref<4x8x128xf32, #tpu.memory_space<hbm>>
      %dma_start3A_368 = tpu.memref_slice %arg11[%dma_start3A_359] : memref<2x!tpu.dma_semaphore, #tpu.memory_space<semaphore_mem>> -> memref<1x!tpu.dma_semaphore, #tpu.memory_space<semaphore_mem>>
      %dma_start3A_369 = tpu.memref_squeeze %dma_start3A_368 : memref<1x!tpu.dma_semaphore, #tpu.memory_space<semaphore_mem>> -> memref<!tpu.dma_semaphore, #tpu.memory_space<semaphore_mem>>
      %dma_start3A_370 = arith.constant 0 : i32
      %dma_start3A_371 = arith.constant 0 : i32
      %dma_start3A_372 = tpu.memref_slice %arg4[%add3A_322, %dma_start3A_358, %mul3A_351, %dma_start3A_370, %dma_start3A_371] : memref<26x4x128x8x128xf32, #tpu.memory_space<hbm>> -> memref<1x1x4x8x128xf32, #tpu.memory_space<hbm>>
      %dma_start3A_373 = tpu.memref_squeeze %dma_start3A_372 : memref<1x1x4x8x128xf32, #tpu.memory_space<hbm>> -> memref<4x8x128xf32, #tpu.memory_space<hbm>>
      %dma_start3A_374 = arith.constant 0 : i32
      %dma_start3A_375 = arith.constant 0 : i32
      %dma_start3A_376 = arith.constant 0 : i32
      %dma_start3A_377 = tpu.memref_slice %arg9[%dma_start3A_374, %dma_start3A_375, %dma_start3A_376] : memref<4x32x129xf32, #tpu.memory_space<vmem>> -> memref<4x8x128xf32, #tpu.memory_space<vmem>>
      tpu.enqueue_dma source(%dma_start3A_377 : memref<4x8x128xf32, #tpu.memory_space<vmem>>) target(%dma_start3A_373 : memref<4x8x128xf32, #tpu.memory_space<hbm>>) target_semaphore(%dma_start3A_369 : memref<!tpu.dma_semaphore, #tpu.memory_space<semaphore_mem>>)
      %dma_start3A_378 = arith.constant 1 : i32
      %dma_start3A_379 = arith.constant 1 : i32
      %dma_start3A_380 = arith.constant 0 : i32
      %dma_start3A_381 = arith.constant 8 : i32
      %dma_start3A_382 = arith.constant 0 : i32
      %dma_start3A_383 = tpu.memref_slice %arg9[%dma_start3A_380, %dma_start3A_381, %dma_start3A_382] : memref<4x32x129xf32, #tpu.memory_space<vmem>> -> memref<4x8x128xf32, #tpu.memory_space<vmem>>
      %dma_start3A_384 = arith.constant 0 : i32
      %dma_start3A_385 = arith.constant 0 : i32
      %dma_start3A_386 = tpu.memref_slice %arg4[%add3A_322, %dma_start3A_378, %mul3A_353, %dma_start3A_384, %dma_start3A_385] : memref<26x4x128x8x128xf32, #tpu.memory_space<hbm>> -> memref<1x1x4x8x128xf32, #tpu.memory_space<hbm>>
      %dma_start3A_387 = tpu.memref_squeeze %dma_start3A_386 : memref<1x1x4x8x128xf32, #tpu.memory_space<hbm>> -> memref<4x8x128xf32, #tpu.memory_space<hbm>>
      %dma_start3A_388 = tpu.memref_slice %arg11[%dma_start3A_379] : memref<2x!tpu.dma_semaphore, #tpu.memory_space<semaphore_mem>> -> memref<1x!tpu.dma_semaphore, #tpu.memory_space<semaphore_mem>>
      %dma_start3A_389 = tpu.memref_squeeze %dma_start3A_388 : memref<1x!tpu.dma_semaphore, #tpu.memory_space<semaphore_mem>> -> memref<!tpu.dma_semaphore, #tpu.memory_space<semaphore_mem>>
      %dma_start3A_390 = arith.constant 0 : i32
      %dma_start3A_391 = arith.constant 0 : i32
      %dma_start3A_392 = tpu.memref_slice %arg4[%add3A_322, %dma_start3A_378, %mul3A_353, %dma_start3A_390, %dma_start3A_391] : memref<26x4x128x8x128xf32, #tpu.memory_space<hbm>> -> memref<1x1x4x8x128xf32, #tpu.memory_space<hbm>>
      %dma_start3A_393 = tpu.memref_squeeze %dma_start3A_392 : memref<1x1x4x8x128xf32, #tpu.memory_space<hbm>> -> memref<4x8x128xf32, #tpu.memory_space<hbm>>
      %dma_start3A_394 = arith.constant 0 : i32
      %dma_start3A_395 = arith.constant 8 : i32
      %dma_start3A_396 = arith.constant 0 : i32
      %dma_start3A_397 = tpu.memref_slice %arg9[%dma_start3A_394, %dma_start3A_395, %dma_start3A_396] : memref<4x32x129xf32, #tpu.memory_space<vmem>> -> memref<4x8x128xf32, #tpu.memory_space<vmem>>
      tpu.enqueue_dma source(%dma_start3A_397 : memref<4x8x128xf32, #tpu.memory_space<vmem>>) target(%dma_start3A_393 : memref<4x8x128xf32, #tpu.memory_space<hbm>>) target_semaphore(%dma_start3A_389 : memref<!tpu.dma_semaphore, #tpu.memory_space<semaphore_mem>>)
      %dma_start3A_398 = arith.constant 2 : i32
      %dma_start3A_399 = arith.constant 1 : i32
      %dma_start3A_400 = arith.constant 0 : i32
      %dma_start3A_401 = arith.constant 16 : i32
      %dma_start3A_402 = arith.constant 0 : i32
      %dma_start3A_403 = tpu.memref_slice %arg9[%dma_start3A_400, %dma_start3A_401, %dma_start3A_402] : memref<4x32x129xf32, #tpu.memory_space<vmem>> -> memref<4x8x128xf32, #tpu.memory_space<vmem>>
      %dma_start3A_404 = arith.constant 0 : i32
      %dma_start3A_405 = arith.constant 0 : i32
      %dma_start3A_406 = tpu.memref_slice %arg4[%add3A_322, %dma_start3A_398, %mul3A_355, %dma_start3A_404, %dma_start3A_405] : memref<26x4x128x8x128xf32, #tpu.memory_space<hbm>> -> memref<1x1x4x8x128xf32, #tpu.memory_space<hbm>>
      %dma_start3A_407 = tpu.memref_squeeze %dma_start3A_406 : memref<1x1x4x8x128xf32, #tpu.memory_space<hbm>> -> memref<4x8x128xf32, #tpu.memory_space<hbm>>
      %dma_start3A_408 = tpu.memref_slice %arg11[%dma_start3A_399] : memref<2x!tpu.dma_semaphore, #tpu.memory_space<semaphore_mem>> -> memref<1x!tpu.dma_semaphore, #tpu.memory_space<semaphore_mem>>
      %dma_start3A_409 = tpu.memref_squeeze %dma_start3A_408 : memref<1x!tpu.dma_semaphore, #tpu.memory_space<semaphore_mem>> -> memref<!tpu.dma_semaphore, #tpu.memory_space<semaphore_mem>>
      %dma_start3A_410 = arith.constant 0 : i32
      %dma_start3A_411 = arith.constant 0 : i32
      %dma_start3A_412 = tpu.memref_slice %arg4[%add3A_322, %dma_start3A_398, %mul3A_355, %dma_start3A_410, %dma_start3A_411] : memref<26x4x128x8x128xf32, #tpu.memory_space<hbm>> -> memref<1x1x4x8x128xf32, #tpu.memory_space<hbm>>
      %dma_start3A_413 = tpu.memref_squeeze %dma_start3A_412 : memref<1x1x4x8x128xf32, #tpu.memory_space<hbm>> -> memref<4x8x128xf32, #tpu.memory_space<hbm>>
      %dma_start3A_414 = arith.constant 0 : i32
      %dma_start3A_415 = arith.constant 16 : i32
      %dma_start3A_416 = arith.constant 0 : i32
      %dma_start3A_417 = tpu.memref_slice %arg9[%dma_start3A_414, %dma_start3A_415, %dma_start3A_416] : memref<4x32x129xf32, #tpu.memory_space<vmem>> -> memref<4x8x128xf32, #tpu.memory_space<vmem>>
      tpu.enqueue_dma source(%dma_start3A_417 : memref<4x8x128xf32, #tpu.memory_space<vmem>>) target(%dma_start3A_413 : memref<4x8x128xf32, #tpu.memory_space<hbm>>) target_semaphore(%dma_start3A_409 : memref<!tpu.dma_semaphore, #tpu.memory_space<semaphore_mem>>)
      %dma_start3A_418 = arith.constant 3 : i32
      %dma_start3A_419 = arith.constant 1 : i32
      %dma_start3A_420 = arith.constant 0 : i32
      %dma_start3A_421 = arith.constant 24 : i32
      %dma_start3A_422 = arith.constant 0 : i32
      %dma_start3A_423 = tpu.memref_slice %arg9[%dma_start3A_420, %dma_start3A_421, %dma_start3A_422] : memref<4x32x129xf32, #tpu.memory_space<vmem>> -> memref<4x8x128xf32, #tpu.memory_space<vmem>>
      %dma_start3A_424 = arith.constant 0 : i32
      %dma_start3A_425 = arith.constant 0 : i32
      %dma_start3A_426 = tpu.memref_slice %arg4[%add3A_322, %dma_start3A_418, %mul3A_357, %dma_start3A_424, %dma_start3A_425] : memref<26x4x128x8x128xf32, #tpu.memory_space<hbm>> -> memref<1x1x4x8x128xf32, #tpu.memory_space<hbm>>
      %dma_start3A_427 = tpu.memref_squeeze %dma_start3A_426 : memref<1x1x4x8x128xf32, #tpu.memory_space<hbm>> -> memref<4x8x128xf32, #tpu.memory_space<hbm>>
      %dma_start3A_428 = tpu.memref_slice %arg11[%dma_start3A_419] : memref<2x!tpu.dma_semaphore, #tpu.memory_space<semaphore_mem>> -> memref<1x!tpu.dma_semaphore, #tpu.memory_space<semaphore_mem>>
      %dma_start3A_429 = tpu.memref_squeeze %dma_start3A_428 : memref<1x!tpu.dma_semaphore, #tpu.memory_space<semaphore_mem>> -> memref<!tpu.dma_semaphore, #tpu.memory_space<semaphore_mem>>
      %dma_start3A_430 = arith.constant 0 : i32
      %dma_start3A_431 = arith.constant 0 : i32
      %dma_start3A_432 = tpu.memref_slice %arg4[%add3A_322, %dma_start3A_418, %mul3A_357, %dma_start3A_430, %dma_start3A_431] : memref<26x4x128x8x128xf32, #tpu.memory_space<hbm>> -> memref<1x1x4x8x128xf32, #tpu.memory_space<hbm>>
      %dma_start3A_433 = tpu.memref_squeeze %dma_start3A_432 : memref<1x1x4x8x128xf32, #tpu.memory_space<hbm>> -> memref<4x8x128xf32, #tpu.memory_space<hbm>>
      %dma_start3A_434 = arith.constant 0 : i32
      %dma_start3A_435 = arith.constant 24 : i32
      %dma_start3A_436 = arith.constant 0 : i32
      %dma_start3A_437 = tpu.memref_slice %arg9[%dma_start3A_434, %dma_start3A_435, %dma_start3A_436] : memref<4x32x129xf32, #tpu.memory_space<vmem>> -> memref<4x8x128xf32, #tpu.memory_space<vmem>>
      tpu.enqueue_dma source(%dma_start3A_437 : memref<4x8x128xf32, #tpu.memory_space<vmem>>) target(%dma_start3A_433 : memref<4x8x128xf32, #tpu.memory_space<hbm>>) target_semaphore(%dma_start3A_429 : memref<!tpu.dma_semaphore, #tpu.memory_space<semaphore_mem>>)
    }
    %scan3A_19 = arith.constant 13 : i32
    %mul3A_20 = arith.constant 4 : i32
    %mul3A_21 = arith.muli %add3A, %mul3A_20 : i32
    %mul3A_22 = arith.constant 4 : i32
    %mul3A_23 = arith.muli %add3A, %mul3A_22 : i32
    %mul3A_24 = arith.constant 4 : i32
    %mul3A_25 = arith.muli %add3A, %mul3A_24 : i32
    %mul3A_26 = arith.constant 4 : i32
    %mul3A_27 = arith.muli %add3A, %mul3A_26 : i32
    %dma_wait3A = arith.constant 24 : i32
    %dma_wait3A_28 = arith.constant 0 : i32
    %dma_wait3A_29 = arith.constant 0 : i32
    %dma_wait3A_30 = arith.constant 0 : i32
    %dma_wait3A_31 = arith.constant 0 : i32
    %dma_wait3A_32 = arith.constant 0 : i32
    %dma_wait3A_33 = tpu.memref_slice %arg8[%dma_wait3A_30, %dma_wait3A_31, %dma_wait3A_32] : memref<4x32x129xf32, #tpu.memory_space<vmem>> -> memref<4x8x128xf32, #tpu.memory_space<vmem>>
    %dma_wait3A_34 = arith.constant 0 : i32
    %dma_wait3A_35 = arith.constant 0 : i32
    %dma_wait3A_36 = tpu.memref_slice %arg4[%dma_wait3A, %dma_wait3A_28, %mul3A_21, %dma_wait3A_34, %dma_wait3A_35] : memref<26x4x128x8x128xf32, #tpu.memory_space<hbm>> -> memref<1x1x4x8x128xf32, #tpu.memory_space<hbm>>
    %dma_wait3A_37 = tpu.memref_squeeze %dma_wait3A_36 : memref<1x1x4x8x128xf32, #tpu.memory_space<hbm>> -> memref<4x8x128xf32, #tpu.memory_space<hbm>>
    %dma_wait3A_38 = tpu.memref_slice %arg11[%dma_wait3A_29] : memref<2x!tpu.dma_semaphore, #tpu.memory_space<semaphore_mem>> -> memref<1x!tpu.dma_semaphore, #tpu.memory_space<semaphore_mem>>
    %dma_wait3A_39 = tpu.memref_squeeze %dma_wait3A_38 : memref<1x!tpu.dma_semaphore, #tpu.memory_space<semaphore_mem>> -> memref<!tpu.dma_semaphore, #tpu.memory_space<semaphore_mem>>
    %dma_wait3A_40 = arith.constant 0 : i32
    %dma_wait3A_41 = arith.constant 0 : i32
    %dma_wait3A_42 = tpu.memref_slice %arg4[%dma_wait3A, %dma_wait3A_28, %mul3A_21, %dma_wait3A_40, %dma_wait3A_41] : memref<26x4x128x8x128xf32, #tpu.memory_space<hbm>> -> memref<1x1x4x8x128xf32, #tpu.memory_space<hbm>>
    %dma_wait3A_43 = tpu.memref_squeeze %dma_wait3A_42 : memref<1x1x4x8x128xf32, #tpu.memory_space<hbm>> -> memref<4x8x128xf32, #tpu.memory_space<hbm>>
    %dma_wait3A_44 = arith.constant 0 : i32
    %dma_wait3A_45 = arith.constant 0 : i32
    %dma_wait3A_46 = arith.constant 0 : i32
    %dma_wait3A_47 = tpu.memref_slice %arg8[%dma_wait3A_44, %dma_wait3A_45, %dma_wait3A_46] : memref<4x32x129xf32, #tpu.memory_space<vmem>> -> memref<4x8x128xf32, #tpu.memory_space<vmem>>
    tpu.wait_dma2 semaphore(%dma_wait3A_39 : memref<!tpu.dma_semaphore, #tpu.memory_space<semaphore_mem>>) src(%dma_wait3A_47 : memref<4x8x128xf32, #tpu.memory_space<vmem>>) dst(%dma_wait3A_43 : memref<4x8x128xf32, #tpu.memory_space<hbm>>)
    %dma_wait3A_48 = arith.constant 24 : i32
    %dma_wait3A_49 = arith.constant 1 : i32
    %dma_wait3A_50 = arith.constant 0 : i32
    %dma_wait3A_51 = arith.constant 0 : i32
    %dma_wait3A_52 = arith.constant 8 : i32
    %dma_wait3A_53 = arith.constant 0 : i32
    %dma_wait3A_54 = tpu.memref_slice %arg8[%dma_wait3A_51, %dma_wait3A_52, %dma_wait3A_53] : memref<4x32x129xf32, #tpu.memory_space<vmem>> -> memref<4x8x128xf32, #tpu.memory_space<vmem>>
    %dma_wait3A_55 = arith.constant 0 : i32
    %dma_wait3A_56 = arith.constant 0 : i32
    %dma_wait3A_57 = tpu.memref_slice %arg4[%dma_wait3A_48, %dma_wait3A_49, %mul3A_23, %dma_wait3A_55, %dma_wait3A_56] : memref<26x4x128x8x128xf32, #tpu.memory_space<hbm>> -> memref<1x1x4x8x128xf32, #tpu.memory_space<hbm>>
    %dma_wait3A_58 = tpu.memref_squeeze %dma_wait3A_57 : memref<1x1x4x8x128xf32, #tpu.memory_space<hbm>> -> memref<4x8x128xf32, #tpu.memory_space<hbm>>
    %dma_wait3A_59 = tpu.memref_slice %arg11[%dma_wait3A_50] : memref<2x!tpu.dma_semaphore, #tpu.memory_space<semaphore_mem>> -> memref<1x!tpu.dma_semaphore, #tpu.memory_space<semaphore_mem>>
    %dma_wait3A_60 = tpu.memref_squeeze %dma_wait3A_59 : memref<1x!tpu.dma_semaphore, #tpu.memory_space<semaphore_mem>> -> memref<!tpu.dma_semaphore, #tpu.memory_space<semaphore_mem>>
    %dma_wait3A_61 = arith.constant 0 : i32
    %dma_wait3A_62 = arith.constant 0 : i32
    %dma_wait3A_63 = tpu.memref_slice %arg4[%dma_wait3A_48, %dma_wait3A_49, %mul3A_23, %dma_wait3A_61, %dma_wait3A_62] : memref<26x4x128x8x128xf32, #tpu.memory_space<hbm>> -> memref<1x1x4x8x128xf32, #tpu.memory_space<hbm>>
    %dma_wait3A_64 = tpu.memref_squeeze %dma_wait3A_63 : memref<1x1x4x8x128xf32, #tpu.memory_space<hbm>> -> memref<4x8x128xf32, #tpu.memory_space<hbm>>
    %dma_wait3A_65 = arith.constant 0 : i32
    %dma_wait3A_66 = arith.constant 8 : i32
    %dma_wait3A_67 = arith.constant 0 : i32
    %dma_wait3A_68 = tpu.memref_slice %arg8[%dma_wait3A_65, %dma_wait3A_66, %dma_wait3A_67] : memref<4x32x129xf32, #tpu.memory_space<vmem>> -> memref<4x8x128xf32, #tpu.memory_space<vmem>>
    tpu.wait_dma2 semaphore(%dma_wait3A_60 : memref<!tpu.dma_semaphore, #tpu.memory_space<semaphore_mem>>) src(%dma_wait3A_68 : memref<4x8x128xf32, #tpu.memory_space<vmem>>) dst(%dma_wait3A_64 : memref<4x8x128xf32, #tpu.memory_space<hbm>>)
    %dma_wait3A_69 = arith.constant 24 : i32
    %dma_wait3A_70 = arith.constant 2 : i32
    %dma_wait3A_71 = arith.constant 0 : i32
    %dma_wait3A_72 = arith.constant 0 : i32
    %dma_wait3A_73 = arith.constant 16 : i32
    %dma_wait3A_74 = arith.constant 0 : i32
    %dma_wait3A_75 = tpu.memref_slice %arg8[%dma_wait3A_72, %dma_wait3A_73, %dma_wait3A_74] : memref<4x32x129xf32, #tpu.memory_space<vmem>> -> memref<4x8x128xf32, #tpu.memory_space<vmem>>
    %dma_wait3A_76 = arith.constant 0 : i32
    %dma_wait3A_77 = arith.constant 0 : i32
    %dma_wait3A_78 = tpu.memref_slice %arg4[%dma_wait3A_69, %dma_wait3A_70, %mul3A_25, %dma_wait3A_76, %dma_wait3A_77] : memref<26x4x128x8x128xf32, #tpu.memory_space<hbm>> -> memref<1x1x4x8x128xf32, #tpu.memory_space<hbm>>
    %dma_wait3A_79 = tpu.memref_squeeze %dma_wait3A_78 : memref<1x1x4x8x128xf32, #tpu.memory_space<hbm>> -> memref<4x8x128xf32, #tpu.memory_space<hbm>>
    %dma_wait3A_80 = tpu.memref_slice %arg11[%dma_wait3A_71] : memref<2x!tpu.dma_semaphore, #tpu.memory_space<semaphore_mem>> -> memref<1x!tpu.dma_semaphore, #tpu.memory_space<semaphore_mem>>
    %dma_wait3A_81 = tpu.memref_squeeze %dma_wait3A_80 : memref<1x!tpu.dma_semaphore, #tpu.memory_space<semaphore_mem>> -> memref<!tpu.dma_semaphore, #tpu.memory_space<semaphore_mem>>
    %dma_wait3A_82 = arith.constant 0 : i32
    %dma_wait3A_83 = arith.constant 0 : i32
    %dma_wait3A_84 = tpu.memref_slice %arg4[%dma_wait3A_69, %dma_wait3A_70, %mul3A_25, %dma_wait3A_82, %dma_wait3A_83] : memref<26x4x128x8x128xf32, #tpu.memory_space<hbm>> -> memref<1x1x4x8x128xf32, #tpu.memory_space<hbm>>
    %dma_wait3A_85 = tpu.memref_squeeze %dma_wait3A_84 : memref<1x1x4x8x128xf32, #tpu.memory_space<hbm>> -> memref<4x8x128xf32, #tpu.memory_space<hbm>>
    %dma_wait3A_86 = arith.constant 0 : i32
    %dma_wait3A_87 = arith.constant 16 : i32
    %dma_wait3A_88 = arith.constant 0 : i32
    %dma_wait3A_89 = tpu.memref_slice %arg8[%dma_wait3A_86, %dma_wait3A_87, %dma_wait3A_88] : memref<4x32x129xf32, #tpu.memory_space<vmem>> -> memref<4x8x128xf32, #tpu.memory_space<vmem>>
    tpu.wait_dma2 semaphore(%dma_wait3A_81 : memref<!tpu.dma_semaphore, #tpu.memory_space<semaphore_mem>>) src(%dma_wait3A_89 : memref<4x8x128xf32, #tpu.memory_space<vmem>>) dst(%dma_wait3A_85 : memref<4x8x128xf32, #tpu.memory_space<hbm>>)
    %dma_wait3A_90 = arith.constant 24 : i32
    %dma_wait3A_91 = arith.constant 3 : i32
    %dma_wait3A_92 = arith.constant 0 : i32
    %dma_wait3A_93 = arith.constant 0 : i32
    %dma_wait3A_94 = arith.constant 24 : i32
    %dma_wait3A_95 = arith.constant 0 : i32
    %dma_wait3A_96 = tpu.memref_slice %arg8[%dma_wait3A_93, %dma_wait3A_94, %dma_wait3A_95] : memref<4x32x129xf32, #tpu.memory_space<vmem>> -> memref<4x8x128xf32, #tpu.memory_space<vmem>>
    %dma_wait3A_97 = arith.constant 0 : i32
    %dma_wait3A_98 = arith.constant 0 : i32
    %dma_wait3A_99 = tpu.memref_slice %arg4[%dma_wait3A_90, %dma_wait3A_91, %mul3A_27, %dma_wait3A_97, %dma_wait3A_98] : memref<26x4x128x8x128xf32, #tpu.memory_space<hbm>> -> memref<1x1x4x8x128xf32, #tpu.memory_space<hbm>>
    %dma_wait3A_100 = tpu.memref_squeeze %dma_wait3A_99 : memref<1x1x4x8x128xf32, #tpu.memory_space<hbm>> -> memref<4x8x128xf32, #tpu.memory_space<hbm>>
    %dma_wait3A_101 = tpu.memref_slice %arg11[%dma_wait3A_92] : memref<2x!tpu.dma_semaphore, #tpu.memory_space<semaphore_mem>> -> memref<1x!tpu.dma_semaphore, #tpu.memory_space<semaphore_mem>>
    %dma_wait3A_102 = tpu.memref_squeeze %dma_wait3A_101 : memref<1x!tpu.dma_semaphore, #tpu.memory_space<semaphore_mem>> -> memref<!tpu.dma_semaphore, #tpu.memory_space<semaphore_mem>>
    %dma_wait3A_103 = arith.constant 0 : i32
    %dma_wait3A_104 = arith.constant 0 : i32
    %dma_wait3A_105 = tpu.memref_slice %arg4[%dma_wait3A_90, %dma_wait3A_91, %mul3A_27, %dma_wait3A_103, %dma_wait3A_104] : memref<26x4x128x8x128xf32, #tpu.memory_space<hbm>> -> memref<1x1x4x8x128xf32, #tpu.memory_space<hbm>>
    %dma_wait3A_106 = tpu.memref_squeeze %dma_wait3A_105 : memref<1x1x4x8x128xf32, #tpu.memory_space<hbm>> -> memref<4x8x128xf32, #tpu.memory_space<hbm>>
    %dma_wait3A_107 = arith.constant 0 : i32
    %dma_wait3A_108 = arith.constant 24 : i32
    %dma_wait3A_109 = arith.constant 0 : i32
    %dma_wait3A_110 = tpu.memref_slice %arg8[%dma_wait3A_107, %dma_wait3A_108, %dma_wait3A_109] : memref<4x32x129xf32, #tpu.memory_space<vmem>> -> memref<4x8x128xf32, #tpu.memory_space<vmem>>
    tpu.wait_dma2 semaphore(%dma_wait3A_102 : memref<!tpu.dma_semaphore, #tpu.memory_space<semaphore_mem>>) src(%dma_wait3A_110 : memref<4x8x128xf32, #tpu.memory_space<vmem>>) dst(%dma_wait3A_106 : memref<4x8x128xf32, #tpu.memory_space<hbm>>)
    %mul3A_111 = arith.constant 4 : i32
    %mul3A_112 = arith.muli %add3A, %mul3A_111 : i32
    %mul3A_113 = arith.constant 4 : i32
    %mul3A_114 = arith.muli %add3A, %mul3A_113 : i32
    %mul3A_115 = arith.constant 4 : i32
    %mul3A_116 = arith.muli %add3A, %mul3A_115 : i32
    %mul3A_117 = arith.constant 4 : i32
    %mul3A_118 = arith.muli %add3A, %mul3A_117 : i32
    %dma_wait3A_119 = arith.constant 25 : i32
    %dma_wait3A_120 = arith.constant 0 : i32
    %dma_wait3A_121 = arith.constant 1 : i32
    %dma_wait3A_122 = arith.constant 0 : i32
    %dma_wait3A_123 = arith.constant 0 : i32
    %dma_wait3A_124 = arith.constant 0 : i32
    %dma_wait3A_125 = tpu.memref_slice %arg9[%dma_wait3A_122, %dma_wait3A_123, %dma_wait3A_124] : memref<4x32x129xf32, #tpu.memory_space<vmem>> -> memref<4x8x128xf32, #tpu.memory_space<vmem>>
    %dma_wait3A_126 = arith.constant 0 : i32
    %dma_wait3A_127 = arith.constant 0 : i32
    %dma_wait3A_128 = tpu.memref_slice %arg4[%dma_wait3A_119, %dma_wait3A_120, %mul3A_112, %dma_wait3A_126, %dma_wait3A_127] : memref<26x4x128x8x128xf32, #tpu.memory_space<hbm>> -> memref<1x1x4x8x128xf32, #tpu.memory_space<hbm>>
    %dma_wait3A_129 = tpu.memref_squeeze %dma_wait3A_128 : memref<1x1x4x8x128xf32, #tpu.memory_space<hbm>> -> memref<4x8x128xf32, #tpu.memory_space<hbm>>
    %dma_wait3A_130 = tpu.memref_slice %arg11[%dma_wait3A_121] : memref<2x!tpu.dma_semaphore, #tpu.memory_space<semaphore_mem>> -> memref<1x!tpu.dma_semaphore, #tpu.memory_space<semaphore_mem>>
    %dma_wait3A_131 = tpu.memref_squeeze %dma_wait3A_130 : memref<1x!tpu.dma_semaphore, #tpu.memory_space<semaphore_mem>> -> memref<!tpu.dma_semaphore, #tpu.memory_space<semaphore_mem>>
    %dma_wait3A_132 = arith.constant 0 : i32
    %dma_wait3A_133 = arith.constant 0 : i32
    %dma_wait3A_134 = tpu.memref_slice %arg4[%dma_wait3A_119, %dma_wait3A_120, %mul3A_112, %dma_wait3A_132, %dma_wait3A_133] : memref<26x4x128x8x128xf32, #tpu.memory_space<hbm>> -> memref<1x1x4x8x128xf32, #tpu.memory_space<hbm>>
    %dma_wait3A_135 = tpu.memref_squeeze %dma_wait3A_134 : memref<1x1x4x8x128xf32, #tpu.memory_space<hbm>> -> memref<4x8x128xf32, #tpu.memory_space<hbm>>
    %dma_wait3A_136 = arith.constant 0 : i32
    %dma_wait3A_137 = arith.constant 0 : i32
    %dma_wait3A_138 = arith.constant 0 : i32
    %dma_wait3A_139 = tpu.memref_slice %arg9[%dma_wait3A_136, %dma_wait3A_137, %dma_wait3A_138] : memref<4x32x129xf32, #tpu.memory_space<vmem>> -> memref<4x8x128xf32, #tpu.memory_space<vmem>>
    tpu.wait_dma2 semaphore(%dma_wait3A_131 : memref<!tpu.dma_semaphore, #tpu.memory_space<semaphore_mem>>) src(%dma_wait3A_139 : memref<4x8x128xf32, #tpu.memory_space<vmem>>) dst(%dma_wait3A_135 : memref<4x8x128xf32, #tpu.memory_space<hbm>>)
    %dma_wait3A_140 = arith.constant 25 : i32
    %dma_wait3A_141 = arith.constant 1 : i32
    %dma_wait3A_142 = arith.constant 1 : i32
    %dma_wait3A_143 = arith.constant 0 : i32
    %dma_wait3A_144 = arith.constant 8 : i32
    %dma_wait3A_145 = arith.constant 0 : i32
    %dma_wait3A_146 = tpu.memref_slice %arg9[%dma_wait3A_143, %dma_wait3A_144, %dma_wait3A_145] : memref<4x32x129xf32, #tpu.memory_space<vmem>> -> memref<4x8x128xf32, #tpu.memory_space<vmem>>
    %dma_wait3A_147 = arith.constant 0 : i32
    %dma_wait3A_148 = arith.constant 0 : i32
    %dma_wait3A_149 = tpu.memref_slice %arg4[%dma_wait3A_140, %dma_wait3A_141, %mul3A_114, %dma_wait3A_147, %dma_wait3A_148] : memref<26x4x128x8x128xf32, #tpu.memory_space<hbm>> -> memref<1x1x4x8x128xf32, #tpu.memory_space<hbm>>
    %dma_wait3A_150 = tpu.memref_squeeze %dma_wait3A_149 : memref<1x1x4x8x128xf32, #tpu.memory_space<hbm>> -> memref<4x8x128xf32, #tpu.memory_space<hbm>>
    %dma_wait3A_151 = tpu.memref_slice %arg11[%dma_wait3A_142] : memref<2x!tpu.dma_semaphore, #tpu.memory_space<semaphore_mem>> -> memref<1x!tpu.dma_semaphore, #tpu.memory_space<semaphore_mem>>
    %dma_wait3A_152 = tpu.memref_squeeze %dma_wait3A_151 : memref<1x!tpu.dma_semaphore, #tpu.memory_space<semaphore_mem>> -> memref<!tpu.dma_semaphore, #tpu.memory_space<semaphore_mem>>
    %dma_wait3A_153 = arith.constant 0 : i32
    %dma_wait3A_154 = arith.constant 0 : i32
    %dma_wait3A_155 = tpu.memref_slice %arg4[%dma_wait3A_140, %dma_wait3A_141, %mul3A_114, %dma_wait3A_153, %dma_wait3A_154] : memref<26x4x128x8x128xf32, #tpu.memory_space<hbm>> -> memref<1x1x4x8x128xf32, #tpu.memory_space<hbm>>
    %dma_wait3A_156 = tpu.memref_squeeze %dma_wait3A_155 : memref<1x1x4x8x128xf32, #tpu.memory_space<hbm>> -> memref<4x8x128xf32, #tpu.memory_space<hbm>>
    %dma_wait3A_157 = arith.constant 0 : i32
    %dma_wait3A_158 = arith.constant 8 : i32
    %dma_wait3A_159 = arith.constant 0 : i32
    %dma_wait3A_160 = tpu.memref_slice %arg9[%dma_wait3A_157, %dma_wait3A_158, %dma_wait3A_159] : memref<4x32x129xf32, #tpu.memory_space<vmem>> -> memref<4x8x128xf32, #tpu.memory_space<vmem>>
    tpu.wait_dma2 semaphore(%dma_wait3A_152 : memref<!tpu.dma_semaphore, #tpu.memory_space<semaphore_mem>>) src(%dma_wait3A_160 : memref<4x8x128xf32, #tpu.memory_space<vmem>>) dst(%dma_wait3A_156 : memref<4x8x128xf32, #tpu.memory_space<hbm>>)
    %dma_wait3A_161 = arith.constant 25 : i32
    %dma_wait3A_162 = arith.constant 2 : i32
    %dma_wait3A_163 = arith.constant 1 : i32
    %dma_wait3A_164 = arith.constant 0 : i32
    %dma_wait3A_165 = arith.constant 16 : i32
    %dma_wait3A_166 = arith.constant 0 : i32
    %dma_wait3A_167 = tpu.memref_slice %arg9[%dma_wait3A_164, %dma_wait3A_165, %dma_wait3A_166] : memref<4x32x129xf32, #tpu.memory_space<vmem>> -> memref<4x8x128xf32, #tpu.memory_space<vmem>>
    %dma_wait3A_168 = arith.constant 0 : i32
    %dma_wait3A_169 = arith.constant 0 : i32
    %dma_wait3A_170 = tpu.memref_slice %arg4[%dma_wait3A_161, %dma_wait3A_162, %mul3A_116, %dma_wait3A_168, %dma_wait3A_169] : memref<26x4x128x8x128xf32, #tpu.memory_space<hbm>> -> memref<1x1x4x8x128xf32, #tpu.memory_space<hbm>>
    %dma_wait3A_171 = tpu.memref_squeeze %dma_wait3A_170 : memref<1x1x4x8x128xf32, #tpu.memory_space<hbm>> -> memref<4x8x128xf32, #tpu.memory_space<hbm>>
    %dma_wait3A_172 = tpu.memref_slice %arg11[%dma_wait3A_163] : memref<2x!tpu.dma_semaphore, #tpu.memory_space<semaphore_mem>> -> memref<1x!tpu.dma_semaphore, #tpu.memory_space<semaphore_mem>>
    %dma_wait3A_173 = tpu.memref_squeeze %dma_wait3A_172 : memref<1x!tpu.dma_semaphore, #tpu.memory_space<semaphore_mem>> -> memref<!tpu.dma_semaphore, #tpu.memory_space<semaphore_mem>>
    %dma_wait3A_174 = arith.constant 0 : i32
    %dma_wait3A_175 = arith.constant 0 : i32
    %dma_wait3A_176 = tpu.memref_slice %arg4[%dma_wait3A_161, %dma_wait3A_162, %mul3A_116, %dma_wait3A_174, %dma_wait3A_175] : memref<26x4x128x8x128xf32, #tpu.memory_space<hbm>> -> memref<1x1x4x8x128xf32, #tpu.memory_space<hbm>>
    %dma_wait3A_177 = tpu.memref_squeeze %dma_wait3A_176 : memref<1x1x4x8x128xf32, #tpu.memory_space<hbm>> -> memref<4x8x128xf32, #tpu.memory_space<hbm>>
    %dma_wait3A_178 = arith.constant 0 : i32
    %dma_wait3A_179 = arith.constant 16 : i32
    %dma_wait3A_180 = arith.constant 0 : i32
    %dma_wait3A_181 = tpu.memref_slice %arg9[%dma_wait3A_178, %dma_wait3A_179, %dma_wait3A_180] : memref<4x32x129xf32, #tpu.memory_space<vmem>> -> memref<4x8x128xf32, #tpu.memory_space<vmem>>
    tpu.wait_dma2 semaphore(%dma_wait3A_173 : memref<!tpu.dma_semaphore, #tpu.memory_space<semaphore_mem>>) src(%dma_wait3A_181 : memref<4x8x128xf32, #tpu.memory_space<vmem>>) dst(%dma_wait3A_177 : memref<4x8x128xf32, #tpu.memory_space<hbm>>)
    %dma_wait3A_182 = arith.constant 25 : i32
    %dma_wait3A_183 = arith.constant 3 : i32
    %dma_wait3A_184 = arith.constant 1 : i32
    %dma_wait3A_185 = arith.constant 0 : i32
    %dma_wait3A_186 = arith.constant 24 : i32
    %dma_wait3A_187 = arith.constant 0 : i32
    %dma_wait3A_188 = tpu.memref_slice %arg9[%dma_wait3A_185, %dma_wait3A_186, %dma_wait3A_187] : memref<4x32x129xf32, #tpu.memory_space<vmem>> -> memref<4x8x128xf32, #tpu.memory_space<vmem>>
    %dma_wait3A_189 = arith.constant 0 : i32
    %dma_wait3A_190 = arith.constant 0 : i32
    %dma_wait3A_191 = tpu.memref_slice %arg4[%dma_wait3A_182, %dma_wait3A_183, %mul3A_118, %dma_wait3A_189, %dma_wait3A_190] : memref<26x4x128x8x128xf32, #tpu.memory_space<hbm>> -> memref<1x1x4x8x128xf32, #tpu.memory_space<hbm>>
    %dma_wait3A_192 = tpu.memref_squeeze %dma_wait3A_191 : memref<1x1x4x8x128xf32, #tpu.memory_space<hbm>> -> memref<4x8x128xf32, #tpu.memory_space<hbm>>
    %dma_wait3A_193 = tpu.memref_slice %arg11[%dma_wait3A_184] : memref<2x!tpu.dma_semaphore, #tpu.memory_space<semaphore_mem>> -> memref<1x!tpu.dma_semaphore, #tpu.memory_space<semaphore_mem>>
    %dma_wait3A_194 = tpu.memref_squeeze %dma_wait3A_193 : memref<1x!tpu.dma_semaphore, #tpu.memory_space<semaphore_mem>> -> memref<!tpu.dma_semaphore, #tpu.memory_space<semaphore_mem>>
    %dma_wait3A_195 = arith.constant 0 : i32
    %dma_wait3A_196 = arith.constant 0 : i32
    %dma_wait3A_197 = tpu.memref_slice %arg4[%dma_wait3A_182, %dma_wait3A_183, %mul3A_118, %dma_wait3A_195, %dma_wait3A_196] : memref<26x4x128x8x128xf32, #tpu.memory_space<hbm>> -> memref<1x1x4x8x128xf32, #tpu.memory_space<hbm>>
    %dma_wait3A_198 = tpu.memref_squeeze %dma_wait3A_197 : memref<1x1x4x8x128xf32, #tpu.memory_space<hbm>> -> memref<4x8x128xf32, #tpu.memory_space<hbm>>
    %dma_wait3A_199 = arith.constant 0 : i32
    %dma_wait3A_200 = arith.constant 24 : i32
    %dma_wait3A_201 = arith.constant 0 : i32
    %dma_wait3A_202 = tpu.memref_slice %arg9[%dma_wait3A_199, %dma_wait3A_200, %dma_wait3A_201] : memref<4x32x129xf32, #tpu.memory_space<vmem>> -> memref<4x8x128xf32, #tpu.memory_space<vmem>>
    tpu.wait_dma2 semaphore(%dma_wait3A_194 : memref<!tpu.dma_semaphore, #tpu.memory_space<semaphore_mem>>) src(%dma_wait3A_202 : memref<4x8x128xf32, #tpu.memory_space<vmem>>) dst(%dma_wait3A_198 : memref<4x8x128xf32, #tpu.memory_space<hbm>>)
    return
  }
}

</mosaic_0001>

<sc_bundles>
// kernel: kernel.3.cloned.1.call-start
scs
__scs_entry_jumppad:
0x0: {  	(pc) =	sbr.rel $0x88, $3  }
0x1: {  	(tag) =	ssettag $0x0;
	lr =	simm.s32 $0x1  }
0x2: {  	[smem:$0x3F9F] =	sst lr;
	_ =	strace $0xD0000000  }
0x3: {  	_ = 	snop  }
0x4: {  	_ = 	snop  }
0x5: {  	_ = 	snop  }
0x6: {  	_ = 	snop  }
0x7: {  	_ = 	snop  }
__scs_overlays_trampoline_lowered:
0x8: {  	[smem:$0x3FAE] =	sst s0  }
0x9: {  	[smem:$0x3FAF] =	sst s1  }
0xa: {  	[smem:$0x3FB0] =	sst s2  }
0xb: {  	[smem:$0x3FB1] =	sst s3  }
0xc: {  	[smem:$0x3FB2] =	sst s4  }
0xd: {  	[smem:$0x3FB3] =	sst s5  }
0xe: {  	[smem:$0x3FB4] =	sst s6  }
0xf: {  	[smem:$0x3FB5] =	sst s7  }
0x10: {  	[smem:$0x3FB6] =	sst s8  }
0x11: {  	[smem:$0x3FB7] =	sst s9;
	s0 =	simm.s32 @!p0 $0x0  }
0x12: {  	s1 =	sld [smem:$0x3F9D];
	s0 =	simm.s32 @p0 $0x1  }
0x13: {  	[smem:$0x3FB8] =	sst s0;
	s0 =	simm.s32 @!p1 $0x0  }
0x14: {  	s2 =	sld [smem:$0x3F9C];
	s0 =	simm.s32 @p1 $0x1  }
0x15: {  	[smem:$0x3FB9] =	sst s0;
	s0 =	simm.s32 @!p2 $0x0  }
0x16: {  	s3 =	sld [smem:$0x3FDB];
	s0 =	simm.s32 @p2 $0x1  }
0x17: {  	s4 =	simm.s32 $0x1BF5;
	[smem:$0x3FBB] =	sst s0  }
0x18: {  	s0 =	sld [smem:$0x3F9E];
	_ =	swait.ge [sflag:s4], $0x0  }
0x19: {  	s7 =	sld [smem:$0x3F9F]  }
0x1a: {  	s8 =	sadd.s32 $0xFFFFE003, lr  }
0x1b: {  	s9 =	sadd.s32 $0xFFFFFEF7, lr;
	s5 =	simm.s32 $0xFFFFFFFF;
	p2 =	slt.u32 s8, $0xFFFFF086  }
0x1c: {  	p1 =	slt.u32 s9, $0xF7A;
	s5 =	simm.s32 @!p2 $0x0  }
0x1d: {  	s5 =	simm.s32 @p1 $0x1;
	p0 =	seq.s32 s7, s2  }
0x1e: {  	s7 =	smul.u32 @!p0 $0xF7A, s2;
	p2 =	seq.s32 @!p0 s5, $0x0  }
0x1f: {  	s9 =	smul.u32 $0xF7A, s1;
	s8 =	simm.s32 @!p0 $0x1BF5;
	p2 =	por !p2, p0  }
0x20: {  	[sflag:s8] =	ssyncset.s32 @!p0 $0xFFFFF086;
	s6 =	sadd.s32 @!p0 s3, s7;
	s7 =	simm.s32 @!p0 $0x108  }
0x21: {  	s3 =	sadd.s32 s3, s9;
	s6 =	sadd.s32 @!p0 $0x88, s6;
	s7 =	simm.s32 @p2 $0x1082  }
0x22: {  	[simem:s7], [sflag:s8] =	dma.local @!p0 [hbm:s6], $0xF7A  }
0x23: {  	s9 =	sor.u32 $0xD0000000, s2;
	s6 =	simm.s32 $0x108;
	_ =	swait.ge @!p0 [sflag:s8], $0x0  }
0x24: {  	s3 =	sadd.s32 $0x88, s3;
	s6 =	simm.s32 @!p1 $0x1082;
	[sflag:s4] =	ssyncset.s32 $0xFFFFF086  }
0x25: {  	[simem:s6], [sflag:s4] =	dma.local [hbm:s3], $0xF7A  }
0x26: {  	[smem:$0x3F9F] =	sst s1;
	(tag) =	ssettag s2;
	_ =	strace s9  }
0x27: {  	s1 =	sld [smem:$0x3FAF]  }
0x28: {  	s2 =	sld [smem:$0x3FB0]  }
0x29: {  	s4 =	sld [smem:$0x3FB2]  }
0x2a: {  	p0 =	seq.s32 s5, $0x0;
	s5 =	sld [smem:$0x3FB3]  }
0x2b: {  	s6 =	sld [smem:$0x3FB4]  }
0x2c: {  	s7 =	sld [smem:$0x3FB5]  }
0x2d: {  	s3 =	simm.s32 $0x108;
	s8 =	sld [smem:$0x3FB6]  }
0x2e: {  	s3 =	simm.s32 @!p0 $0x1082;
	s9 =	sld [smem:$0x3FB7]  }
0x2f: {  	lr =	sadd.s32 s0, s3;
	s0 =	sld [smem:$0x3FAE]  }
0x30: {  	s3 =	sld [smem:$0x3FB1]  }
0x31: {  	[smem:$0x3FBA] =	sst s10  }
0x32: {  	s10 =	sld [smem:$0x3FB8];
	_ =	sdelay $0x3  }
0x33: {  	p0 =	seq.s32 s10, $0x1;
	s10 =	sld [smem:$0x3FBA];
	_ =	sdelay $0x3  }
0x34: {  	[smem:$0x3FBA] =	sst s10  }
0x35: {  	s10 =	sld [smem:$0x3FB9];
	_ =	sdelay $0x3  }
0x36: {  	p1 =	seq.s32 s10, $0x1;
	s10 =	sld [smem:$0x3FBA];
	_ =	sdelay $0x3  }
0x37: {  	[smem:$0x3FBA] =	sst s10  }
0x38: {  	s10 =	sld [smem:$0x3FBB]  }
0x39: {  	_ = 	snop;
	(pc) =	sbr.ind lr, $3  }
0x3a: {  	_ = 	snop  }
0x3b: {  	_ = 	snop  }
0x3c: {  	p2 =	seq.s32 s10, $0x1;
	s10 =	sld [smem:$0x3FBA]  }
0x3d: {  	_ =	shalt  }
0x3e: {  	_ =	shalt  }
0x3f: {  	_ =	shalt  }
0x40: {  	_ =	shalt  }
0x41: {  	_ =	shalt  }
0x42: {  	_ =	shalt  }
0x43: {  	_ =	shalt  }
0x44: {  	_ =	shalt  }
0x45: {  	_ =	shalt  }
0x46: {  	_ =	shalt  }
0x47: {  	_ =	shalt  }
0x48: {  	_ =	shalt  }
0x49: {  	_ =	shalt  }
0x4a: {  	_ =	shalt  }
0x4b: {  	_ =	shalt  }
0x4c: {  	_ =	shalt  }
0x4d: {  	_ =	shalt  }
0x4e: {  	_ =	shalt  }
0x4f: {  	_ =	shalt  }
0x50: {  	_ =	shalt  }
0x51: {  	_ =	shalt  }
0x52: {  	_ =	shalt  }
0x53: {  	_ =	shalt  }
0x54: {  	_ =	shalt  }
0x55: {  	_ =	shalt  }
0x56: {  	_ =	shalt  }
0x57: {  	_ =	shalt  }
0x58: {  	_ =	shalt  }
0x59: {  	_ =	shalt  }
0x5a: {  	_ =	shalt  }
0x5b: {  	_ =	shalt  }
0x5c: {  	_ =	shalt  }
0x5d: {  	_ =	shalt  }
0x5e: {  	_ =	shalt  }
0x5f: {  	_ =	shalt  }
0x60: {  	_ =	shalt  }
0x61: {  	_ =	shalt  }
0x62: {  	_ =	shalt  }
0x63: {  	_ =	shalt  }
0x64: {  	_ =	shalt  }
0x65: {  	_ =	shalt  }
0x66: {  	_ =	shalt  }
0x67: {  	_ =	shalt  }
0x68: {  	_ =	shalt  }
0x69: {  	_ =	shalt  }
0x6a: {  	_ =	shalt  }
0x6b: {  	_ =	shalt  }
0x6c: {  	_ =	shalt  }
0x6d: {  	_ =	shalt  }
0x6e: {  	_ =	shalt  }
0x6f: {  	_ =	shalt  }
0x70: {  	_ =	shalt  }
0x71: {  	_ =	shalt  }
0x72: {  	_ =	shalt  }
0x73: {  	_ =	shalt  }
0x74: {  	_ =	shalt  }
0x75: {  	_ =	shalt  }
0x76: {  	_ =	shalt  }
0x77: {  	_ =	shalt  }
0x78: {  	_ =	shalt  }
0x79: {  	_ =	shalt  }
0x7a: {  	_ =	shalt  }
0x7b: {  	_ =	shalt  }
0x7c: {  	_ =	shalt  }
0x7d: {  	_ =	shalt  }
0x7e: {  	_ =	shalt  }
0x7f: {  	_ =	shalt  }
0x80: {  	_ =	shalt  }
0x81: {  	_ =	shalt  }
0x82: {  	_ =	shalt  }
0x83: {  	_ =	shalt  }
0x84: {  	_ =	shalt  }
0x85: {  	_ =	shalt  }
0x86: {  	_ =	shalt  }
0x87: {  	_ =	shalt  }
.Lfunc_end0:
.L_simem_size_0:
called_computation_lowered:
.L_overlay_start_0:
0x88: {  	s2 =	sld [smem:$0x3FD9]  }
0x89: {  	s3 =	sld [smem:$0x3FFE];
	_ =	sdelay $0x1  }
0x8a: {  	s1 =	srdreg.scid  }
0x8b: {  	s0 =	sand.u32 $0x1, s1  }
0x8c: {  	s17 =	sshll.u32 s0, $0xA;
	s2 =	sadd.s32 s3, s2  }
0x8d: {  	s2 =	sadd.s32 s2, s17  }
0x8e: {  	[smem:$0x3FC6] =	sst s2  }
0x8f: {  	_ = 	snop  }
0x90: {  	s2 =	sld [smem:$0x3FD0];
	(tm) =	ssettm $0x1  }
0x91: {  	s18 =	sld [smem:$0x3FFB];
	_ =	sdelay $0x3  }
0x92: {  	_ =	strace s18  }
0x93: {  	s3 =	sld [smem:$0x3FFC];
	_ =	sdelay $0x3  }
0x94: {  	_ =	strace s3  }
0x95: {  	s3 =	sld [smem:$0x3FFD];
	_ =	sdelay $0x3  }
0x96: {  	_ =	strace s3  }
0x97: {  	_ =	strace $0x8FFFFFFF  }
0x98: {  	s19 =	sld [smem:$0x3FDB];
	_ =	sdelay $0x1  }
0x99: {  	s4 =	simm.s32 $_scs_section_size  }
0x9a: {  	s5 =	simm.s32 $_size__tile_overlayer_lowered;
	s6 =	simm.s32 $_tile_overlayer_lowered  }
0x9b: {  	s22 =	simm.s32 $0x1BFF;
	s21 =	sshll.u32 s6, $0x1;
	s3 =	sadd.s32 s4, s19  }
0x9c: {  	s7 =	simm.s32 $0x0;
	s20 =	sshll.u32 s5, $0x1;
	s5 =	sadd.s32 s21, s3  }
0x9d: {  	[timem:s7], [sflag:s22] =	dma.local [hbm:s5], s20  }
0x9e: {  	_ =	swait.ge [sflag:s22], s20  }
0x9f: {  	s4 =	ssub.s32 $0x0, s20;
	[sflag:s22] =	ssyncset.done $0x0  }
0xa0: {  	[sflag:s22] =	ssyncadd.s32 s4;
	_ =	sdelay $0x1  }
0xa1: {  	s23 =	simm.s32 $0x1B8B  }
0xa2: {  	_ =	swait.ge [sflag:s23], $0x1  }
0xa3: {  	[sflag:s23] =	ssyncset.done $0x0  }
0xa4: {  	s25 =	simm.s32 $0x1B8E;
	s24 =	sld [smem:$0x3FFE];
	[sflag:s23] =	ssyncadd.s32 $0xFFFFFFFF  }
0xa5: {  	s26 =	simm.s32 $execute0_lowered;
	[smem:$0x3FD2] =	sst s25  }
0xa6: {  	s5 =	sshll.u32 s26, $0x1;
	_ =	strace $0x80000046;
	[dreg:$0x1] =	wrdreg $0xFFFFFFFF  }
0xa7: {  	s28 =	simm.s32 $_size_execute0_lowered;
	s3 =	sadd.s32 s3, s5;
	[dreg:$0x0] =	wrdreg $0x0  }
0xa8: {  	s5 =	sshll.u32 s28, $0x1;
	[dreg:$0x2] =	wrdreg s3  }
0xa9: {  	[dreg:$0x3] =	wrdreg s5  }
0xaa: {  	[dreg:$0x4] =	wrdreg $0xC0  }
0xab: {  	_ =	task [dreg:s7], $0x5FFFF  }
0xac: {  	[dreg:$0x1] =	wrdreg $0xFFFFFFFF  }
0xad: {  	[dreg:$0x0] =	wrdreg $0x60  }
0xae: {  	[dreg:$0x2] =	wrdreg s24  }
0xaf: {  	[dreg:$0x3] =	wrdreg s2  }
0xb0: {  	[dreg:$0x4] =	wrdreg $0x9  }
0xb1: {  	_ =	task.clear_ibuf [dreg:s7], $0x5FFFF;
	_ =	strace $0x90000046  }
0xb2: {  	s29 =	simm.s32 $0x9;
	_ =	strace $0x80000048  }
0xb3: {  	_ =	swait.ge [sflag:s29], $0x1  }
0xb4: {  	[sflag:s29] =	ssyncadd.s32 $0xFFFFFFFF  }
0xb5: {  	_ =	strace $0x90000048  }
0xb6: {  	_ =	sfence  }
0xb7: {  	s30 =	sld [smem:$0x0];
	_ =	sdelay $0x2  }
0xb8: {  	s31 =	sshll.u32 s1, $0xD;
	s1 =	sshrl.u32 s1, $0x2  }
0xb9: {  	s3 =	sand.u32 $0x4000, s31;
	s1 =	sadd.s32 s1, s30  }
0xba: {  	s0 =	sor.u32 s3, s0;
	s1 =	sshll.u32 s1, $0x11  }
0xbb: {  	s0 =	sor.u32 s1, s0  }
0xbc: {  	s0 =	sadd.s32 $0x8F2B, s0  }
0xbd: {  	[sflag:s0] =	ssyncadd.remote.s32 $0x1  }
0xbe: {  	_ =	sfence.sel $0xFFFF  }
0xbf: {  	[dreg:$0x0] =	wrdreg $0xFFFFFFFF;
	(pc) =	sbr.abs _section_cstart, $3  }
0xc0: {  	[dreg:$0x1] =	wrdreg $0xFFFFFFFF  }
0xc1: {  	_ =	task.clear_ibuf [dreg:s7], $0x2FFFF;
	_ =	strace $0x9FFFFFFF  }
0xc2: {  	(tm) =	ssettm $0x7FFFFFFF  }
0xc3: {  	_ =	shalt  }
tec
execute0_lowered:
.L_overlay_start_1:
0x0: {  	(tag) =	ssettag $0x1  }
0x1: {  	s0 =	rddreg [dreg:$0x0]  }
0x2: {  	s2 =	rddreg [dreg:$0x1]  }
0x3: {  	s1 =	srdreg.scid;
	s4 =	stileid.u32;
	s3 =	simm.s32 $0x0  }
0x4: {  	s15 =	simm.s32 $0x1;
	s17 =	simm.s32 $0xB400;
	s19 =	simm.s32 $0x2  }
0x5: {  	s20 =	simm.s32 $0xF800;
	s11 =	simm.s32 $0x13B78;
	s29 =	simm.s32 $0x4  }
0x6: {  	s28 =	simm.s32 $0x200;
	s1 =	sand.u32 $0x1, s1;
	s4 =	sshll.u32 s4, $0x1  }
0x7: {  	[smem:$0x7FF] =	sst s3;
	s7 =	sadd.s32 $0x4000, s2;
	s5 =	sor.u32 s1, s4  }
0x8: {  	s8 =	sadd.s32 $0x8000, s2;
	s1 =	ssub.s32 $0x2, s1;
	s6 =	sshll.u32 s5, $0x6  }
0x9: {  	v0 =	vlaneseq.u32;
	s4 =	sadd.s32 $0xF42A00, s0;
	s30 =	sshrl.u32 s1, $0x1;
	s0 =	sadd.s32 s6, s0  }
0xa: {  	s9 =	sadd.s32 $0xC000, s2;
	v0 =	vmul.u32 $0x88, v0;
	s1 =	ssub.s32 s1, s30;
	s0 =	sadd.s32 $0x600, s0  }
0xb: {  	v1 =	vimm.s32 $0x0;
	vm0 =	vcmask $0x300;
	_ =	strace $0x80000047;
	s31 =	smax.u32 s1, $0x1;
	[dreg:$0x3] =	wrdreg s0  }
0xc: {  	v1 =	vsel vm0, $0x3, v1;
	v2 =	vadd.s32 $0x880, v0;
	s6 =	sshll.u32 s5, $0xC;
	s1 =	simm.s32 $0x0;
	[dreg:$0x4] =	wrdreg s31  }
.LBB2_1:
0xd: {  	[dreg:$0x5] =	wrdreg s1  }
0xe: {  	s0 =	rddreg [dreg:$0x3]  }
0xf: {  	s25 =	simm.s32 $0x200;
	s5 =	simm.s32 $0x4000;
	s26 =	simm.s32 $0x5  }
0x10: {  	[tilespmem:s3], [sflag:$0x5] =	stream.strided.gather [hbm4b:s0+s25], $0x3400, s5, s25, $0x38;
	[tilespmem:$0x13C00] =	vst v63  }
0x11: {  	_ =	swait.ge [sflag:s26], $0x3400  }
0x12: {  	[sflag:s26] =	ssyncset.done $0x0  }
0x13: {  	s31 =	simm.s32 $0x3400;
	s30 =	simm.s32 $0x0;
	[sflag:s26] =	ssyncadd.s32 $0xFFFFCC00  }
0x14: {  	[tilespmem:s31], [sflag:$0x1] =	stream.indirect.gather [hbm4b:s4+s25], $0x20, s3, s25, $0xb8;
	[tilespmem:$0x13C00] =	vst v63  }
.LBB2_2:
0x15: {  	_ =	swait.ge [sflag:s15], $0x4000;
	s31 =	sshllo.u32 s30, $0x1  }
0x16: {  	s1 =	simm.s32 $0x7400;
	[sflag:s15] =	ssyncset.done $0x0;
	s0 =	sshll.u32 s31, $0x9  }
0x17: {  	p0 =	seq.s32 s30, $0x0;
	[sflag:s15] =	ssyncadd.s32 $0xFFFFC000;
	s0 =	sand.u32 $0x3FFFFE00, s0  }
0x18: {  	[tilespmem:s1], [sflag:$0x2] =	stream.indirect.gather [hbm4b:s4+s28], $0x20, s0, s28, $0xb8;
	[tilespmem:$0x13C00] =	vst v63  }
0x19: {  	s0 =	simm.s32 @!p0 $0x3  }
0x1a: {  	_ =	swait.ge @!p0 [sflag:s0], $0x1000  }
0x1b: {  	[sflag:s0] =	ssyncset.done @!p0 $0x0  }
0x1c: {  	[sflag:s0] =	ssyncadd.s32 @!p0 $0xFFFFF000  }
0x1d: {  	_ =	swait.ge @!p0 [sflag:s0], $0x1000  }
0x1e: {  	[sflag:s0] =	ssyncset.done @!p0 $0x0  }
0x1f: {  	s22 =	simm.s32 $0x0;
	[sflag:s0] =	ssyncadd.s32 @!p0 $0xFFFFF000  }
0x20: {  	s23 =	simm.s32 $0x0;
	v3 =	vmov s22;
	_ =	swait.ge @!p0 [sflag:s0], $0x1000  }
0x21: {  	v4 =	vmov s23;
	v3 =	vmul.u32 $0x1100, v3;
	[sflag:s0] =	ssyncset.done @!p0 $0x0  }
0x22: {  	v4 =	vshrl.u32 v4, $0x3;
	[sflag:s0] =	ssyncadd.s32 @!p0 $0xFFFFF000  }
0x23: {  	v4 =	vshll.u32 v4, v1;
	v3 =	vbroadcast v3, $0x0;
	_ =	swait.ge @!p0 [sflag:s0], $0x1000  }
0x24: {  	v5 =	vbroadcast v4, $0x0;
	[sflag:s0] =	ssyncset.done @!p0 $0x0  }
0x25: {  	s1 =	simm.s32 $0x3500;
	v4 =	vadd.s32 v0, v3;
	[sflag:s0] =	ssyncadd.s32 @!p0 $0xFFFFF000  }
0x26: {  	s24 =	simm.s32 $0x1;
	v3 =	vadd.s32 v2, v3;
	v7 =	vadd.s32 v4, v5;
	v6 =	vld [tilespmem:s1+$0xFFFFFF00]  }
0x27: {  	v8 =	vmov s24;
	v5 =	vadd.s32 v3, v5;
	v9 =	vld [tilespmem:s1+$0xFFFFFF10]  }
0x28: {  	v8 =	vshrl.u32 v8, $0x3  }
0x29: {  	v8 =	vshll.u32 v8, v1  }
0x2a: {  	v8 =	vbroadcast v8, $0x0  }
0x2b: {  	[tilespmem:v7+s17+$0x0] =	vst.idx.msk $0xffff, v6  }
0x2c: {  	[tilespmem:v5+s17+$0x0] =	vst.idx.msk $0xffff, v9;
	v5 =	vadd.s32 v4, v8  }
0x2d: {  	s25 =	simm.s32 $0x2;
	v6 =	vadd.s32 v3, v8;
	v7 =	vld [tilespmem:s1+$0xFFFFFF20];
	v5 =	vor.u32 $0x1, v5  }
0x2e: {  	v8 =	vmov s25;
	v6 =	vor.u32 $0x1, v6;
	v9 =	vld [tilespmem:s1+$0xFFFFFF30]  }
0x2f: {  	v8 =	vshrl.u32 v8, $0x3  }
0x30: {  	v8 =	vshll.u32 v8, v1  }
0x31: {  	v8 =	vbroadcast v8, $0x0  }
0x32: {  	[tilespmem:v5+s17+$0x0] =	vst.idx.msk $0xffff, v7  }
0x33: {  	v5 =	vadd.s32 v4, v8;
	[tilespmem:v6+s17+$0x0] =	vst.idx.msk $0xffff, v9  }
0x34: {  	s26 =	simm.s32 $0x3;
	v6 =	vadd.s32 v3, v8;
	v5 =	vor.u32 $0x2, v5;
	v7 =	vld [tilespmem:s1+$0xFFFFFF40]  }
0x35: {  	v8 =	vmov s26;
	v9 =	vld [tilespmem:s1+$0xFFFFFF50];
	v6 =	vor.u32 $0x2, v6  }
0x36: {  	v8 =	vshrl.u32 v8, $0x3  }
0x37: {  	v8 =	vshll.u32 v8, v1  }
0x38: {  	v8 =	vbroadcast v8, $0x0  }
0x39: {  	[tilespmem:v5+s17+$0x0] =	vst.idx.msk $0xffff, v7  }
0x3a: {  	v5 =	vadd.s32 v4, v8;
	[tilespmem:v6+s17+$0x0] =	vst.idx.msk $0xffff, v9  }
0x3b: {  	s5 =	simm.s32 $0x4;
	v6 =	vadd.s32 v3, v8;
	v5 =	vor.u32 $0x3, v5;
	v7 =	vld [tilespmem:s1+$0xFFFFFF60]  }
0x3c: {  	v8 =	vmov s5;
	v9 =	vld [tilespmem:s1+$0xFFFFFF70];
	v6 =	vor.u32 $0x3, v6  }
0x3d: {  	v8 =	vshrl.u32 v8, $0x3  }
0x3e: {  	v8 =	vshll.u32 v8, v1  }
0x3f: {  	v8 =	vbroadcast v8, $0x0  }
0x40: {  	[tilespmem:v5+s17+$0x0] =	vst.idx.msk $0xffff, v7  }
0x41: {  	v5 =	vadd.s32 v4, v8;
	[tilespmem:v6+s17+$0x0] =	vst.idx.msk $0xffff, v9  }
0x42: {  	s10 =	simm.s32 $0x5;
	v6 =	vadd.s32 v3, v8;
	v5 =	vor.u32 $0x4, v5;
	v7 =	vld [tilespmem:s1+$0xFFFFFF80]  }
0x43: {  	v8 =	vmov s10;
	v9 =	vld [tilespmem:s1+$0xFFFFFF90];
	v6 =	vor.u32 $0x4, v6  }
0x44: {  	v8 =	vshrl.u32 v8, $0x3  }
0x45: {  	v8 =	vshll.u32 v8, v1  }
0x46: {  	v8 =	vbroadcast v8, $0x0  }
0x47: {  	[tilespmem:v5+s17+$0x0] =	vst.idx.msk $0xffff, v7  }
0x48: {  	v5 =	vadd.s32 v4, v8;
	[tilespmem:v6+s17+$0x0] =	vst.idx.msk $0xffff, v9  }
0x49: {  	s12 =	simm.s32 $0x6;
	v6 =	vadd.s32 v3, v8;
	v5 =	vor.u32 $0x5, v5;
	v7 =	vld [tilespmem:s1+$0xFFFFFFA0]  }
0x4a: {  	v8 =	vmov s12;
	v9 =	vld [tilespmem:s1+$0xFFFFFFB0];
	v6 =	vor.u32 $0x5, v6  }
0x4b: {  	v8 =	vshrl.u32 v8, $0x3  }
0x4c: {  	v8 =	vshll.u32 v8, v1  }
0x4d: {  	v8 =	vbroadcast v8, $0x0  }
0x4e: {  	[tilespmem:v5+s17+$0x0] =	vst.idx.msk $0xffff, v7  }
0x4f: {  	v5 =	vadd.s32 v4, v8;
	[tilespmem:v6+s17+$0x0] =	vst.idx.msk $0xffff, v9  }
0x50: {  	s13 =	simm.s32 $0x7;
	v6 =	vadd.s32 v3, v8;
	v5 =	vor.u32 $0x6, v5;
	v7 =	vld [tilespmem:s1+$0xFFFFFFC0]  }
0x51: {  	v8 =	vmov s13;
	v9 =	vld [tilespmem:s1+$0xFFFFFFD0];
	v6 =	vor.u32 $0x6, v6  }
0x52: {  	v8 =	vshrl.u32 v8, $0x3  }
0x53: {  	v8 =	vshll.u32 v8, v1  }
0x54: {  	v8 =	vbroadcast v8, $0x0  }
0x55: {  	[tilespmem:v5+s17+$0x0] =	vst.idx.msk $0xffff, v7  }
0x56: {  	v5 =	vadd.s32 v4, v8;
	[tilespmem:v6+s17+$0x0] =	vst.idx.msk $0xffff, v9  }
0x57: {  	v6 =	vadd.s32 v3, v8;
	v5 =	vor.u32 $0x7, v5;
	v7 =	vld [tilespmem:s1+$0xFFFFFFE0]  }
0x58: {  	s14 =	simm.s32 $0x8;
	v8 =	vld [tilespmem:s1+$0xFFFFFFF0];
	v6 =	vor.u32 $0x7, v6  }
0x59: {  	v9 =	vmov s14  }
0x5a: {  	v9 =	vshrl.u32 v9, $0x3  }
0x5b: {  	v9 =	vshll.u32 v9, v1  }
0x5c: {  	v9 =	vbroadcast v9, $0x0;
	[tilespmem:v5+s17+$0x0] =	vst.idx.msk $0xffff, v7  }
0x5d: {  	[tilespmem:v6+s17+$0x0] =	vst.idx.msk $0xffff, v8  }
0x5e: {  	s16 =	simm.s32 $0x9;
	v5 =	vadd.s32 v4, v9;
	v6 =	vld [tilespmem:s1+$0x0]  }
0x5f: {  	v7 =	vmov s16;
	v8 =	vadd.s32 v3, v9;
	v9 =	vld [tilespmem:s1+$0x10]  }
0x60: {  	v7 =	vshrl.u32 v7, $0x3  }
0x61: {  	v7 =	vshll.u32 v7, v1  }
0x62: {  	v7 =	vbroadcast v7, $0x0  }
0x63: {  	[tilespmem:v5+s17+$0x0] =	vst.idx.msk $0xffff, v6  }
0x64: {  	v5 =	vadd.s32 v4, v7;
	[tilespmem:v8+s17+$0x0] =	vst.idx.msk $0xffff, v9  }
0x65: {  	s18 =	simm.s32 $0xA;
	v6 =	vadd.s32 v3, v7;
	v5 =	vor.u32 $0x1, v5;
	v7 =	vld [tilespmem:s1+$0x20]  }
0x66: {  	v6 =	vor.u32 $0x1, v6;
	v9 =	vmov s18;
	v8 =	vld [tilespmem:s1+$0x30]  }
0x67: {  	v9 =	vshrl.u32 v9, $0x3  }
0x68: {  	v9 =	vshll.u32 v9, v1  }
0x69: {  	v9 =	vbroadcast v9, $0x0  }
0x6a: {  	[tilespmem:v5+s17+$0x0] =	vst.idx.msk $0xffff, v7  }
0x6b: {  	v5 =	vadd.s32 v4, v9;
	[tilespmem:v6+s17+$0x0] =	vst.idx.msk $0xffff, v8  }
0x6c: {  	s21 =	simm.s32 $0xB;
	v6 =	vadd.s32 v3, v9;
	v5 =	vor.u32 $0x2, v5;
	v7 =	vld [tilespmem:s1+$0x40]  }
0x6d: {  	v9 =	vmov s21;
	v8 =	vld [tilespmem:s1+$0x50];
	v6 =	vor.u32 $0x2, v6  }
0x6e: {  	v9 =	vshrl.u32 v9, $0x3  }
0x6f: {  	v9 =	vshll.u32 v9, v1  }
0x70: {  	v9 =	vbroadcast v9, $0x0  }
0x71: {  	[tilespmem:v5+s17+$0x0] =	vst.idx.msk $0xffff, v7  }
0x72: {  	v5 =	vadd.s32 v4, v9;
	[tilespmem:v6+s17+$0x0] =	vst.idx.msk $0xffff, v8  }
0x73: {  	s22 =	simm.s32 $0xC;
	v6 =	vadd.s32 v3, v9;
	v5 =	vor.u32 $0x3, v5;
	v7 =	vld [tilespmem:s1+$0x60]  }
0x74: {  	v9 =	vmov s22;
	v8 =	vld [tilespmem:s1+$0x70];
	v6 =	vor.u32 $0x3, v6  }
0x75: {  	v9 =	vshrl.u32 v9, $0x3  }
0x76: {  	v9 =	vshll.u32 v9, v1  }
0x77: {  	v9 =	vbroadcast v9, $0x0  }
0x78: {  	[tilespmem:v5+s17+$0x0] =	vst.idx.msk $0xffff, v7  }
0x79: {  	v5 =	vadd.s32 v4, v9;
	[tilespmem:v6+s17+$0x0] =	vst.idx.msk $0xffff, v8  }
0x7a: {  	s23 =	simm.s32 $0xD;
	v6 =	vadd.s32 v3, v9;
	v5 =	vor.u32 $0x4, v5;
	v7 =	vld [tilespmem:s1+$0x80]  }
0x7b: {  	v8 =	vmov s23;
	v9 =	vld [tilespmem:s1+$0x90];
	v6 =	vor.u32 $0x4, v6  }
0x7c: {  	v8 =	vshrl.u32 v8, $0x3  }
0x7d: {  	v8 =	vshll.u32 v8, v1  }
0x7e: {  	v8 =	vbroadcast v8, $0x0  }
0x7f: {  	[tilespmem:v5+s17+$0x0] =	vst.idx.msk $0xffff, v7  }
0x80: {  	v5 =	vadd.s32 v4, v8;
	[tilespmem:v6+s17+$0x0] =	vst.idx.msk $0xffff, v9  }
0x81: {  	s24 =	simm.s32 $0xE;
	v6 =	vadd.s32 v3, v8;
	v5 =	vor.u32 $0x5, v5;
	v7 =	vld [tilespmem:s1+$0xA0]  }
0x82: {  	v8 =	vmov s24;
	v9 =	vld [tilespmem:s1+$0xB0];
	v6 =	vor.u32 $0x5, v6  }
0x83: {  	v8 =	vshrl.u32 v8, $0x3  }
0x84: {  	v8 =	vshll.u32 v8, v1  }
0x85: {  	v8 =	vbroadcast v8, $0x0  }
0x86: {  	[tilespmem:v5+s17+$0x0] =	vst.idx.msk $0xffff, v7  }
0x87: {  	v5 =	vadd.s32 v4, v8;
	[tilespmem:v6+s17+$0x0] =	vst.idx.msk $0xffff, v9  }
0x88: {  	s25 =	simm.s32 $0xF;
	v6 =	vadd.s32 v3, v8;
	v5 =	vor.u32 $0x6, v5;
	v7 =	vld [tilespmem:s1+$0xC0]  }
0x89: {  	v8 =	vmov s25;
	v9 =	vld [tilespmem:s1+$0xD0];
	v6 =	vor.u32 $0x6, v6  }
0x8a: {  	v8 =	vshrl.u32 v8, $0x3  }
0x8b: {  	v8 =	vshll.u32 v8, v1  }
0x8c: {  	v8 =	vbroadcast v8, $0x0  }
0x8d: {  	[tilespmem:v5+s17+$0x0] =	vst.idx.msk $0xffff, v7  }
0x8e: {  	s26 =	simm.s32 $0x0;
	v4 =	vadd.s32 v4, v8;
	[tilespmem:v6+s17+$0x0] =	vst.idx.msk $0xffff, v9  }
0x8f: {  	s0 =	simm.s32 $0x3700;
	v3 =	vadd.s32 v3, v8;
	v5 =	vmov s26;
	v11 =	vor.u32 $0x7, v4;
	v10 =	vld [tilespmem:s1+$0xE0]  }
0x90: {  	s5 =	simm.s32 $0x11;
	s10 =	simm.s32 $0x12;
	s13 =	simm.s32 $0x10;
	v4 =	vor.u32 $0x7, v3;
	v5 =	vmul.u32 $0x1100, v5;
	v6 =	vld [tilespmem:s1+$0xF0]  }
0x91: {  	s12 =	simm.s32 $0x20;
	s14 =	simm.s32 $0x1;
	s16 =	simm.s32 $0x19;
	v3 =	vmov s13  }
0x92: {  	s18 =	simm.s32 $0x18;
	s21 =	simm.s32 $0x17;
	s22 =	simm.s32 $0x16;
	v7 =	vmov s5;
	v3 =	vshrl.u32 v3, $0x3;
	v5 =	vbroadcast v5, $0x0  }
0x93: {  	s23 =	simm.s32 $0x15;
	s24 =	simm.s32 $0x14;
	s25 =	simm.s32 $0x13;
	v8 =	vmov s10;
	v7 =	vshrl.u32 v7, $0x3;
	v9 =	vshll.u32 v3, v1  }
0x94: {  	s10 =	simm.s32 $0x1A;
	s5 =	simm.s32 $0x1B;
	v7 =	vshll.u32 v7, v1;
	s1 =	simm.s32 $0x1C;
	v9 =	vbroadcast v9, $0x0;
	v3 =	vadd.s32 v0, v5;
	[tilespmem:v11+s17+$0x0] =	vst.idx.msk $0xffff, v10  }
.LBB2_3:
0x95: {  	v8 =	vshrl.u32 v8, $0x3;
	v10 =	vmov s25;
	v11 =	vmov s24;
	s26 =	sadd.s32 $0xD, s13;
	s25 =	sadd.s32 $0xE, s13;
	s24 =	sadd.s32 $0xF, s13;
	[tilespmem:v4+s17+$0x0] =	vst.idx.msk $0xffff, v6  }
0x96: {  	p0 =	sne.s32 s12, $0x1F0;
	v4 =	vadd.s32 v2, v5;
	s13 =	smov.u32 s12;
	s12 =	sadd.s32 $0x10, s12;
	v6 =	vld [tilespmem:s0+$0xFFFFFF00];
	v12 =	vadd.s32 v3, v9;
	v5 =	vshll.u32 v8, v1  }
0x97: {  	v9 =	vadd.s32 v4, v9;
	v10 =	vshrl.u32 v10, $0x3;
	v8 =	vld [tilespmem:s0+$0xFFFFFF10];
	v5 =	vbroadcast v5, $0x0  }
0x98: {  	v13 =	vmov s23;
	v11 =	vshrl.u32 v11, $0x3;
	v10 =	vshll.u32 v10, v1  }
0x99: {  	v10 =	vbroadcast v10, $0x0;
	v14 =	vadd.s32 v3, v5;
	v5 =	vadd.s32 v4, v5  }
0x9a: {  	v7 =	vbroadcast v7, $0x0;
	v13 =	vshrl.u32 v13, $0x3;
	v11 =	vshll.u32 v11, v1  }
0x9b: {  	v11 =	vbroadcast v11, $0x0;
	[tilespmem:v12+s17+$0x0] =	vst.idx.msk $0xffff, v6;
	v6 =	vadd.s32 v3, v10;
	v10 =	vadd.s32 v4, v10  }
0x9c: {  	[tilespmem:v9+s17+$0x0] =	vst.idx.msk $0xffff, v8;
	v8 =	vadd.s32 v3, v7;
	v7 =	vadd.s32 v4, v7;
	v9 =	vmov s22  }
0x9d: {  	v15 =	vadd.s32 v3, v11;
	v11 =	vadd.s32 v4, v11;
	v12 =	vld [tilespmem:s0+$0xFFFFFF20];
	v8 =	vor.u32 $0x1, v8  }
0x9e: {  	v13 =	vshll.u32 v13, v1;
	v7 =	vor.u32 $0x1, v7;
	v9 =	vshrl.u32 v9, $0x3;
	v16 =	vld [tilespmem:s0+$0xFFFFFF30]  }
0x9f: {  	v17 =	vmov s21;
	v13 =	vbroadcast v13, $0x0;
	v9 =	vshll.u32 v9, v1  }
0xa0: {  	v18 =	vmov s18;
	v17 =	vshrl.u32 v17, $0x3;
	v9 =	vbroadcast v9, $0x0  }
0xa1: {  	v17 =	vshll.u32 v17, v1;
	v19 =	vadd.s32 v3, v13;
	v13 =	vadd.s32 v4, v13  }
0xa2: {  	v20 =	vadd.s32 v4, v9;
	[tilespmem:v8+s17+$0x0] =	vst.idx.msk $0xffff, v12;
	v12 =	vadd.s32 v3, v9;
	v8 =	vbroadcast v17, $0x0  }
0xa3: {  	v9 =	vmov s16;
	[tilespmem:v7+s17+$0x0] =	vst.idx.msk $0xffff, v16;
	v7 =	vshrl.u32 v18, $0x3;
	v16 =	vmov s26  }
0xa4: {  	v14 =	vor.u32 $0x2, v14;
	v17 =	vld [tilespmem:s0+$0xFFFFFF40];
	v18 =	vadd.s32 v3, v8;
	v21 =	vadd.s32 v4, v8  }
0xa5: {  	v5 =	vor.u32 $0x2, v5;
	v9 =	vshrl.u32 v9, $0x3;
	v7 =	vshll.u32 v7, v1;
	v8 =	vld [tilespmem:s0+$0xFFFFFF50]  }
0xa6: {  	v9 =	vshll.u32 v9, v1;
	v16 =	vshrl.u32 v16, $0x3;
	v7 =	vbroadcast v7, $0x0  }
0xa7: {  	v22 =	vmov s25;
	v9 =	vbroadcast v9, $0x0;
	v16 =	vshll.u32 v16, v1  }
0xa8: {  	v23 =	vadd.s32 v3, v7;
	v24 =	vadd.s32 v4, v7;
	v7 =	vbroadcast v16, $0x0  }
0xa9: {  	v16 =	vadd.s32 v4, v9;
	[tilespmem:v14+s17+$0x0] =	vst.idx.msk $0xffff, v17;
	v14 =	vadd.s32 v3, v9;
	v9 =	vshrl.u32 v22, $0x3  }
0xaa: {  	[tilespmem:v5+s17+$0x0] =	vst.idx.msk $0xffff, v8;
	v8 =	vadd.s32 v3, v7;
	v7 =	vadd.s32 v4, v7;
	v5 =	vmov s24  }
0xab: {  	v22 =	vor.u32 $0x3, v6;
	v6 =	vshll.u32 v9, v1;
	v17 =	vld [tilespmem:s0+$0xFFFFFF60];
	v5 =	vshrl.u32 v5, $0x3  }
0xac: {  	v26 =	vor.u32 $0x3, v10;
	v6 =	vbroadcast v6, $0x0;
	v25 =	vld [tilespmem:s0+$0xFFFFFF70];
	v5 =	vshll.u32 v5, v1  }
0xad: {  	v5 =	vbroadcast v5, $0x0  }
0xae: {  	v10 =	vadd.s32 v3, v6;
	v9 =	vadd.s32 v4, v6  }
0xaf: {  	v6 =	vadd.s32 v3, v5;
	v5 =	vadd.s32 v4, v5  }
0xb0: {  	[tilespmem:v22+s17+$0x0] =	vst.idx.msk $0xffff, v17  }
0xb1: {  	[tilespmem:v26+s17+$0x0] =	vst.idx.msk $0xffff, v25  }
0xb2: {  	v15 =	vor.u32 $0x4, v15;
	v17 =	vld [tilespmem:s0+$0xFFFFFF80]  }
0xb3: {  	v11 =	vor.u32 $0x4, v11;
	v22 =	vld [tilespmem:s0+$0xFFFFFF90];
	_ =	sdelay $0x3  }
0xb4: {  	[tilespmem:v15+s17+$0x0] =	vst.idx.msk $0xffff, v17  }
0xb5: {  	[tilespmem:v11+s17+$0x0] =	vst.idx.msk $0xffff, v22  }
0xb6: {  	v15 =	vor.u32 $0x5, v19;
	v11 =	vld [tilespmem:s0+$0xFFFFFFA0]  }
0xb7: {  	v13 =	vor.u32 $0x5, v13;
	v17 =	vld [tilespmem:s0+$0xFFFFFFB0];
	_ =	sdelay $0x3  }
0xb8: {  	[tilespmem:v15+s17+$0x0] =	vst.idx.msk $0xffff, v11  }
0xb9: {  	[tilespmem:v13+s17+$0x0] =	vst.idx.msk $0xffff, v17  }
0xba: {  	v12 =	vor.u32 $0x6, v12;
	v11 =	vld [tilespmem:s0+$0xFFFFFFC0]  }
0xbb: {  	v15 =	vor.u32 $0x6, v20;
	v13 =	vld [tilespmem:s0+$0xFFFFFFD0];
	_ =	sdelay $0x3  }
0xbc: {  	[tilespmem:v12+s17+$0x0] =	vst.idx.msk $0xffff, v11  }
0xbd: {  	[tilespmem:v15+s17+$0x0] =	vst.idx.msk $0xffff, v13  }
0xbe: {  	v12 =	vor.u32 $0x7, v18;
	v11 =	vld [tilespmem:s0+$0xFFFFFFE0]  }
0xbf: {  	v15 =	vor.u32 $0x7, v21;
	v13 =	vld [tilespmem:s0+$0xFFFFFFF0];
	_ =	sdelay $0x3  }
0xc0: {  	[tilespmem:v12+s17+$0x0] =	vst.idx.msk $0xffff, v11  }
0xc1: {  	[tilespmem:v15+s17+$0x0] =	vst.idx.msk $0xffff, v13  }
0xc2: {  	v11 =	vld [tilespmem:s0+$0x0]  }
0xc3: {  	v12 =	vld [tilespmem:s0+$0x10];
	_ =	sdelay $0x3  }
0xc4: {  	[tilespmem:v23+s17+$0x0] =	vst.idx.msk $0xffff, v11  }
0xc5: {  	[tilespmem:v24+s17+$0x0] =	vst.idx.msk $0xffff, v12  }
0xc6: {  	v12 =	vor.u32 $0x1, v14;
	v11 =	vld [tilespmem:s0+$0x20]  }
0xc7: {  	v15 =	vmov s10;
	v14 =	vor.u32 $0x1, v16;
	v13 =	vld [tilespmem:s0+$0x30]  }
0xc8: {  	v15 =	vshrl.u32 v15, $0x3  }
0xc9: {  	v15 =	vshll.u32 v15, v1  }
0xca: {  	v15 =	vbroadcast v15, $0x0  }
0xcb: {  	[tilespmem:v12+s17+$0x0] =	vst.idx.msk $0xffff, v11  }
0xcc: {  	v11 =	vadd.s32 v3, v15;
	v12 =	vadd.s32 v4, v15;
	[tilespmem:v14+s17+$0x0] =	vst.idx.msk $0xffff, v13  }
0xcd: {  	v11 =	vor.u32 $0x2, v11;
	v13 =	vld [tilespmem:s0+$0x40]  }
0xce: {  	v15 =	vmov s5;
	v12 =	vor.u32 $0x2, v12;
	v14 =	vld [tilespmem:s0+$0x50]  }
0xcf: {  	v15 =	vshrl.u32 v15, $0x3  }
0xd0: {  	v15 =	vshll.u32 v15, v1  }
0xd1: {  	v15 =	vbroadcast v15, $0x0  }
0xd2: {  	[tilespmem:v11+s17+$0x0] =	vst.idx.msk $0xffff, v13  }
0xd3: {  	v11 =	vadd.s32 v3, v15;
	[tilespmem:v12+s17+$0x0] =	vst.idx.msk $0xffff, v14;
	v12 =	vadd.s32 v4, v15  }
0xd4: {  	v11 =	vor.u32 $0x3, v11;
	v13 =	vld [tilespmem:s0+$0x60]  }
0xd5: {  	v15 =	vmov s1;
	v12 =	vor.u32 $0x3, v12;
	v14 =	vld [tilespmem:s0+$0x70]  }
0xd6: {  	v15 =	vshrl.u32 v15, $0x3  }
0xd7: {  	v15 =	vshll.u32 v15, v1  }
0xd8: {  	v15 =	vbroadcast v15, $0x0  }
0xd9: {  	[tilespmem:v11+s17+$0x0] =	vst.idx.msk $0xffff, v13  }
0xda: {  	v3 =	vadd.s32 v3, v15;
	v4 =	vadd.s32 v4, v15;
	[tilespmem:v12+s17+$0x0] =	vst.idx.msk $0xffff, v14  }
0xdb: {  	v3 =	vor.u32 $0x4, v3;
	v11 =	vld [tilespmem:s0+$0x80]  }
0xdc: {  	v4 =	vor.u32 $0x4, v4;
	v12 =	vld [tilespmem:s0+$0x90];
	_ =	sdelay $0x3  }
0xdd: {  	[tilespmem:v3+s17+$0x0] =	vst.idx.msk $0xffff, v11  }
0xde: {  	[tilespmem:v4+s17+$0x0] =	vst.idx.msk $0xffff, v12  }
0xdf: {  	v4 =	vor.u32 $0x5, v8;
	v3 =	vld [tilespmem:s0+$0xA0]  }
0xe0: {  	v7 =	vor.u32 $0x5, v7;
	v8 =	vld [tilespmem:s0+$0xB0];
	_ =	sdelay $0x3  }
0xe1: {  	[tilespmem:v4+s17+$0x0] =	vst.idx.msk $0xffff, v3  }
0xe2: {  	[tilespmem:v7+s17+$0x0] =	vst.idx.msk $0xffff, v8  }
0xe3: {  	v4 =	vor.u32 $0x6, v10;
	v3 =	vld [tilespmem:s0+$0xC0]  }
0xe4: {  	v8 =	vor.u32 $0x6, v9;
	v7 =	vld [tilespmem:s0+$0xD0];
	_ =	sdelay $0x3  }
0xe5: {  	s14 =	sadd.s32 $0x1, s14;
	[tilespmem:v4+s17+$0x0] =	vst.idx.msk $0xffff, v3  }
0xe6: {  	s1 =	sshrl.u32 s14, $0x3;
	[tilespmem:v8+s17+$0x0] =	vst.idx.msk $0xffff, v7  }
0xe7: {  	v11 =	vor.u32 $0x7, v6;
	v3 =	vmov s1;
	s1 =	sshll.u32 s1, $0x7;
	v10 =	vld [tilespmem:s0+$0xE0]  }
.Ltmp0:
0xe8: {  	v4 =	vor.u32 $0x7, v5;
	s13 =	ssub.s32 s13, s1;
	v3 =	vmul.u32 $0x1100, v3;
	v6 =	vld [tilespmem:s0+$0xF0];
	s0 =	sadd.s32 $0x200, s0;
	(pc) =	sbr.rel @p0 .LBB2_3-.Ltmp0, $4  }
0xe9: {  	v5 =	vmov s13;
	s1 =	sadd.s32 $0x1, s13;
	s5 =	sadd.s32 $0x2, s13;
	s25 =	sadd.s32 $0x3, s13  }
0xea: {  	s24 =	sadd.s32 $0x4, s13;
	s23 =	sadd.s32 $0x5, s13;
	s22 =	sadd.s32 $0x6, s13;
	v7 =	vshrl.u32 v5, $0x3;
	v5 =	vbroadcast v3, $0x0;
	v3 =	vmov s1  }
0xeb: {  	s21 =	sadd.s32 $0x7, s13;
	s18 =	sadd.s32 $0x8, s13;
	s16 =	sadd.s32 $0x9, s13;
	v8 =	vmov s5;
	v7 =	vshll.u32 v7, v1;
	v12 =	vshrl.u32 v3, $0x3  }
0xec: {  	s10 =	sadd.s32 $0xA, s13;
	s5 =	sadd.s32 $0xB, s13;
	s1 =	sadd.s32 $0xC, s13;
	v3 =	vadd.s32 v0, v5;
	v9 =	vbroadcast v7, $0x0;
	v7 =	vshll.u32 v12, v1;
	[tilespmem:v11+s17+$0x0] =	vst.idx.msk $0xffff, v10  }
0xed: {  	_ =	sdelay $0x3  }
0xee: {  	[tilespmem:v4+s17+$0x0] =	vst.idx.msk $0xffff, v6  }
0xef: {  	v4 =	vadd.s32 v2, v5;
	v6 =	vld [tilespmem:s0+$0xFFFFFF00];
	v10 =	vadd.s32 v3, v9  }
0xf0: {  	v5 =	vld [tilespmem:s0+$0xFFFFFF10];
	v9 =	vadd.s32 v4, v9;
	_ =	sdelay $0x2  }
0xf1: {  	v7 =	vbroadcast v7, $0x0  }
0xf2: {  	[tilespmem:v10+s17+$0x0] =	vst.idx.msk $0xffff, v6  }
0xf3: {  	[tilespmem:v9+s17+$0x0] =	vst.idx.msk $0xffff, v5;
	v5 =	vadd.s32 v3, v7  }
0xf4: {  	v6 =	vadd.s32 v4, v7;
	v7 =	vld [tilespmem:s0+$0xFFFFFF20];
	v5 =	vor.u32 $0x1, v5  }
0xf5: {  	v6 =	vor.u32 $0x1, v6;
	v9 =	vld [tilespmem:s0+$0xFFFFFF30]  }
0xf6: {  	v8 =	vshrl.u32 v8, $0x3  }
0xf7: {  	v8 =	vshll.u32 v8, v1  }
0xf8: {  	v8 =	vbroadcast v8, $0x0  }
0xf9: {  	[tilespmem:v5+s17+$0x0] =	vst.idx.msk $0xffff, v7  }
0xfa: {  	v5 =	vadd.s32 v3, v8;
	[tilespmem:v6+s17+$0x0] =	vst.idx.msk $0xffff, v9  }
0xfb: {  	v6 =	vadd.s32 v4, v8;
	v5 =	vor.u32 $0x2, v5;
	v7 =	vld [tilespmem:s0+$0xFFFFFF40]  }
0xfc: {  	v8 =	vmov s25;
	v9 =	vld [tilespmem:s0+$0xFFFFFF50];
	v6 =	vor.u32 $0x2, v6  }
0xfd: {  	v8 =	vshrl.u32 v8, $0x3  }
0xfe: {  	v8 =	vshll.u32 v8, v1  }
0xff: {  	v8 =	vbroadcast v8, $0x0  }
0x100: {  	[tilespmem:v5+s17+$0x0] =	vst.idx.msk $0xffff, v7  }
0x101: {  	v5 =	vadd.s32 v3, v8;
	[tilespmem:v6+s17+$0x0] =	vst.idx.msk $0xffff, v9  }
0x102: {  	v6 =	vadd.s32 v4, v8;
	v5 =	vor.u32 $0x3, v5;
	v7 =	vld [tilespmem:s0+$0xFFFFFF60]  }
0x103: {  	v8 =	vmov s24;
	v9 =	vld [tilespmem:s0+$0xFFFFFF70];
	v6 =	vor.u32 $0x3, v6  }
0x104: {  	v8 =	vshrl.u32 v8, $0x3  }
0x105: {  	v8 =	vshll.u32 v8, v1  }
0x106: {  	v8 =	vbroadcast v8, $0x0  }
0x107: {  	[tilespmem:v5+s17+$0x0] =	vst.idx.msk $0xffff, v7  }
0x108: {  	v5 =	vadd.s32 v3, v8;
	[tilespmem:v6+s17+$0x0] =	vst.idx.msk $0xffff, v9  }
0x109: {  	v6 =	vadd.s32 v4, v8;
	v5 =	vor.u32 $0x4, v5;
	v7 =	vld [tilespmem:s0+$0xFFFFFF80]  }
0x10a: {  	v8 =	vmov s23;
	v9 =	vld [tilespmem:s0+$0xFFFFFF90];
	v6 =	vor.u32 $0x4, v6  }
0x10b: {  	v8 =	vshrl.u32 v8, $0x3  }
0x10c: {  	v8 =	vshll.u32 v8, v1  }
0x10d: {  	v8 =	vbroadcast v8, $0x0  }
0x10e: {  	[tilespmem:v5+s17+$0x0] =	vst.idx.msk $0xffff, v7  }
0x10f: {  	v5 =	vadd.s32 v3, v8;
	[tilespmem:v6+s17+$0x0] =	vst.idx.msk $0xffff, v9  }
0x110: {  	v6 =	vadd.s32 v4, v8;
	v5 =	vor.u32 $0x5, v5;
	v7 =	vld [tilespmem:s0+$0xFFFFFFA0]  }
0x111: {  	v8 =	vmov s22;
	v9 =	vld [tilespmem:s0+$0xFFFFFFB0];
	v6 =	vor.u32 $0x5, v6  }
0x112: {  	v8 =	vshrl.u32 v8, $0x3  }
0x113: {  	v8 =	vshll.u32 v8, v1  }
0x114: {  	v8 =	vbroadcast v8, $0x0  }
0x115: {  	[tilespmem:v5+s17+$0x0] =	vst.idx.msk $0xffff, v7  }
0x116: {  	v5 =	vadd.s32 v3, v8;
	[tilespmem:v6+s17+$0x0] =	vst.idx.msk $0xffff, v9  }
0x117: {  	v6 =	vadd.s32 v4, v8;
	v5 =	vor.u32 $0x6, v5;
	v7 =	vld [tilespmem:s0+$0xFFFFFFC0]  }
0x118: {  	v8 =	vmov s21;
	v9 =	vld [tilespmem:s0+$0xFFFFFFD0];
	v6 =	vor.u32 $0x6, v6  }
0x119: {  	v8 =	vshrl.u32 v8, $0x3  }
0x11a: {  	v8 =	vshll.u32 v8, v1  }
0x11b: {  	v8 =	vbroadcast v8, $0x0  }
0x11c: {  	[tilespmem:v5+s17+$0x0] =	vst.idx.msk $0xffff, v7  }
0x11d: {  	v5 =	vadd.s32 v3, v8;
	[tilespmem:v6+s17+$0x0] =	vst.idx.msk $0xffff, v9  }
0x11e: {  	v6 =	vadd.s32 v4, v8;
	v5 =	vor.u32 $0x7, v5;
	v7 =	vld [tilespmem:s0+$0xFFFFFFE0]  }
0x11f: {  	v8 =	vld [tilespmem:s0+$0xFFFFFFF0];
	v6 =	vor.u32 $0x7, v6  }
0x120: {  	v9 =	vmov s18  }
0x121: {  	v9 =	vshrl.u32 v9, $0x3  }
0x122: {  	v9 =	vshll.u32 v9, v1  }
0x123: {  	v9 =	vbroadcast v9, $0x0;
	[tilespmem:v5+s17+$0x0] =	vst.idx.msk $0xffff, v7  }
0x124: {  	[tilespmem:v6+s17+$0x0] =	vst.idx.msk $0xffff, v8  }
0x125: {  	v5 =	vadd.s32 v3, v9;
	v6 =	vld [tilespmem:s0+$0x0]  }
0x126: {  	v7 =	vmov s16;
	v8 =	vadd.s32 v4, v9;
	v9 =	vld [tilespmem:s0+$0x10]  }
0x127: {  	v7 =	vshrl.u32 v7, $0x3  }
0x128: {  	v7 =	vshll.u32 v7, v1  }
0x129: {  	v7 =	vbroadcast v7, $0x0  }
0x12a: {  	[tilespmem:v5+s17+$0x0] =	vst.idx.msk $0xffff, v6  }
0x12b: {  	v5 =	vadd.s32 v3, v7;
	[tilespmem:v8+s17+$0x0] =	vst.idx.msk $0xffff, v9  }
0x12c: {  	v6 =	vadd.s32 v4, v7;
	v5 =	vor.u32 $0x1, v5;
	v7 =	vld [tilespmem:s0+$0x20]  }
0x12d: {  	v8 =	vmov s10;
	v6 =	vor.u32 $0x1, v6;
	v9 =	vld [tilespmem:s0+$0x30]  }
0x12e: {  	v8 =	vshrl.u32 v8, $0x3  }
0x12f: {  	v8 =	vshll.u32 v8, v1  }
0x130: {  	v8 =	vbroadcast v8, $0x0  }
0x131: {  	[tilespmem:v5+s17+$0x0] =	vst.idx.msk $0xffff, v7  }
0x132: {  	v5 =	vadd.s32 v3, v8;
	[tilespmem:v6+s17+$0x0] =	vst.idx.msk $0xffff, v9  }
0x133: {  	v6 =	vadd.s32 v4, v8;
	v5 =	vor.u32 $0x2, v5;
	v7 =	vld [tilespmem:s0+$0x40]  }
0x134: {  	v8 =	vmov s5;
	v9 =	vld [tilespmem:s0+$0x50];
	v6 =	vor.u32 $0x2, v6  }
0x135: {  	v8 =	vshrl.u32 v8, $0x3  }
0x136: {  	v8 =	vshll.u32 v8, v1  }
0x137: {  	v8 =	vbroadcast v8, $0x0  }
0x138: {  	[tilespmem:v5+s17+$0x0] =	vst.idx.msk $0xffff, v7  }
0x139: {  	v5 =	vadd.s32 v3, v8;
	[tilespmem:v6+s17+$0x0] =	vst.idx.msk $0xffff, v9  }
0x13a: {  	v6 =	vadd.s32 v4, v8;
	v5 =	vor.u32 $0x3, v5;
	v7 =	vld [tilespmem:s0+$0x60]  }
0x13b: {  	v9 =	vmov s1;
	v8 =	vld [tilespmem:s0+$0x70];
	v6 =	vor.u32 $0x3, v6  }
0x13c: {  	v9 =	vshrl.u32 v9, $0x3  }
0x13d: {  	v9 =	vshll.u32 v9, v1  }
0x13e: {  	v9 =	vbroadcast v9, $0x0  }
0x13f: {  	[tilespmem:v5+s17+$0x0] =	vst.idx.msk $0xffff, v7  }
0x140: {  	v5 =	vadd.s32 v3, v9;
	[tilespmem:v6+s17+$0x0] =	vst.idx.msk $0xffff, v8  }
0x141: {  	s21 =	sadd.s32 $0xD, s13;
	v6 =	vadd.s32 v4, v9;
	v5 =	vor.u32 $0x4, v5;
	v7 =	vld [tilespmem:s0+$0x80]  }
0x142: {  	v8 =	vmov s21;
	v9 =	vld [tilespmem:s0+$0x90];
	v6 =	vor.u32 $0x4, v6  }
0x143: {  	v8 =	vshrl.u32 v8, $0x3  }
0x144: {  	v8 =	vshll.u32 v8, v1  }
0x145: {  	v8 =	vbroadcast v8, $0x0  }
0x146: {  	[tilespmem:v5+s17+$0x0] =	vst.idx.msk $0xffff, v7  }
0x147: {  	v5 =	vadd.s32 v3, v8;
	[tilespmem:v6+s17+$0x0] =	vst.idx.msk $0xffff, v9  }
0x148: {  	s22 =	sadd.s32 $0xE, s13;
	v6 =	vadd.s32 v4, v8;
	v5 =	vor.u32 $0x5, v5;
	v7 =	vld [tilespmem:s0+$0xA0]  }
0x149: {  	v8 =	vmov s22;
	v9 =	vld [tilespmem:s0+$0xB0];
	v6 =	vor.u32 $0x5, v6  }
0x14a: {  	v8 =	vshrl.u32 v8, $0x3  }
0x14b: {  	v8 =	vshll.u32 v8, v1  }
0x14c: {  	v8 =	vbroadcast v8, $0x0  }
0x14d: {  	[tilespmem:v5+s17+$0x0] =	vst.idx.msk $0xffff, v7  }
0x14e: {  	v5 =	vadd.s32 v3, v8;
	[tilespmem:v6+s17+$0x0] =	vst.idx.msk $0xffff, v9  }
0x14f: {  	s23 =	sadd.s32 $0xF, s13;
	v6 =	vadd.s32 v4, v8;
	v5 =	vor.u32 $0x6, v5;
	v7 =	vld [tilespmem:s0+$0xC0]  }
0x150: {  	v8 =	vmov s23;
	v9 =	vld [tilespmem:s0+$0xD0];
	v6 =	vor.u32 $0x6, v6  }
0x151: {  	v8 =	vshrl.u32 v8, $0x3  }
0x152: {  	v8 =	vshll.u32 v8, v1  }
0x153: {  	v8 =	vbroadcast v8, $0x0  }
0x154: {  	[tilespmem:v5+s17+$0x0] =	vst.idx.msk $0xffff, v7  }
0x155: {  	v3 =	vadd.s32 v3, v8;
	[tilespmem:v6+s17+$0x0] =	vst.idx.msk $0xffff, v9  }
0x156: {  	v4 =	vadd.s32 v4, v8;
	v3 =	vor.u32 $0x7, v3;
	v5 =	vld [tilespmem:s0+$0xE0]  }
0x157: {  	v4 =	vor.u32 $0x7, v4;
	v6 =	vld [tilespmem:s0+$0xF0];
	_ =	sdelay $0x1  }
0x158: {  	s24 =	sshll.u32 s30, $0x14  }
0x159: {  	s0 =	sor.u32 s6, s24  }
0x15a: {  	s0 =	sshrl.u32 s0, $0x3;
	[tilespmem:v3+s17+$0x0] =	vst.idx.msk $0xffff, v5  }
0x15b: {  	s1 =	sadd.s32 s2, s0;
	[tilespmem:v4+s17+$0x0] =	vst.idx.msk $0xffff, v6  }
0x15c: {  	[hbm4b:s1+s3] =	stream.linear.scatter [tilespmem:s17], [sflag:$0x3], $0x80, $0x38;
	[tilespmem:$0x13C00] =	vst v63  }
0x15d: {  	s26 =	simm.s32 $0xB488;
	s25 =	sadd.s32 $0x10, s1  }
0x15e: {  	[hbm4b:s25+s3] =	stream.linear.scatter [tilespmem:s26], [sflag:$0x3], $0x80, $0x38;
	[tilespmem:$0x13C00] =	vst v63  }
0x15f: {  	s12 =	simm.s32 $0xB510;
	s10 =	sadd.s32 $0x20, s1  }
0x160: {  	[hbm4b:s10+s3] =	stream.linear.scatter [tilespmem:s12], [sflag:$0x3], $0x80, $0x38;
	[tilespmem:$0x13C00] =	vst v63  }
0x161: {  	s14 =	simm.s32 $0xB598;
	s13 =	sadd.s32 $0x30, s1  }
0x162: {  	[hbm4b:s13+s3] =	stream.linear.scatter [tilespmem:s14], [sflag:$0x3], $0x80, $0x38;
	[tilespmem:$0x13C00] =	vst v63  }
0x163: {  	s18 =	simm.s32 $0xB620;
	s16 =	sadd.s32 $0x40, s1  }
0x164: {  	[hbm4b:s16+s3] =	stream.linear.scatter [tilespmem:s18], [sflag:$0x3], $0x80, $0x38;
	[tilespmem:$0x13C00] =	vst v63  }
0x165: {  	s22 =	simm.s32 $0xB6A8;
	s21 =	sadd.s32 $0x50, s1  }
0x166: {  	[hbm4b:s21+s3] =	stream.linear.scatter [tilespmem:s22], [sflag:$0x3], $0x80, $0x38;
	[tilespmem:$0x13C00] =	vst v63  }
0x167: {  	s24 =	simm.s32 $0xB730;
	s23 =	sadd.s32 $0x60, s1  }
0x168: {  	[hbm4b:s23+s3] =	stream.linear.scatter [tilespmem:s24], [sflag:$0x3], $0x80, $0x38;
	[tilespmem:$0x13C00] =	vst v63  }
0x169: {  	s25 =	sadd.s32 $0x70, s1;
	s26 =	simm.s32 $0xB7B8  }
0x16a: {  	[hbm4b:s25+s3] =	stream.linear.scatter [tilespmem:s26], [sflag:$0x3], $0x80, $0x38;
	[tilespmem:$0x13C00] =	vst v63  }
0x16b: {  	s10 =	sadd.s32 $0x80, s1;
	s12 =	simm.s32 $0xC500  }
0x16c: {  	[hbm4b:s10+s3] =	stream.linear.scatter [tilespmem:s12], [sflag:$0x3], $0x80, $0x38;
	[tilespmem:$0x13C00] =	vst v63  }
0x16d: {  	s13 =	sadd.s32 $0x90, s1;
	s14 =	simm.s32 $0xC588  }
0x16e: {  	[hbm4b:s13+s3] =	stream.linear.scatter [tilespmem:s14], [sflag:$0x3], $0x80, $0x38;
	[tilespmem:$0x13C00] =	vst v63  }
0x16f: {  	s16 =	sadd.s32 $0xA0, s1;
	s18 =	simm.s32 $0xC610  }
0x170: {  	[hbm4b:s16+s3] =	stream.linear.scatter [tilespmem:s18], [sflag:$0x3], $0x80, $0x38;
	[tilespmem:$0x13C00] =	vst v63  }
0x171: {  	s21 =	sadd.s32 $0xB0, s1;
	s22 =	simm.s32 $0xC698  }
0x172: {  	[hbm4b:s21+s3] =	stream.linear.scatter [tilespmem:s22], [sflag:$0x3], $0x80, $0x38;
	[tilespmem:$0x13C00] =	vst v63  }
0x173: {  	s23 =	sadd.s32 $0xC0, s1;
	s24 =	simm.s32 $0xC720  }
0x174: {  	[hbm4b:s23+s3] =	stream.linear.scatter [tilespmem:s24], [sflag:$0x3], $0x80, $0x38;
	[tilespmem:$0x13C00] =	vst v63  }
0x175: {  	s25 =	sadd.s32 $0xD0, s1;
	s26 =	simm.s32 $0xC7A8  }
0x176: {  	[hbm4b:s25+s3] =	stream.linear.scatter [tilespmem:s26], [sflag:$0x3], $0x80, $0x38;
	[tilespmem:$0x13C00] =	vst v63  }
0x177: {  	s10 =	sadd.s32 $0xE0, s1;
	s12 =	simm.s32 $0xC830  }
0x178: {  	[hbm4b:s10+s3] =	stream.linear.scatter [tilespmem:s12], [sflag:$0x3], $0x80, $0x38;
	[tilespmem:$0x13C00] =	vst v63  }
0x179: {  	s13 =	sadd.s32 $0xF0, s1;
	s14 =	simm.s32 $0xC8B8  }
0x17a: {  	[hbm4b:s13+s3] =	stream.linear.scatter [tilespmem:s14], [sflag:$0x3], $0x80, $0x38;
	[tilespmem:$0x13C00] =	vst v63  }
0x17b: {  	s16 =	sadd.s32 $0x100, s1;
	s18 =	simm.s32 $0xD600  }
0x17c: {  	[hbm4b:s16+s3] =	stream.linear.scatter [tilespmem:s18], [sflag:$0x3], $0x80, $0x38;
	[tilespmem:$0x13C00] =	vst v63  }
0x17d: {  	s21 =	sadd.s32 $0x110, s1;
	s22 =	simm.s32 $0xD688  }
0x17e: {  	[hbm4b:s21+s3] =	stream.linear.scatter [tilespmem:s22], [sflag:$0x3], $0x80, $0x38;
	[tilespmem:$0x13C00] =	vst v63  }
0x17f: {  	s23 =	sadd.s32 $0x120, s1;
	s24 =	simm.s32 $0xD710  }
0x180: {  	[hbm4b:s23+s3] =	stream.linear.scatter [tilespmem:s24], [sflag:$0x3], $0x80, $0x38;
	[tilespmem:$0x13C00] =	vst v63  }
0x181: {  	s25 =	sadd.s32 $0x130, s1;
	s26 =	simm.s32 $0xD798  }
0x182: {  	[hbm4b:s25+s3] =	stream.linear.scatter [tilespmem:s26], [sflag:$0x3], $0x80, $0x38;
	[tilespmem:$0x13C00] =	vst v63  }
0x183: {  	s10 =	sadd.s32 $0x140, s1;
	s12 =	simm.s32 $0xD820  }
0x184: {  	[hbm4b:s10+s3] =	stream.linear.scatter [tilespmem:s12], [sflag:$0x3], $0x80, $0x38;
	[tilespmem:$0x13C00] =	vst v63  }
0x185: {  	s13 =	sadd.s32 $0x150, s1;
	s14 =	simm.s32 $0xD8A8  }
0x186: {  	[hbm4b:s13+s3] =	stream.linear.scatter [tilespmem:s14], [sflag:$0x3], $0x80, $0x38;
	[tilespmem:$0x13C00] =	vst v63  }
0x187: {  	s16 =	sadd.s32 $0x160, s1;
	s18 =	simm.s32 $0xD930  }
0x188: {  	[hbm4b:s16+s3] =	stream.linear.scatter [tilespmem:s18], [sflag:$0x3], $0x80, $0x38;
	[tilespmem:$0x13C00] =	vst v63  }
0x189: {  	s21 =	sadd.s32 $0x170, s1;
	s22 =	simm.s32 $0xD9B8  }
0x18a: {  	[hbm4b:s21+s3] =	stream.linear.scatter [tilespmem:s22], [sflag:$0x3], $0x80, $0x38;
	[tilespmem:$0x13C00] =	vst v63  }
0x18b: {  	s23 =	sadd.s32 $0x180, s1;
	s24 =	simm.s32 $0xE700  }
0x18c: {  	[hbm4b:s23+s3] =	stream.linear.scatter [tilespmem:s24], [sflag:$0x3], $0x80, $0x38;
	[tilespmem:$0x13C00] =	vst v63  }
0x18d: {  	s25 =	sadd.s32 $0x190, s1;
	s26 =	simm.s32 $0xE788  }
0x18e: {  	[hbm4b:s25+s3] =	stream.linear.scatter [tilespmem:s26], [sflag:$0x3], $0x80, $0x38;
	[tilespmem:$0x13C00] =	vst v63  }
0x18f: {  	s10 =	sadd.s32 $0x1A0, s1;
	s12 =	simm.s32 $0xE810  }
0x190: {  	[hbm4b:s10+s3] =	stream.linear.scatter [tilespmem:s12], [sflag:$0x3], $0x80, $0x38;
	[tilespmem:$0x13C00] =	vst v63  }
0x191: {  	s13 =	sadd.s32 $0x1B0, s1;
	s14 =	simm.s32 $0xE898  }
0x192: {  	[hbm4b:s13+s3] =	stream.linear.scatter [tilespmem:s14], [sflag:$0x3], $0x80, $0x38;
	[tilespmem:$0x13C00] =	vst v63  }
0x193: {  	s16 =	sadd.s32 $0x1C0, s1;
	s18 =	simm.s32 $0xE920  }
0x194: {  	[hbm4b:s16+s3] =	stream.linear.scatter [tilespmem:s18], [sflag:$0x3], $0x80, $0x38;
	[tilespmem:$0x13C00] =	vst v63  }
0x195: {  	s21 =	sadd.s32 $0x1D0, s1;
	s22 =	simm.s32 $0xE9A8  }
0x196: {  	[hbm4b:s21+s3] =	stream.linear.scatter [tilespmem:s22], [sflag:$0x3], $0x80, $0x38;
	[tilespmem:$0x13C00] =	vst v63  }
0x197: {  	s23 =	sadd.s32 $0x1E0, s1;
	s24 =	simm.s32 $0xEA30  }
0x198: {  	[hbm4b:s23+s3] =	stream.linear.scatter [tilespmem:s24], [sflag:$0x3], $0x80, $0x38;
	[tilespmem:$0x13C00] =	vst v63  }
0x199: {  	s1 =	sadd.s32 $0x1F0, s1;
	s25 =	simm.s32 $0xEAB8  }
0x19a: {  	[hbm4b:s1+s3] =	stream.linear.scatter [tilespmem:s25], [sflag:$0x3], $0x80, $0x38;
	[tilespmem:$0x13C00] =	vst v63  }
0x19b: {  	s26 =	simm.s32 $0xB840;
	s1 =	sadd.s32 s0, s7  }
0x19c: {  	[hbm4b:s1+s3] =	stream.linear.scatter [tilespmem:s26], [sflag:$0x3], $0x80, $0x38;
	[tilespmem:$0x13C00] =	vst v63  }
0x19d: {  	s12 =	simm.s32 $0xB8C8;
	s10 =	sadd.s32 $0x10, s1  }
0x19e: {  	[hbm4b:s10+s3] =	stream.linear.scatter [tilespmem:s12], [sflag:$0x3], $0x80, $0x38;
	[tilespmem:$0x13C00] =	vst v63  }
0x19f: {  	s14 =	simm.s32 $0xB950;
	s13 =	sadd.s32 $0x20, s1  }
0x1a0: {  	[hbm4b:s13+s3] =	stream.linear.scatter [tilespmem:s14], [sflag:$0x3], $0x80, $0x38;
	[tilespmem:$0x13C00] =	vst v63  }
0x1a1: {  	s18 =	simm.s32 $0xB9D8;
	s16 =	sadd.s32 $0x30, s1  }
0x1a2: {  	[hbm4b:s16+s3] =	stream.linear.scatter [tilespmem:s18], [sflag:$0x3], $0x80, $0x38;
	[tilespmem:$0x13C00] =	vst v63  }
0x1a3: {  	s22 =	simm.s32 $0xBA60;
	s21 =	sadd.s32 $0x40, s1  }
0x1a4: {  	[hbm4b:s21+s3] =	stream.linear.scatter [tilespmem:s22], [sflag:$0x3], $0x80, $0x38;
	[tilespmem:$0x13C00] =	vst v63  }
0x1a5: {  	s24 =	simm.s32 $0xBAE8;
	s23 =	sadd.s32 $0x50, s1  }
0x1a6: {  	[hbm4b:s23+s3] =	stream.linear.scatter [tilespmem:s24], [sflag:$0x3], $0x80, $0x38;
	[tilespmem:$0x13C00] =	vst v63  }
0x1a7: {  	s25 =	sadd.s32 $0x60, s1;
	s26 =	simm.s32 $0xBB70  }
0x1a8: {  	[hbm4b:s25+s3] =	stream.linear.scatter [tilespmem:s26], [sflag:$0x3], $0x80, $0x38;
	[tilespmem:$0x13C00] =	vst v63  }
0x1a9: {  	s10 =	sadd.s32 $0x70, s1;
	s12 =	simm.s32 $0xBBF8  }
0x1aa: {  	[hbm4b:s10+s3] =	stream.linear.scatter [tilespmem:s12], [sflag:$0x3], $0x80, $0x38;
	[tilespmem:$0x13C00] =	vst v63  }
0x1ab: {  	s13 =	sadd.s32 $0x80, s1;
	s14 =	simm.s32 $0xC940  }
0x1ac: {  	[hbm4b:s13+s3] =	stream.linear.scatter [tilespmem:s14], [sflag:$0x3], $0x80, $0x38;
	[tilespmem:$0x13C00] =	vst v63  }
0x1ad: {  	s16 =	sadd.s32 $0x90, s1;
	s18 =	simm.s32 $0xC9C8  }
0x1ae: {  	[hbm4b:s16+s3] =	stream.linear.scatter [tilespmem:s18], [sflag:$0x3], $0x80, $0x38;
	[tilespmem:$0x13C00] =	vst v63  }
0x1af: {  	s21 =	sadd.s32 $0xA0, s1;
	s22 =	simm.s32 $0xCA50  }
0x1b0: {  	[hbm4b:s21+s3] =	stream.linear.scatter [tilespmem:s22], [sflag:$0x3], $0x80, $0x38;
	[tilespmem:$0x13C00] =	vst v63  }
0x1b1: {  	s23 =	sadd.s32 $0xB0, s1;
	s24 =	simm.s32 $0xCAD8  }
0x1b2: {  	[hbm4b:s23+s3] =	stream.linear.scatter [tilespmem:s24], [sflag:$0x3], $0x80, $0x38;
	[tilespmem:$0x13C00] =	vst v63  }
0x1b3: {  	s25 =	sadd.s32 $0xC0, s1;
	s26 =	simm.s32 $0xCB60  }
0x1b4: {  	[hbm4b:s25+s3] =	stream.linear.scatter [tilespmem:s26], [sflag:$0x3], $0x80, $0x38;
	[tilespmem:$0x13C00] =	vst v63  }
0x1b5: {  	s10 =	sadd.s32 $0xD0, s1;
	s12 =	simm.s32 $0xCBE8  }
0x1b6: {  	[hbm4b:s10+s3] =	stream.linear.scatter [tilespmem:s12], [sflag:$0x3], $0x80, $0x38;
	[tilespmem:$0x13C00] =	vst v63  }
0x1b7: {  	s13 =	sadd.s32 $0xE0, s1;
	s14 =	simm.s32 $0xCC70  }
0x1b8: {  	[hbm4b:s13+s3] =	stream.linear.scatter [tilespmem:s14], [sflag:$0x3], $0x80, $0x38;
	[tilespmem:$0x13C00] =	vst v63  }
0x1b9: {  	s16 =	sadd.s32 $0xF0, s1;
	s18 =	simm.s32 $0xCCF8  }
0x1ba: {  	[hbm4b:s16+s3] =	stream.linear.scatter [tilespmem:s18], [sflag:$0x3], $0x80, $0x38;
	[tilespmem:$0x13C00] =	vst v63  }
0x1bb: {  	s21 =	sadd.s32 $0x100, s1;
	s22 =	simm.s32 $0xDA40  }
0x1bc: {  	[hbm4b:s21+s3] =	stream.linear.scatter [tilespmem:s22], [sflag:$0x3], $0x80, $0x38;
	[tilespmem:$0x13C00] =	vst v63  }
0x1bd: {  	s23 =	sadd.s32 $0x110, s1;
	s24 =	simm.s32 $0xDAC8  }
0x1be: {  	[hbm4b:s23+s3] =	stream.linear.scatter [tilespmem:s24], [sflag:$0x3], $0x80, $0x38;
	[tilespmem:$0x13C00] =	vst v63  }
0x1bf: {  	s25 =	sadd.s32 $0x120, s1;
	s26 =	simm.s32 $0xDB50  }
0x1c0: {  	[hbm4b:s25+s3] =	stream.linear.scatter [tilespmem:s26], [sflag:$0x3], $0x80, $0x38;
	[tilespmem:$0x13C00] =	vst v63  }
0x1c1: {  	s10 =	sadd.s32 $0x130, s1;
	s12 =	simm.s32 $0xDBD8  }
0x1c2: {  	[hbm4b:s10+s3] =	stream.linear.scatter [tilespmem:s12], [sflag:$0x3], $0x80, $0x38;
	[tilespmem:$0x13C00] =	vst v63  }
0x1c3: {  	s13 =	sadd.s32 $0x140, s1;
	s14 =	simm.s32 $0xDC60  }
0x1c4: {  	[hbm4b:s13+s3] =	stream.linear.scatter [tilespmem:s14], [sflag:$0x3], $0x80, $0x38;
	[tilespmem:$0x13C00] =	vst v63  }
0x1c5: {  	s16 =	sadd.s32 $0x150, s1;
	s18 =	simm.s32 $0xDCE8  }
0x1c6: {  	[hbm4b:s16+s3] =	stream.linear.scatter [tilespmem:s18], [sflag:$0x3], $0x80, $0x38;
	[tilespmem:$0x13C00] =	vst v63  }
0x1c7: {  	s21 =	sadd.s32 $0x160, s1;
	s22 =	simm.s32 $0xDD70  }
0x1c8: {  	[hbm4b:s21+s3] =	stream.linear.scatter [tilespmem:s22], [sflag:$0x3], $0x80, $0x38;
	[tilespmem:$0x13C00] =	vst v63  }
0x1c9: {  	s23 =	sadd.s32 $0x170, s1;
	s24 =	simm.s32 $0xDDF8  }
0x1ca: {  	[hbm4b:s23+s3] =	stream.linear.scatter [tilespmem:s24], [sflag:$0x3], $0x80, $0x38;
	[tilespmem:$0x13C00] =	vst v63  }
0x1cb: {  	s25 =	sadd.s32 $0x180, s1;
	s26 =	simm.s32 $0xEB40  }
0x1cc: {  	[hbm4b:s25+s3] =	stream.linear.scatter [tilespmem:s26], [sflag:$0x3], $0x80, $0x38;
	[tilespmem:$0x13C00] =	vst v63  }
0x1cd: {  	s10 =	sadd.s32 $0x190, s1;
	s12 =	simm.s32 $0xEBC8  }
0x1ce: {  	[hbm4b:s10+s3] =	stream.linear.scatter [tilespmem:s12], [sflag:$0x3], $0x80, $0x38;
	[tilespmem:$0x13C00] =	vst v63  }
0x1cf: {  	s13 =	sadd.s32 $0x1A0, s1;
	s14 =	simm.s32 $0xEC50  }
0x1d0: {  	[hbm4b:s13+s3] =	stream.linear.scatter [tilespmem:s14], [sflag:$0x3], $0x80, $0x38;
	[tilespmem:$0x13C00] =	vst v63  }
0x1d1: {  	s16 =	sadd.s32 $0x1B0, s1;
	s18 =	simm.s32 $0xECD8  }
0x1d2: {  	[hbm4b:s16+s3] =	stream.linear.scatter [tilespmem:s18], [sflag:$0x3], $0x80, $0x38;
	[tilespmem:$0x13C00] =	vst v63  }
0x1d3: {  	s21 =	sadd.s32 $0x1C0, s1;
	s22 =	simm.s32 $0xED60  }
0x1d4: {  	[hbm4b:s21+s3] =	stream.linear.scatter [tilespmem:s22], [sflag:$0x3], $0x80, $0x38;
	[tilespmem:$0x13C00] =	vst v63  }
0x1d5: {  	s23 =	sadd.s32 $0x1D0, s1;
	s24 =	simm.s32 $0xEDE8  }
0x1d6: {  	[hbm4b:s23+s3] =	stream.linear.scatter [tilespmem:s24], [sflag:$0x3], $0x80, $0x38;
	[tilespmem:$0x13C00] =	vst v63  }
0x1d7: {  	s25 =	sadd.s32 $0x1E0, s1;
	s26 =	simm.s32 $0xEE70  }
0x1d8: {  	[hbm4b:s25+s3] =	stream.linear.scatter [tilespmem:s26], [sflag:$0x3], $0x80, $0x38;
	[tilespmem:$0x13C00] =	vst v63  }
0x1d9: {  	s1 =	sadd.s32 $0x1F0, s1;
	s10 =	simm.s32 $0xEEF8  }
0x1da: {  	[hbm4b:s1+s3] =	stream.linear.scatter [tilespmem:s10], [sflag:$0x3], $0x80, $0x38;
	[tilespmem:$0x13C00] =	vst v63  }
0x1db: {  	s12 =	simm.s32 $0xBC80;
	s1 =	sadd.s32 s0, s8  }
0x1dc: {  	[hbm4b:s1+s3] =	stream.linear.scatter [tilespmem:s12], [sflag:$0x3], $0x80, $0x38;
	[tilespmem:$0x13C00] =	vst v63  }
0x1dd: {  	s14 =	simm.s32 $0xBD08;
	s13 =	sadd.s32 $0x10, s1  }
0x1de: {  	[hbm4b:s13+s3] =	stream.linear.scatter [tilespmem:s14], [sflag:$0x3], $0x80, $0x38;
	[tilespmem:$0x13C00] =	vst v63  }
0x1df: {  	s18 =	simm.s32 $0xBD90;
	s16 =	sadd.s32 $0x20, s1  }
0x1e0: {  	[hbm4b:s16+s3] =	stream.linear.scatter [tilespmem:s18], [sflag:$0x3], $0x80, $0x38;
	[tilespmem:$0x13C00] =	vst v63  }
0x1e1: {  	s22 =	simm.s32 $0xBE18;
	s21 =	sadd.s32 $0x30, s1  }
0x1e2: {  	[hbm4b:s21+s3] =	stream.linear.scatter [tilespmem:s22], [sflag:$0x3], $0x80, $0x38;
	[tilespmem:$0x13C00] =	vst v63  }
0x1e3: {  	s24 =	simm.s32 $0xBEA0;
	s23 =	sadd.s32 $0x40, s1  }
0x1e4: {  	[hbm4b:s23+s3] =	stream.linear.scatter [tilespmem:s24], [sflag:$0x3], $0x80, $0x38;
	[tilespmem:$0x13C00] =	vst v63  }
0x1e5: {  	s26 =	simm.s32 $0xBF28;
	s25 =	sadd.s32 $0x50, s1  }
0x1e6: {  	[hbm4b:s25+s3] =	stream.linear.scatter [tilespmem:s26], [sflag:$0x3], $0x80, $0x38;
	[tilespmem:$0x13C00] =	vst v63  }
0x1e7: {  	s10 =	sadd.s32 $0x60, s1;
	s12 =	simm.s32 $0xBFB0  }
0x1e8: {  	[hbm4b:s10+s3] =	stream.linear.scatter [tilespmem:s12], [sflag:$0x3], $0x80, $0x38;
	[tilespmem:$0x13C00] =	vst v63  }
0x1e9: {  	s13 =	sadd.s32 $0x70, s1;
	s14 =	simm.s32 $0xC038  }
0x1ea: {  	[hbm4b:s13+s3] =	stream.linear.scatter [tilespmem:s14], [sflag:$0x3], $0x80, $0x38;
	[tilespmem:$0x13C00] =	vst v63  }
0x1eb: {  	s16 =	sadd.s32 $0x80, s1;
	s18 =	simm.s32 $0xCD80  }
0x1ec: {  	[hbm4b:s16+s3] =	stream.linear.scatter [tilespmem:s18], [sflag:$0x3], $0x80, $0x38;
	[tilespmem:$0x13C00] =	vst v63  }
0x1ed: {  	s21 =	sadd.s32 $0x90, s1;
	s22 =	simm.s32 $0xCE08  }
0x1ee: {  	[hbm4b:s21+s3] =	stream.linear.scatter [tilespmem:s22], [sflag:$0x3], $0x80, $0x38;
	[tilespmem:$0x13C00] =	vst v63  }
0x1ef: {  	s23 =	sadd.s32 $0xA0, s1;
	s24 =	simm.s32 $0xCE90  }
0x1f0: {  	[hbm4b:s23+s3] =	stream.linear.scatter [tilespmem:s24], [sflag:$0x3], $0x80, $0x38;
	[tilespmem:$0x13C00] =	vst v63  }
0x1f1: {  	s25 =	sadd.s32 $0xB0, s1;
	s26 =	simm.s32 $0xCF18  }
0x1f2: {  	[hbm4b:s25+s3] =	stream.linear.scatter [tilespmem:s26], [sflag:$0x3], $0x80, $0x38;
	[tilespmem:$0x13C00] =	vst v63  }
0x1f3: {  	s10 =	sadd.s32 $0xC0, s1;
	s12 =	simm.s32 $0xCFA0  }
0x1f4: {  	[hbm4b:s10+s3] =	stream.linear.scatter [tilespmem:s12], [sflag:$0x3], $0x80, $0x38;
	[tilespmem:$0x13C00] =	vst v63  }
0x1f5: {  	s13 =	sadd.s32 $0xD0, s1;
	s14 =	simm.s32 $0xD028  }
0x1f6: {  	[hbm4b:s13+s3] =	stream.linear.scatter [tilespmem:s14], [sflag:$0x3], $0x80, $0x38;
	[tilespmem:$0x13C00] =	vst v63  }
0x1f7: {  	s16 =	sadd.s32 $0xE0, s1;
	s18 =	simm.s32 $0xD0B0  }
0x1f8: {  	[hbm4b:s16+s3] =	stream.linear.scatter [tilespmem:s18], [sflag:$0x3], $0x80, $0x38;
	[tilespmem:$0x13C00] =	vst v63  }
0x1f9: {  	s21 =	sadd.s32 $0xF0, s1;
	s22 =	simm.s32 $0xD138  }
0x1fa: {  	[hbm4b:s21+s3] =	stream.linear.scatter [tilespmem:s22], [sflag:$0x3], $0x80, $0x38;
	[tilespmem:$0x13C00] =	vst v63  }
0x1fb: {  	s23 =	sadd.s32 $0x100, s1;
	s24 =	simm.s32 $0xDE80  }
0x1fc: {  	[hbm4b:s23+s3] =	stream.linear.scatter [tilespmem:s24], [sflag:$0x3], $0x80, $0x38;
	[tilespmem:$0x13C00] =	vst v63  }
0x1fd: {  	s25 =	sadd.s32 $0x110, s1;
	s26 =	simm.s32 $0xDF08  }
0x1fe: {  	[hbm4b:s25+s3] =	stream.linear.scatter [tilespmem:s26], [sflag:$0x3], $0x80, $0x38;
	[tilespmem:$0x13C00] =	vst v63  }
0x1ff: {  	s10 =	sadd.s32 $0x120, s1;
	s12 =	simm.s32 $0xDF90  }
0x200: {  	[hbm4b:s10+s3] =	stream.linear.scatter [tilespmem:s12], [sflag:$0x3], $0x80, $0x38;
	[tilespmem:$0x13C00] =	vst v63  }
0x201: {  	s13 =	sadd.s32 $0x130, s1;
	s14 =	simm.s32 $0xE018  }
0x202: {  	[hbm4b:s13+s3] =	stream.linear.scatter [tilespmem:s14], [sflag:$0x3], $0x80, $0x38;
	[tilespmem:$0x13C00] =	vst v63  }
0x203: {  	s16 =	sadd.s32 $0x140, s1;
	s18 =	simm.s32 $0xE0A0  }
0x204: {  	[hbm4b:s16+s3] =	stream.linear.scatter [tilespmem:s18], [sflag:$0x3], $0x80, $0x38;
	[tilespmem:$0x13C00] =	vst v63  }
0x205: {  	s21 =	sadd.s32 $0x150, s1;
	s22 =	simm.s32 $0xE128  }
0x206: {  	[hbm4b:s21+s3] =	stream.linear.scatter [tilespmem:s22], [sflag:$0x3], $0x80, $0x38;
	[tilespmem:$0x13C00] =	vst v63  }
0x207: {  	s23 =	sadd.s32 $0x160, s1;
	s24 =	simm.s32 $0xE1B0  }
0x208: {  	[hbm4b:s23+s3] =	stream.linear.scatter [tilespmem:s24], [sflag:$0x3], $0x80, $0x38;
	[tilespmem:$0x13C00] =	vst v63  }
0x209: {  	s25 =	sadd.s32 $0x170, s1;
	s26 =	simm.s32 $0xE238  }
0x20a: {  	[hbm4b:s25+s3] =	stream.linear.scatter [tilespmem:s26], [sflag:$0x3], $0x80, $0x38;
	[tilespmem:$0x13C00] =	vst v63  }
0x20b: {  	s10 =	sadd.s32 $0x180, s1;
	s12 =	simm.s32 $0xEF80  }
0x20c: {  	[hbm4b:s10+s3] =	stream.linear.scatter [tilespmem:s12], [sflag:$0x3], $0x80, $0x38;
	[tilespmem:$0x13C00] =	vst v63  }
0x20d: {  	s13 =	sadd.s32 $0x190, s1;
	s14 =	simm.s32 $0xF008  }
0x20e: {  	[hbm4b:s13+s3] =	stream.linear.scatter [tilespmem:s14], [sflag:$0x3], $0x80, $0x38;
	[tilespmem:$0x13C00] =	vst v63  }
0x20f: {  	s16 =	sadd.s32 $0x1A0, s1;
	s18 =	simm.s32 $0xF090  }
0x210: {  	[hbm4b:s16+s3] =	stream.linear.scatter [tilespmem:s18], [sflag:$0x3], $0x80, $0x38;
	[tilespmem:$0x13C00] =	vst v63  }
0x211: {  	s21 =	sadd.s32 $0x1B0, s1;
	s22 =	simm.s32 $0xF118  }
0x212: {  	[hbm4b:s21+s3] =	stream.linear.scatter [tilespmem:s22], [sflag:$0x3], $0x80, $0x38;
	[tilespmem:$0x13C00] =	vst v63  }
0x213: {  	s23 =	sadd.s32 $0x1C0, s1;
	s24 =	simm.s32 $0xF1A0  }
0x214: {  	[hbm4b:s23+s3] =	stream.linear.scatter [tilespmem:s24], [sflag:$0x3], $0x80, $0x38;
	[tilespmem:$0x13C00] =	vst v63  }
0x215: {  	s25 =	sadd.s32 $0x1D0, s1;
	s26 =	simm.s32 $0xF228  }
0x216: {  	[hbm4b:s25+s3] =	stream.linear.scatter [tilespmem:s26], [sflag:$0x3], $0x80, $0x38;
	[tilespmem:$0x13C00] =	vst v63  }
0x217: {  	s10 =	sadd.s32 $0x1E0, s1;
	s12 =	simm.s32 $0xF2B0  }
0x218: {  	[hbm4b:s10+s3] =	stream.linear.scatter [tilespmem:s12], [sflag:$0x3], $0x80, $0x38;
	[tilespmem:$0x13C00] =	vst v63  }
0x219: {  	s1 =	sadd.s32 $0x1F0, s1;
	s13 =	simm.s32 $0xF338  }
0x21a: {  	[hbm4b:s1+s3] =	stream.linear.scatter [tilespmem:s13], [sflag:$0x3], $0x80, $0x38;
	[tilespmem:$0x13C00] =	vst v63  }
0x21b: {  	s0 =	sadd.s32 s0, s9;
	s14 =	simm.s32 $0xC0C0  }
0x21c: {  	[hbm4b:s0+s3] =	stream.linear.scatter [tilespmem:s14], [sflag:$0x3], $0x80, $0x38;
	[tilespmem:$0x13C00] =	vst v63  }
0x21d: {  	s16 =	sadd.s32 $0x10, s0;
	s18 =	simm.s32 $0xC148  }
0x21e: {  	[hbm4b:s16+s3] =	stream.linear.scatter [tilespmem:s18], [sflag:$0x3], $0x80, $0x38;
	[tilespmem:$0x13C00] =	vst v63  }
0x21f: {  	s21 =	sadd.s32 $0x20, s0;
	s22 =	simm.s32 $0xC1D0  }
0x220: {  	[hbm4b:s21+s3] =	stream.linear.scatter [tilespmem:s22], [sflag:$0x3], $0x80, $0x38;
	[tilespmem:$0x13C00] =	vst v63  }
0x221: {  	s23 =	sadd.s32 $0x30, s0;
	s24 =	simm.s32 $0xC258  }
0x222: {  	[hbm4b:s23+s3] =	stream.linear.scatter [tilespmem:s24], [sflag:$0x3], $0x80, $0x38;
	[tilespmem:$0x13C00] =	vst v63  }
0x223: {  	s25 =	sadd.s32 $0x40, s0;
	s26 =	simm.s32 $0xC2E0  }
0x224: {  	[hbm4b:s25+s3] =	stream.linear.scatter [tilespmem:s26], [sflag:$0x3], $0x80, $0x38;
	[tilespmem:$0x13C00] =	vst v63  }
0x225: {  	s10 =	sadd.s32 $0x50, s0;
	s12 =	simm.s32 $0xC368  }
0x226: {  	[hbm4b:s10+s3] =	stream.linear.scatter [tilespmem:s12], [sflag:$0x3], $0x80, $0x38;
	[tilespmem:$0x13C00] =	vst v63  }
0x227: {  	s13 =	sadd.s32 $0x60, s0;
	s14 =	simm.s32 $0xC3F0  }
0x228: {  	[hbm4b:s13+s3] =	stream.linear.scatter [tilespmem:s14], [sflag:$0x3], $0x80, $0x38;
	[tilespmem:$0x13C00] =	vst v63  }
0x229: {  	s16 =	sadd.s32 $0x70, s0;
	s18 =	simm.s32 $0xC478  }
0x22a: {  	[hbm4b:s16+s3] =	stream.linear.scatter [tilespmem:s18], [sflag:$0x3], $0x80, $0x38;
	[tilespmem:$0x13C00] =	vst v63  }
0x22b: {  	s21 =	sadd.s32 $0x80, s0;
	s22 =	simm.s32 $0xD1C0  }
0x22c: {  	[hbm4b:s21+s3] =	stream.linear.scatter [tilespmem:s22], [sflag:$0x3], $0x80, $0x38;
	[tilespmem:$0x13C00] =	vst v63  }
0x22d: {  	s23 =	sadd.s32 $0x90, s0;
	s24 =	simm.s32 $0xD248  }
0x22e: {  	[hbm4b:s23+s3] =	stream.linear.scatter [tilespmem:s24], [sflag:$0x3], $0x80, $0x38;
	[tilespmem:$0x13C00] =	vst v63  }
0x22f: {  	s25 =	sadd.s32 $0xA0, s0;
	s26 =	simm.s32 $0xD2D0  }
0x230: {  	[hbm4b:s25+s3] =	stream.linear.scatter [tilespmem:s26], [sflag:$0x3], $0x80, $0x38;
	[tilespmem:$0x13C00] =	vst v63  }
0x231: {  	s10 =	sadd.s32 $0xB0, s0;
	s12 =	simm.s32 $0xD358  }
0x232: {  	[hbm4b:s10+s3] =	stream.linear.scatter [tilespmem:s12], [sflag:$0x3], $0x80, $0x38;
	[tilespmem:$0x13C00] =	vst v63  }
0x233: {  	s13 =	sadd.s32 $0xC0, s0;
	s14 =	simm.s32 $0xD3E0  }
0x234: {  	[hbm4b:s13+s3] =	stream.linear.scatter [tilespmem:s14], [sflag:$0x3], $0x80, $0x38;
	[tilespmem:$0x13C00] =	vst v63  }
0x235: {  	s16 =	sadd.s32 $0xD0, s0;
	s18 =	simm.s32 $0xD468  }
0x236: {  	[hbm4b:s16+s3] =	stream.linear.scatter [tilespmem:s18], [sflag:$0x3], $0x80, $0x38;
	[tilespmem:$0x13C00] =	vst v63  }
0x237: {  	s21 =	sadd.s32 $0xE0, s0;
	s22 =	simm.s32 $0xD4F0  }
0x238: {  	[hbm4b:s21+s3] =	stream.linear.scatter [tilespmem:s22], [sflag:$0x3], $0x80, $0x38;
	[tilespmem:$0x13C00] =	vst v63  }
0x239: {  	s23 =	sadd.s32 $0xF0, s0;
	s24 =	simm.s32 $0xD578  }
0x23a: {  	[hbm4b:s23+s3] =	stream.linear.scatter [tilespmem:s24], [sflag:$0x3], $0x80, $0x38;
	[tilespmem:$0x13C00] =	vst v63  }
0x23b: {  	s25 =	sadd.s32 $0x100, s0;
	s26 =	simm.s32 $0xE2C0  }
0x23c: {  	[hbm4b:s25+s3] =	stream.linear.scatter [tilespmem:s26], [sflag:$0x3], $0x80, $0x38;
	[tilespmem:$0x13C00] =	vst v63  }
0x23d: {  	s10 =	sadd.s32 $0x110, s0;
	s12 =	simm.s32 $0xE348  }
0x23e: {  	[hbm4b:s10+s3] =	stream.linear.scatter [tilespmem:s12], [sflag:$0x3], $0x80, $0x38;
	[tilespmem:$0x13C00] =	vst v63  }
0x23f: {  	s13 =	sadd.s32 $0x120, s0;
	s14 =	simm.s32 $0xE3D0  }
0x240: {  	[hbm4b:s13+s3] =	stream.linear.scatter [tilespmem:s14], [sflag:$0x3], $0x80, $0x38;
	[tilespmem:$0x13C00] =	vst v63  }
0x241: {  	s16 =	sadd.s32 $0x130, s0;
	s18 =	simm.s32 $0xE458  }
0x242: {  	[hbm4b:s16+s3] =	stream.linear.scatter [tilespmem:s18], [sflag:$0x3], $0x80, $0x38;
	[tilespmem:$0x13C00] =	vst v63  }
0x243: {  	s21 =	sadd.s32 $0x140, s0;
	s22 =	simm.s32 $0xE4E0  }
0x244: {  	[hbm4b:s21+s3] =	stream.linear.scatter [tilespmem:s22], [sflag:$0x3], $0x80, $0x38;
	[tilespmem:$0x13C00] =	vst v63  }
0x245: {  	s23 =	sadd.s32 $0x150, s0;
	s24 =	simm.s32 $0xE568  }
0x246: {  	[hbm4b:s23+s3] =	stream.linear.scatter [tilespmem:s24], [sflag:$0x3], $0x80, $0x38;
	[tilespmem:$0x13C00] =	vst v63  }
0x247: {  	s25 =	sadd.s32 $0x160, s0;
	s26 =	simm.s32 $0xE5F0  }
0x248: {  	[hbm4b:s25+s3] =	stream.linear.scatter [tilespmem:s26], [sflag:$0x3], $0x80, $0x38;
	[tilespmem:$0x13C00] =	vst v63  }
0x249: {  	s10 =	sadd.s32 $0x170, s0;
	s12 =	simm.s32 $0xE678  }
0x24a: {  	[hbm4b:s10+s3] =	stream.linear.scatter [tilespmem:s12], [sflag:$0x3], $0x80, $0x38;
	[tilespmem:$0x13C00] =	vst v63  }
0x24b: {  	s13 =	sadd.s32 $0x180, s0;
	s14 =	simm.s32 $0xF3C0  }
0x24c: {  	[hbm4b:s13+s3] =	stream.linear.scatter [tilespmem:s14], [sflag:$0x3], $0x80, $0x38;
	[tilespmem:$0x13C00] =	vst v63  }
0x24d: {  	s16 =	sadd.s32 $0x190, s0;
	s18 =	simm.s32 $0xF448  }
0x24e: {  	[hbm4b:s16+s3] =	stream.linear.scatter [tilespmem:s18], [sflag:$0x3], $0x80, $0x38;
	[tilespmem:$0x13C00] =	vst v63  }
0x24f: {  	s21 =	sadd.s32 $0x1A0, s0;
	s22 =	simm.s32 $0xF4D0  }
0x250: {  	[hbm4b:s21+s3] =	stream.linear.scatter [tilespmem:s22], [sflag:$0x3], $0x80, $0x38;
	[tilespmem:$0x13C00] =	vst v63  }
0x251: {  	s23 =	sadd.s32 $0x1B0, s0;
	s24 =	simm.s32 $0xF558  }
0x252: {  	[hbm4b:s23+s3] =	stream.linear.scatter [tilespmem:s24], [sflag:$0x3], $0x80, $0x38;
	[tilespmem:$0x13C00] =	vst v63  }
0x253: {  	s25 =	sadd.s32 $0x1C0, s0;
	s26 =	simm.s32 $0xF5E0  }
0x254: {  	[hbm4b:s25+s3] =	stream.linear.scatter [tilespmem:s26], [sflag:$0x3], $0x80, $0x38;
	[tilespmem:$0x13C00] =	vst v63  }
0x255: {  	s5 =	sadd.s32 $0x1D0, s0;
	s10 =	simm.s32 $0xF668  }
0x256: {  	[hbm4b:s5+s3] =	stream.linear.scatter [tilespmem:s10], [sflag:$0x3], $0x80, $0x38;
	[tilespmem:$0x13C00] =	vst v63  }
0x257: {  	s12 =	sadd.s32 $0x1E0, s0;
	s13 =	simm.s32 $0xF6F0  }
0x258: {  	[hbm4b:s12+s3] =	stream.linear.scatter [tilespmem:s13], [sflag:$0x3], $0x80, $0x38;
	[tilespmem:$0x13C00] =	vst v63  }
0x259: {  	p0 =	seq.s32 s30, $0xC;
	s0 =	sadd.s32 $0x1F0, s0;
	s14 =	simm.s32 $0xF778  }
0x25a: {  	[hbm4b:s0+s3] =	stream.linear.scatter [tilespmem:s14], [sflag:$0x3], $0x80, $0x38;
	[tilespmem:$0x13C00] =	vst v63  }
0x25b: {  	p1 =	seq.s32 @!p0 s30, $0x0;
	s0 =	sshll.u32 @!p0 s30, $0xA;
	_ =	swait.ge [sflag:s19], $0x4000  }
0x25c: {  	s1 =	simm.s32 @!p0 $0x200;
	s0 =	sand.u32 @!p0 $0x3FFFFC00, s0;
	[sflag:s19] =	ssyncset.done $0x0  }
0x25d: {  	s5 =	simm.s32 @!p0 $0x3400;
	s0 =	sadd.s32 @!p0 $0x400, s0;
	[sflag:s19] =	ssyncadd.s32 $0xFFFFC000  }
0x25e: {  	[tilespmem:s5], [sflag:$0x1] =	stream.indirect.gather @!p0 [hbm4b:s4+s1], $0x20, s0, s1, $0xb8;
	[tilespmem:$0x13C00] =	vst v63  }
0x25f: {  	p0 =	por p0, !p1  }
0x260: {  	_ =	swait.ge @p0 [sflag:s29], $0x1000  }
0x261: {  	[sflag:s29] =	ssyncset.done @p0 $0x0  }
0x262: {  	[sflag:s29] =	ssyncadd.s32 @p0 $0xFFFFF000  }
0x263: {  	_ =	swait.ge @p0 [sflag:s29], $0x1000  }
0x264: {  	[sflag:s29] =	ssyncset.done @p0 $0x0  }
0x265: {  	s16 =	simm.s32 $0x0;
	[sflag:s29] =	ssyncadd.s32 @p0 $0xFFFFF000  }
0x266: {  	s18 =	simm.s32 $0x0;
	v3 =	vmov s16;
	_ =	swait.ge @p0 [sflag:s29], $0x1000  }
0x267: {  	v4 =	vmov s18;
	v3 =	vmul.u32 $0x1100, v3;
	[sflag:s29] =	ssyncset.done @p0 $0x0  }
0x268: {  	v4 =	vshrl.u32 v4, $0x3;
	[sflag:s29] =	ssyncadd.s32 @p0 $0xFFFFF000  }
0x269: {  	v4 =	vshll.u32 v4, v1;
	v3 =	vbroadcast v3, $0x0;
	_ =	swait.ge @p0 [sflag:s29], $0x1000  }
0x26a: {  	v5 =	vbroadcast v4, $0x0;
	[sflag:s29] =	ssyncset.done @p0 $0x0  }
0x26b: {  	v4 =	vadd.s32 v0, v3;
	s1 =	simm.s32 $0x7500;
	[sflag:s29] =	ssyncadd.s32 @p0 $0xFFFFF000  }
0x26c: {  	s21 =	simm.s32 $0x1;
	v3 =	vadd.s32 v2, v3;
	v7 =	vadd.s32 v4, v5;
	v6 =	vld [tilespmem:s1+$0xFFFFFF00]  }
0x26d: {  	v8 =	vmov s21;
	v5 =	vadd.s32 v3, v5;
	v9 =	vld [tilespmem:s1+$0xFFFFFF10]  }
0x26e: {  	v8 =	vshrl.u32 v8, $0x3  }
0x26f: {  	v8 =	vshll.u32 v8, v1  }
0x270: {  	v8 =	vbroadcast v8, $0x0  }
0x271: {  	[tilespmem:v7+s20+$0x0] =	vst.idx.msk $0xffff, v6  }
0x272: {  	[tilespmem:v5+s20+$0x0] =	vst.idx.msk $0xffff, v9;
	v5 =	vadd.s32 v4, v8  }
0x273: {  	s22 =	simm.s32 $0x2;
	v6 =	vadd.s32 v3, v8;
	v7 =	vld [tilespmem:s1+$0xFFFFFF20];
	v5 =	vor.u32 $0x1, v5  }
0x274: {  	v8 =	vmov s22;
	v6 =	vor.u32 $0x1, v6;
	v9 =	vld [tilespmem:s1+$0xFFFFFF30]  }
0x275: {  	v8 =	vshrl.u32 v8, $0x3  }
0x276: {  	v8 =	vshll.u32 v8, v1  }
0x277: {  	v8 =	vbroadcast v8, $0x0  }
0x278: {  	[tilespmem:v5+s20+$0x0] =	vst.idx.msk $0xffff, v7  }
0x279: {  	v5 =	vadd.s32 v4, v8;
	[tilespmem:v6+s20+$0x0] =	vst.idx.msk $0xffff, v9  }
0x27a: {  	s23 =	simm.s32 $0x3;
	v6 =	vadd.s32 v3, v8;
	v5 =	vor.u32 $0x2, v5;
	v7 =	vld [tilespmem:s1+$0xFFFFFF40]  }
0x27b: {  	v8 =	vmov s23;
	v9 =	vld [tilespmem:s1+$0xFFFFFF50];
	v6 =	vor.u32 $0x2, v6  }
0x27c: {  	v8 =	vshrl.u32 v8, $0x3  }
0x27d: {  	v8 =	vshll.u32 v8, v1  }
0x27e: {  	v8 =	vbroadcast v8, $0x0  }
0x27f: {  	[tilespmem:v5+s20+$0x0] =	vst.idx.msk $0xffff, v7  }
0x280: {  	v5 =	vadd.s32 v4, v8;
	[tilespmem:v6+s20+$0x0] =	vst.idx.msk $0xffff, v9  }
0x281: {  	s24 =	simm.s32 $0x4;
	v6 =	vadd.s32 v3, v8;
	v5 =	vor.u32 $0x3, v5;
	v7 =	vld [tilespmem:s1+$0xFFFFFF60]  }
0x282: {  	v8 =	vmov s24;
	v9 =	vld [tilespmem:s1+$0xFFFFFF70];
	v6 =	vor.u32 $0x3, v6  }
0x283: {  	v8 =	vshrl.u32 v8, $0x3  }
0x284: {  	v8 =	vshll.u32 v8, v1  }
0x285: {  	v8 =	vbroadcast v8, $0x0  }
0x286: {  	[tilespmem:v5+s20+$0x0] =	vst.idx.msk $0xffff, v7  }
0x287: {  	v5 =	vadd.s32 v4, v8;
	[tilespmem:v6+s20+$0x0] =	vst.idx.msk $0xffff, v9  }
0x288: {  	s25 =	simm.s32 $0x5;
	v6 =	vadd.s32 v3, v8;
	v5 =	vor.u32 $0x4, v5;
	v7 =	vld [tilespmem:s1+$0xFFFFFF80]  }
0x289: {  	v8 =	vmov s25;
	v9 =	vld [tilespmem:s1+$0xFFFFFF90];
	v6 =	vor.u32 $0x4, v6  }
0x28a: {  	v8 =	vshrl.u32 v8, $0x3  }
0x28b: {  	v8 =	vshll.u32 v8, v1  }
0x28c: {  	v8 =	vbroadcast v8, $0x0  }
0x28d: {  	[tilespmem:v5+s20+$0x0] =	vst.idx.msk $0xffff, v7  }
0x28e: {  	v5 =	vadd.s32 v4, v8;
	[tilespmem:v6+s20+$0x0] =	vst.idx.msk $0xffff, v9  }
0x28f: {  	s26 =	simm.s32 $0x6;
	v6 =	vadd.s32 v3, v8;
	v5 =	vor.u32 $0x5, v5;
	v7 =	vld [tilespmem:s1+$0xFFFFFFA0]  }
0x290: {  	v8 =	vmov s26;
	v9 =	vld [tilespmem:s1+$0xFFFFFFB0];
	v6 =	vor.u32 $0x5, v6  }
0x291: {  	v8 =	vshrl.u32 v8, $0x3  }
0x292: {  	v8 =	vshll.u32 v8, v1  }
0x293: {  	v8 =	vbroadcast v8, $0x0  }
0x294: {  	[tilespmem:v5+s20+$0x0] =	vst.idx.msk $0xffff, v7  }
0x295: {  	v5 =	vadd.s32 v4, v8;
	[tilespmem:v6+s20+$0x0] =	vst.idx.msk $0xffff, v9  }
0x296: {  	s5 =	simm.s32 $0x7;
	v6 =	vadd.s32 v3, v8;
	v5 =	vor.u32 $0x6, v5;
	v7 =	vld [tilespmem:s1+$0xFFFFFFC0]  }
0x297: {  	v8 =	vmov s5;
	v9 =	vld [tilespmem:s1+$0xFFFFFFD0];
	v6 =	vor.u32 $0x6, v6  }
0x298: {  	v8 =	vshrl.u32 v8, $0x3  }
0x299: {  	v8 =	vshll.u32 v8, v1  }
0x29a: {  	v8 =	vbroadcast v8, $0x0  }
0x29b: {  	[tilespmem:v5+s20+$0x0] =	vst.idx.msk $0xffff, v7  }
0x29c: {  	v5 =	vadd.s32 v4, v8;
	[tilespmem:v6+s20+$0x0] =	vst.idx.msk $0xffff, v9  }
0x29d: {  	v6 =	vadd.s32 v3, v8;
	v5 =	vor.u32 $0x7, v5;
	v7 =	vld [tilespmem:s1+$0xFFFFFFE0]  }
0x29e: {  	s10 =	simm.s32 $0x8;
	v8 =	vld [tilespmem:s1+$0xFFFFFFF0];
	v6 =	vor.u32 $0x7, v6  }
0x29f: {  	v9 =	vmov s10  }
0x2a0: {  	v9 =	vshrl.u32 v9, $0x3  }
0x2a1: {  	v9 =	vshll.u32 v9, v1  }
0x2a2: {  	v9 =	vbroadcast v9, $0x0;
	[tilespmem:v5+s20+$0x0] =	vst.idx.msk $0xffff, v7  }
0x2a3: {  	[tilespmem:v6+s20+$0x0] =	vst.idx.msk $0xffff, v8  }
0x2a4: {  	s12 =	simm.s32 $0x9;
	v5 =	vadd.s32 v4, v9;
	v6 =	vld [tilespmem:s1+$0x0]  }
0x2a5: {  	v7 =	vmov s12;
	v8 =	vadd.s32 v3, v9;
	v9 =	vld [tilespmem:s1+$0x10]  }
0x2a6: {  	v7 =	vshrl.u32 v7, $0x3  }
0x2a7: {  	v7 =	vshll.u32 v7, v1  }
0x2a8: {  	v7 =	vbroadcast v7, $0x0  }
0x2a9: {  	[tilespmem:v5+s20+$0x0] =	vst.idx.msk $0xffff, v6  }
0x2aa: {  	v5 =	vadd.s32 v4, v7;
	[tilespmem:v8+s20+$0x0] =	vst.idx.msk $0xffff, v9  }
0x2ab: {  	s13 =	simm.s32 $0xA;
	v6 =	vadd.s32 v3, v7;
	v5 =	vor.u32 $0x1, v5;
	v7 =	vld [tilespmem:s1+$0x20]  }
0x2ac: {  	v6 =	vor.u32 $0x1, v6;
	v9 =	vmov s13;
	v8 =	vld [tilespmem:s1+$0x30]  }
0x2ad: {  	v9 =	vshrl.u32 v9, $0x3  }
0x2ae: {  	v9 =	vshll.u32 v9, v1  }
0x2af: {  	v9 =	vbroadcast v9, $0x0  }
0x2b0: {  	[tilespmem:v5+s20+$0x0] =	vst.idx.msk $0xffff, v7  }
0x2b1: {  	v5 =	vadd.s32 v4, v9;
	[tilespmem:v6+s20+$0x0] =	vst.idx.msk $0xffff, v8  }
0x2b2: {  	s14 =	simm.s32 $0xB;
	v6 =	vadd.s32 v3, v9;
	v5 =	vor.u32 $0x2, v5;
	v7 =	vld [tilespmem:s1+$0x40]  }
0x2b3: {  	v9 =	vmov s14;
	v8 =	vld [tilespmem:s1+$0x50];
	v6 =	vor.u32 $0x2, v6  }
0x2b4: {  	v9 =	vshrl.u32 v9, $0x3  }
0x2b5: {  	v9 =	vshll.u32 v9, v1  }
0x2b6: {  	v9 =	vbroadcast v9, $0x0  }
0x2b7: {  	[tilespmem:v5+s20+$0x0] =	vst.idx.msk $0xffff, v7  }
0x2b8: {  	v5 =	vadd.s32 v4, v9;
	[tilespmem:v6+s20+$0x0] =	vst.idx.msk $0xffff, v8  }
0x2b9: {  	s16 =	simm.s32 $0xC;
	v6 =	vadd.s32 v3, v9;
	v5 =	vor.u32 $0x3, v5;
	v7 =	vld [tilespmem:s1+$0x60]  }
0x2ba: {  	v9 =	vmov s16;
	v8 =	vld [tilespmem:s1+$0x70];
	v6 =	vor.u32 $0x3, v6  }
0x2bb: {  	v9 =	vshrl.u32 v9, $0x3  }
0x2bc: {  	v9 =	vshll.u32 v9, v1  }
0x2bd: {  	v9 =	vbroadcast v9, $0x0  }
0x2be: {  	[tilespmem:v5+s20+$0x0] =	vst.idx.msk $0xffff, v7  }
0x2bf: {  	v5 =	vadd.s32 v4, v9;
	[tilespmem:v6+s20+$0x0] =	vst.idx.msk $0xffff, v8  }
0x2c0: {  	s18 =	simm.s32 $0xD;
	v6 =	vadd.s32 v3, v9;
	v5 =	vor.u32 $0x4, v5;
	v7 =	vld [tilespmem:s1+$0x80]  }
0x2c1: {  	v8 =	vmov s18;
	v9 =	vld [tilespmem:s1+$0x90];
	v6 =	vor.u32 $0x4, v6  }
0x2c2: {  	v8 =	vshrl.u32 v8, $0x3  }
0x2c3: {  	v8 =	vshll.u32 v8, v1  }
0x2c4: {  	v8 =	vbroadcast v8, $0x0  }
0x2c5: {  	[tilespmem:v5+s20+$0x0] =	vst.idx.msk $0xffff, v7  }
0x2c6: {  	v5 =	vadd.s32 v4, v8;
	[tilespmem:v6+s20+$0x0] =	vst.idx.msk $0xffff, v9  }
0x2c7: {  	s21 =	simm.s32 $0xE;
	v6 =	vadd.s32 v3, v8;
	v5 =	vor.u32 $0x5, v5;
	v7 =	vld [tilespmem:s1+$0xA0]  }
0x2c8: {  	v8 =	vmov s21;
	v9 =	vld [tilespmem:s1+$0xB0];
	v6 =	vor.u32 $0x5, v6  }
0x2c9: {  	v8 =	vshrl.u32 v8, $0x3  }
0x2ca: {  	v8 =	vshll.u32 v8, v1  }
0x2cb: {  	v8 =	vbroadcast v8, $0x0  }
0x2cc: {  	[tilespmem:v5+s20+$0x0] =	vst.idx.msk $0xffff, v7  }
0x2cd: {  	v5 =	vadd.s32 v4, v8;
	[tilespmem:v6+s20+$0x0] =	vst.idx.msk $0xffff, v9  }
0x2ce: {  	s22 =	simm.s32 $0xF;
	v6 =	vadd.s32 v3, v8;
	v5 =	vor.u32 $0x6, v5;
	v7 =	vld [tilespmem:s1+$0xC0]  }
0x2cf: {  	v8 =	vmov s22;
	v9 =	vld [tilespmem:s1+$0xD0];
	v6 =	vor.u32 $0x6, v6  }
0x2d0: {  	v8 =	vshrl.u32 v8, $0x3  }
0x2d1: {  	v8 =	vshll.u32 v8, v1  }
0x2d2: {  	v8 =	vbroadcast v8, $0x0  }
0x2d3: {  	[tilespmem:v5+s20+$0x0] =	vst.idx.msk $0xffff, v7  }
0x2d4: {  	s23 =	simm.s32 $0x0;
	v4 =	vadd.s32 v4, v8;
	[tilespmem:v6+s20+$0x0] =	vst.idx.msk $0xffff, v9  }
0x2d5: {  	s0 =	simm.s32 $0x7700;
	v3 =	vadd.s32 v3, v8;
	v5 =	vmov s23;
	v11 =	vor.u32 $0x7, v4;
	v10 =	vld [tilespmem:s1+$0xE0]  }
0x2d6: {  	s24 =	simm.s32 $0x11;
	s25 =	simm.s32 $0x13;
	s13 =	simm.s32 $0x10;
	v4 =	vor.u32 $0x7, v3;
	v5 =	vmul.u32 $0x1100, v5;
	v6 =	vld [tilespmem:s1+$0xF0]  }
0x2d7: {  	s26 =	simm.s32 $0x12;
	s5 =	simm.s32 $0x1B;
	s10 =	simm.s32 $0x1A;
	v3 =	vmov s13  }
0x2d8: {  	s12 =	simm.s32 $0x20;
	s14 =	simm.s32 $0x1;
	s16 =	simm.s32 $0x19;
	v7 =	vmov s24;
	v3 =	vshrl.u32 v3, $0x3;
	v5 =	vbroadcast v5, $0x0  }
0x2d9: {  	s18 =	simm.s32 $0x18;
	s21 =	simm.s32 $0x17;
	s22 =	simm.s32 $0x16;
	v8 =	vmov s26;
	v7 =	vshrl.u32 v7, $0x3;
	v9 =	vshll.u32 v3, v1  }
0x2da: {  	s24 =	simm.s32 $0x14;
	s23 =	simm.s32 $0x15;
	v7 =	vshll.u32 v7, v1;
	s1 =	simm.s32 $0x1C;
	v9 =	vbroadcast v9, $0x0;
	v3 =	vadd.s32 v0, v5;
	[tilespmem:v11+s20+$0x0] =	vst.idx.msk $0xffff, v10  }
.LBB2_5:
0x2db: {  	v8 =	vshrl.u32 v8, $0x3;
	v10 =	vmov s25;
	v11 =	vmov s24;
	s26 =	sadd.s32 $0xD, s13;
	s25 =	sadd.s32 $0xE, s13;
	s24 =	sadd.s32 $0xF, s13;
	[tilespmem:v4+s20+$0x0] =	vst.idx.msk $0xffff, v6  }
0x2dc: {  	p0 =	sne.s32 s12, $0x1F0;
	v4 =	vadd.s32 v2, v5;
	s13 =	smov.u32 s12;
	s12 =	sadd.s32 $0x10, s12;
	v6 =	vld [tilespmem:s0+$0xFFFFFF00];
	v12 =	vadd.s32 v3, v9;
	v5 =	vshll.u32 v8, v1  }
0x2dd: {  	v9 =	vadd.s32 v4, v9;
	v10 =	vshrl.u32 v10, $0x3;
	v8 =	vld [tilespmem:s0+$0xFFFFFF10];
	v5 =	vbroadcast v5, $0x0  }
0x2de: {  	v13 =	vmov s23;
	v11 =	vshrl.u32 v11, $0x3;
	v10 =	vshll.u32 v10, v1  }
0x2df: {  	v10 =	vbroadcast v10, $0x0;
	v14 =	vadd.s32 v3, v5;
	v5 =	vadd.s32 v4, v5  }
0x2e0: {  	v7 =	vbroadcast v7, $0x0;
	v13 =	vshrl.u32 v13, $0x3;
	v11 =	vshll.u32 v11, v1  }
0x2e1: {  	v11 =	vbroadcast v11, $0x0;
	[tilespmem:v12+s20+$0x0] =	vst.idx.msk $0xffff, v6;
	v6 =	vadd.s32 v3, v10;
	v10 =	vadd.s32 v4, v10  }
0x2e2: {  	[tilespmem:v9+s20+$0x0] =	vst.idx.msk $0xffff, v8;
	v8 =	vadd.s32 v3, v7;
	v7 =	vadd.s32 v4, v7;
	v9 =	vmov s22  }
0x2e3: {  	v15 =	vadd.s32 v3, v11;
	v11 =	vadd.s32 v4, v11;
	v12 =	vld [tilespmem:s0+$0xFFFFFF20];
	v8 =	vor.u32 $0x1, v8  }
0x2e4: {  	v13 =	vshll.u32 v13, v1;
	v7 =	vor.u32 $0x1, v7;
	v9 =	vshrl.u32 v9, $0x3;
	v16 =	vld [tilespmem:s0+$0xFFFFFF30]  }
0x2e5: {  	v17 =	vmov s21;
	v13 =	vbroadcast v13, $0x0;
	v9 =	vshll.u32 v9, v1  }
0x2e6: {  	v18 =	vmov s18;
	v17 =	vshrl.u32 v17, $0x3;
	v9 =	vbroadcast v9, $0x0  }
0x2e7: {  	v17 =	vshll.u32 v17, v1;
	v19 =	vadd.s32 v3, v13;
	v13 =	vadd.s32 v4, v13  }
0x2e8: {  	v20 =	vadd.s32 v4, v9;
	[tilespmem:v8+s20+$0x0] =	vst.idx.msk $0xffff, v12;
	v12 =	vadd.s32 v3, v9;
	v8 =	vbroadcast v17, $0x0  }
0x2e9: {  	v9 =	vmov s16;
	[tilespmem:v7+s20+$0x0] =	vst.idx.msk $0xffff, v16;
	v7 =	vshrl.u32 v18, $0x3;
	v16 =	vmov s26  }
0x2ea: {  	v14 =	vor.u32 $0x2, v14;
	v17 =	vld [tilespmem:s0+$0xFFFFFF40];
	v18 =	vadd.s32 v3, v8;
	v21 =	vadd.s32 v4, v8  }
0x2eb: {  	v5 =	vor.u32 $0x2, v5;
	v9 =	vshrl.u32 v9, $0x3;
	v7 =	vshll.u32 v7, v1;
	v8 =	vld [tilespmem:s0+$0xFFFFFF50]  }
0x2ec: {  	v9 =	vshll.u32 v9, v1;
	v16 =	vshrl.u32 v16, $0x3;
	v7 =	vbroadcast v7, $0x0  }
0x2ed: {  	v22 =	vmov s25;
	v9 =	vbroadcast v9, $0x0;
	v16 =	vshll.u32 v16, v1  }
0x2ee: {  	v23 =	vadd.s32 v3, v7;
	v24 =	vadd.s32 v4, v7;
	v7 =	vbroadcast v16, $0x0  }
0x2ef: {  	v16 =	vadd.s32 v4, v9;
	[tilespmem:v14+s20+$0x0] =	vst.idx.msk $0xffff, v17;
	v14 =	vadd.s32 v3, v9;
	v9 =	vshrl.u32 v22, $0x3  }
0x2f0: {  	[tilespmem:v5+s20+$0x0] =	vst.idx.msk $0xffff, v8;
	v8 =	vadd.s32 v3, v7;
	v7 =	vadd.s32 v4, v7;
	v5 =	vmov s24  }
0x2f1: {  	v22 =	vor.u32 $0x3, v6;
	v6 =	vshll.u32 v9, v1;
	v17 =	vld [tilespmem:s0+$0xFFFFFF60];
	v5 =	vshrl.u32 v5, $0x3  }
0x2f2: {  	v26 =	vor.u32 $0x3, v10;
	v6 =	vbroadcast v6, $0x0;
	v25 =	vld [tilespmem:s0+$0xFFFFFF70];
	v5 =	vshll.u32 v5, v1  }
0x2f3: {  	v5 =	vbroadcast v5, $0x0  }
0x2f4: {  	v10 =	vadd.s32 v3, v6;
	v9 =	vadd.s32 v4, v6  }
0x2f5: {  	v6 =	vadd.s32 v3, v5;
	v5 =	vadd.s32 v4, v5  }
0x2f6: {  	[tilespmem:v22+s20+$0x0] =	vst.idx.msk $0xffff, v17  }
0x2f7: {  	[tilespmem:v26+s20+$0x0] =	vst.idx.msk $0xffff, v25  }
0x2f8: {  	v15 =	vor.u32 $0x4, v15;
	v17 =	vld [tilespmem:s0+$0xFFFFFF80]  }
0x2f9: {  	v11 =	vor.u32 $0x4, v11;
	v22 =	vld [tilespmem:s0+$0xFFFFFF90];
	_ =	sdelay $0x3  }
0x2fa: {  	[tilespmem:v15+s20+$0x0] =	vst.idx.msk $0xffff, v17  }
0x2fb: {  	[tilespmem:v11+s20+$0x0] =	vst.idx.msk $0xffff, v22  }
0x2fc: {  	v15 =	vor.u32 $0x5, v19;
	v11 =	vld [tilespmem:s0+$0xFFFFFFA0]  }
0x2fd: {  	v13 =	vor.u32 $0x5, v13;
	v17 =	vld [tilespmem:s0+$0xFFFFFFB0];
	_ =	sdelay $0x3  }
0x2fe: {  	[tilespmem:v15+s20+$0x0] =	vst.idx.msk $0xffff, v11  }
0x2ff: {  	[tilespmem:v13+s20+$0x0] =	vst.idx.msk $0xffff, v17  }
0x300: {  	v12 =	vor.u32 $0x6, v12;
	v11 =	vld [tilespmem:s0+$0xFFFFFFC0]  }
0x301: {  	v15 =	vor.u32 $0x6, v20;
	v13 =	vld [tilespmem:s0+$0xFFFFFFD0];
	_ =	sdelay $0x3  }
0x302: {  	[tilespmem:v12+s20+$0x0] =	vst.idx.msk $0xffff, v11  }
0x303: {  	[tilespmem:v15+s20+$0x0] =	vst.idx.msk $0xffff, v13  }
0x304: {  	v12 =	vor.u32 $0x7, v18;
	v11 =	vld [tilespmem:s0+$0xFFFFFFE0]  }
0x305: {  	v15 =	vor.u32 $0x7, v21;
	v13 =	vld [tilespmem:s0+$0xFFFFFFF0];
	_ =	sdelay $0x3  }
0x306: {  	[tilespmem:v12+s20+$0x0] =	vst.idx.msk $0xffff, v11  }
0x307: {  	[tilespmem:v15+s20+$0x0] =	vst.idx.msk $0xffff, v13  }
0x308: {  	v11 =	vld [tilespmem:s0+$0x0]  }
0x309: {  	v12 =	vld [tilespmem:s0+$0x10];
	_ =	sdelay $0x3  }
0x30a: {  	[tilespmem:v23+s20+$0x0] =	vst.idx.msk $0xffff, v11  }
0x30b: {  	[tilespmem:v24+s20+$0x0] =	vst.idx.msk $0xffff, v12  }
0x30c: {  	v12 =	vor.u32 $0x1, v14;
	v11 =	vld [tilespmem:s0+$0x20]  }
0x30d: {  	v15 =	vmov s10;
	v14 =	vor.u32 $0x1, v16;
	v13 =	vld [tilespmem:s0+$0x30]  }
0x30e: {  	v15 =	vshrl.u32 v15, $0x3  }
0x30f: {  	v15 =	vshll.u32 v15, v1  }
0x310: {  	v15 =	vbroadcast v15, $0x0  }
0x311: {  	[tilespmem:v12+s20+$0x0] =	vst.idx.msk $0xffff, v11  }
0x312: {  	v11 =	vadd.s32 v3, v15;
	v12 =	vadd.s32 v4, v15;
	[tilespmem:v14+s20+$0x0] =	vst.idx.msk $0xffff, v13  }
0x313: {  	v11 =	vor.u32 $0x2, v11;
	v13 =	vld [tilespmem:s0+$0x40]  }
0x314: {  	v15 =	vmov s5;
	v12 =	vor.u32 $0x2, v12;
	v14 =	vld [tilespmem:s0+$0x50]  }
0x315: {  	v15 =	vshrl.u32 v15, $0x3  }
0x316: {  	v15 =	vshll.u32 v15, v1  }
0x317: {  	v15 =	vbroadcast v15, $0x0  }
0x318: {  	[tilespmem:v11+s20+$0x0] =	vst.idx.msk $0xffff, v13  }
0x319: {  	v11 =	vadd.s32 v3, v15;
	[tilespmem:v12+s20+$0x0] =	vst.idx.msk $0xffff, v14;
	v12 =	vadd.s32 v4, v15  }
0x31a: {  	v11 =	vor.u32 $0x3, v11;
	v13 =	vld [tilespmem:s0+$0x60]  }
0x31b: {  	v15 =	vmov s1;
	v12 =	vor.u32 $0x3, v12;
	v14 =	vld [tilespmem:s0+$0x70]  }
0x31c: {  	v15 =	vshrl.u32 v15, $0x3  }
0x31d: {  	v15 =	vshll.u32 v15, v1  }
0x31e: {  	v15 =	vbroadcast v15, $0x0  }
0x31f: {  	[tilespmem:v11+s20+$0x0] =	vst.idx.msk $0xffff, v13  }
0x320: {  	v3 =	vadd.s32 v3, v15;
	v4 =	vadd.s32 v4, v15;
	[tilespmem:v12+s20+$0x0] =	vst.idx.msk $0xffff, v14  }
0x321: {  	v3 =	vor.u32 $0x4, v3;
	v11 =	vld [tilespmem:s0+$0x80]  }
0x322: {  	v4 =	vor.u32 $0x4, v4;
	v12 =	vld [tilespmem:s0+$0x90];
	_ =	sdelay $0x3  }
0x323: {  	[tilespmem:v3+s20+$0x0] =	vst.idx.msk $0xffff, v11  }
0x324: {  	[tilespmem:v4+s20+$0x0] =	vst.idx.msk $0xffff, v12  }
0x325: {  	v4 =	vor.u32 $0x5, v8;
	v3 =	vld [tilespmem:s0+$0xA0]  }
0x326: {  	v7 =	vor.u32 $0x5, v7;
	v8 =	vld [tilespmem:s0+$0xB0];
	_ =	sdelay $0x3  }
0x327: {  	[tilespmem:v4+s20+$0x0] =	vst.idx.msk $0xffff, v3  }
0x328: {  	[tilespmem:v7+s20+$0x0] =	vst.idx.msk $0xffff, v8  }
0x329: {  	v4 =	vor.u32 $0x6, v10;
	v3 =	vld [tilespmem:s0+$0xC0]  }
0x32a: {  	v8 =	vor.u32 $0x6, v9;
	v7 =	vld [tilespmem:s0+$0xD0];
	_ =	sdelay $0x3  }
0x32b: {  	s14 =	sadd.s32 $0x1, s14;
	[tilespmem:v4+s20+$0x0] =	vst.idx.msk $0xffff, v3  }
0x32c: {  	s1 =	sshrl.u32 s14, $0x3;
	[tilespmem:v8+s20+$0x0] =	vst.idx.msk $0xffff, v7  }
0x32d: {  	v11 =	vor.u32 $0x7, v6;
	v3 =	vmov s1;
	s1 =	sshll.u32 s1, $0x7;
	v10 =	vld [tilespmem:s0+$0xE0]  }
.Ltmp1:
0x32e: {  	v4 =	vor.u32 $0x7, v5;
	s13 =	ssub.s32 s13, s1;
	v3 =	vmul.u32 $0x1100, v3;
	v6 =	vld [tilespmem:s0+$0xF0];
	s0 =	sadd.s32 $0x200, s0;
	(pc) =	sbr.rel @p0 .LBB2_5-.Ltmp1, $4  }
0x32f: {  	v5 =	vmov s13;
	s1 =	sadd.s32 $0x1, s13;
	s5 =	sadd.s32 $0x2, s13;
	s25 =	sadd.s32 $0x3, s13  }
0x330: {  	s24 =	sadd.s32 $0x4, s13;
	s23 =	sadd.s32 $0x5, s13;
	s22 =	sadd.s32 $0x6, s13;
	v7 =	vshrl.u32 v5, $0x3;
	v5 =	vbroadcast v3, $0x0;
	v3 =	vmov s1  }
0x331: {  	s21 =	sadd.s32 $0x7, s13;
	s18 =	sadd.s32 $0x8, s13;
	s16 =	sadd.s32 $0x9, s13;
	v8 =	vmov s5;
	v7 =	vshll.u32 v7, v1;
	v12 =	vshrl.u32 v3, $0x3  }
0x332: {  	s10 =	sadd.s32 $0xA, s13;
	s5 =	sadd.s32 $0xB, s13;
	s1 =	sadd.s32 $0xC, s13;
	v3 =	vadd.s32 v0, v5;
	v9 =	vbroadcast v7, $0x0;
	v7 =	vshll.u32 v12, v1;
	[tilespmem:v11+s20+$0x0] =	vst.idx.msk $0xffff, v10  }
0x333: {  	_ =	sdelay $0x3  }
0x334: {  	[tilespmem:v4+s20+$0x0] =	vst.idx.msk $0xffff, v6  }
0x335: {  	v14 =	vadd.s32 v2, v5;
	v6 =	vld [tilespmem:s0+$0xFFFFFF00];
	v10 =	vadd.s32 v3, v9  }
0x336: {  	v15 =	vld [tilespmem:s0+$0xFFFFFF10];
	v16 =	vadd.s32 v14, v9;
	_ =	sdelay $0x2  }
0x337: {  	v7 =	vbroadcast v7, $0x0  }
0x338: {  	[tilespmem:v10+s20+$0x0] =	vst.idx.msk $0xffff, v6  }
0x339: {  	v17 =	vadd.s32 v3, v7;
	[tilespmem:v16+s20+$0x0] =	vst.idx.msk $0xffff, v15  }
0x33a: {  	v18 =	vadd.s32 v14, v7;
	v5 =	vor.u32 $0x1, v17;
	v19 =	vld [tilespmem:s0+$0xFFFFFF20]  }
0x33b: {  	v6 =	vor.u32 $0x1, v18;
	v9 =	vld [tilespmem:s0+$0xFFFFFF30]  }
0x33c: {  	v8 =	vshrl.u32 v8, $0x3  }
0x33d: {  	v8 =	vshll.u32 v8, v1  }
0x33e: {  	v8 =	vbroadcast v8, $0x0  }
0x33f: {  	[tilespmem:v5+s20+$0x0] =	vst.idx.msk $0xffff, v19  }
0x340: {  	v20 =	vadd.s32 v3, v8;
	[tilespmem:v6+s20+$0x0] =	vst.idx.msk $0xffff, v9  }
0x341: {  	v21 =	vadd.s32 v14, v8;
	v5 =	vor.u32 $0x2, v20;
	v7 =	vld [tilespmem:s0+$0xFFFFFF40]  }
0x342: {  	v22 =	vmov s25;
	v6 =	vor.u32 $0x2, v21;
	v9 =	vld [tilespmem:s0+$0xFFFFFF50]  }
0x343: {  	v8 =	vshrl.u32 v22, $0x3  }
0x344: {  	v8 =	vshll.u32 v8, v1  }
0x345: {  	v8 =	vbroadcast v8, $0x0  }
0x346: {  	[tilespmem:v5+s20+$0x0] =	vst.idx.msk $0xffff, v7  }
0x347: {  	v23 =	vadd.s32 v3, v8;
	[tilespmem:v6+s20+$0x0] =	vst.idx.msk $0xffff, v9  }
0x348: {  	v24 =	vadd.s32 v14, v8;
	v5 =	vor.u32 $0x3, v23;
	v7 =	vld [tilespmem:s0+$0xFFFFFF60]  }
0x349: {  	v25 =	vmov s24;
	v6 =	vor.u32 $0x3, v24;
	v9 =	vld [tilespmem:s0+$0xFFFFFF70]  }
0x34a: {  	v8 =	vshrl.u32 v25, $0x3  }
0x34b: {  	v8 =	vshll.u32 v8, v1  }
0x34c: {  	v8 =	vbroadcast v8, $0x0  }
0x34d: {  	[tilespmem:v5+s20+$0x0] =	vst.idx.msk $0xffff, v7  }
0x34e: {  	v26 =	vadd.s32 v3, v8;
	[tilespmem:v6+s20+$0x0] =	vst.idx.msk $0xffff, v9  }
0x34f: {  	v27 =	vadd.s32 v14, v8;
	v5 =	vor.u32 $0x4, v26;
	v7 =	vld [tilespmem:s0+$0xFFFFFF80]  }
0x350: {  	v28 =	vmov s23;
	v6 =	vor.u32 $0x4, v27;
	v9 =	vld [tilespmem:s0+$0xFFFFFF90]  }
0x351: {  	v8 =	vshrl.u32 v28, $0x3  }
0x352: {  	v8 =	vshll.u32 v8, v1  }
0x353: {  	v8 =	vbroadcast v8, $0x0  }
0x354: {  	[tilespmem:v5+s20+$0x0] =	vst.idx.msk $0xffff, v7  }
0x355: {  	v29 =	vadd.s32 v3, v8;
	[tilespmem:v6+s20+$0x0] =	vst.idx.msk $0xffff, v9  }
0x356: {  	v30 =	vadd.s32 v14, v8;
	v5 =	vor.u32 $0x5, v29;
	v7 =	vld [tilespmem:s0+$0xFFFFFFA0]  }
0x357: {  	v31 =	vmov s22;
	v6 =	vor.u32 $0x5, v30;
	v9 =	vld [tilespmem:s0+$0xFFFFFFB0]  }
0x358: {  	v8 =	vshrl.u32 v31, $0x3  }
0x359: {  	v8 =	vshll.u32 v8, v1  }
0x35a: {  	v8 =	vbroadcast v8, $0x0  }
0x35b: {  	[tilespmem:v5+s20+$0x0] =	vst.idx.msk $0xffff, v7  }
0x35c: {  	v32 =	vadd.s32 v3, v8;
	[tilespmem:v6+s20+$0x0] =	vst.idx.msk $0xffff, v9  }
0x35d: {  	v33 =	vadd.s32 v14, v8;
	v5 =	vor.u32 $0x6, v32;
	v7 =	vld [tilespmem:s0+$0xFFFFFFC0]  }
0x35e: {  	v34 =	vmov s21;
	v6 =	vor.u32 $0x6, v33;
	v9 =	vld [tilespmem:s0+$0xFFFFFFD0]  }
0x35f: {  	v8 =	vshrl.u32 v34, $0x3  }
0x360: {  	v8 =	vshll.u32 v8, v1  }
0x361: {  	v8 =	vbroadcast v8, $0x0  }
0x362: {  	[tilespmem:v5+s20+$0x0] =	vst.idx.msk $0xffff, v7  }
0x363: {  	v35 =	vadd.s32 v3, v8;
	[tilespmem:v6+s20+$0x0] =	vst.idx.msk $0xffff, v9  }
0x364: {  	v36 =	vadd.s32 v14, v8;
	v5 =	vor.u32 $0x7, v35;
	v7 =	vld [tilespmem:s0+$0xFFFFFFE0]  }
0x365: {  	v6 =	vor.u32 $0x7, v36;
	v37 =	vld [tilespmem:s0+$0xFFFFFFF0]  }
0x366: {  	v38 =	vmov s18  }
0x367: {  	v9 =	vshrl.u32 v38, $0x3  }
0x368: {  	v9 =	vshll.u32 v9, v1  }
0x369: {  	v9 =	vbroadcast v9, $0x0;
	[tilespmem:v5+s20+$0x0] =	vst.idx.msk $0xffff, v7  }
0x36a: {  	[tilespmem:v6+s20+$0x0] =	vst.idx.msk $0xffff, v37  }
0x36b: {  	v39 =	vadd.s32 v3, v9;
	v6 =	vld [tilespmem:s0+$0x0]  }
0x36c: {  	v40 =	vmov s16;
	v41 =	vadd.s32 v14, v9;
	v42 =	vld [tilespmem:s0+$0x10]  }
0x36d: {  	v7 =	vshrl.u32 v40, $0x3  }
0x36e: {  	v7 =	vshll.u32 v7, v1  }
0x36f: {  	v7 =	vbroadcast v7, $0x0  }
0x370: {  	[tilespmem:v39+s20+$0x0] =	vst.idx.msk $0xffff, v6  }
0x371: {  	v43 =	vadd.s32 v3, v7;
	[tilespmem:v41+s20+$0x0] =	vst.idx.msk $0xffff, v42  }
0x372: {  	v44 =	vadd.s32 v14, v7;
	v5 =	vor.u32 $0x1, v43;
	v45 =	vld [tilespmem:s0+$0x20]  }
0x373: {  	v46 =	vmov s10;
	v6 =	vor.u32 $0x1, v44;
	v9 =	vld [tilespmem:s0+$0x30]  }
0x374: {  	v8 =	vshrl.u32 v46, $0x3  }
0x375: {  	v8 =	vshll.u32 v8, v1  }
0x376: {  	v8 =	vbroadcast v8, $0x0  }
0x377: {  	[tilespmem:v5+s20+$0x0] =	vst.idx.msk $0xffff, v45  }
0x378: {  	v47 =	vadd.s32 v3, v8;
	[tilespmem:v6+s20+$0x0] =	vst.idx.msk $0xffff, v9  }
0x379: {  	v48 =	vadd.s32 v14, v8;
	v5 =	vor.u32 $0x2, v47;
	v7 =	vld [tilespmem:s0+$0x40]  }
0x37a: {  	v49 =	vmov s5;
	v6 =	vor.u32 $0x2, v48;
	v9 =	vld [tilespmem:s0+$0x50]  }
0x37b: {  	v8 =	vshrl.u32 v49, $0x3  }
0x37c: {  	v8 =	vshll.u32 v8, v1  }
0x37d: {  	v8 =	vbroadcast v8, $0x0  }
0x37e: {  	[tilespmem:v5+s20+$0x0] =	vst.idx.msk $0xffff, v7  }
0x37f: {  	v50 =	vadd.s32 v3, v8;
	[tilespmem:v6+s20+$0x0] =	vst.idx.msk $0xffff, v9  }
0x380: {  	v51 =	vadd.s32 v14, v8;
	v5 =	vor.u32 $0x3, v50;
	v7 =	vld [tilespmem:s0+$0x60]  }
0x381: {  	v53 =	vmov s1;
	v6 =	vor.u32 $0x3, v51;
	v52 =	vld [tilespmem:s0+$0x70]  }
0x382: {  	v9 =	vshrl.u32 v53, $0x3  }
0x383: {  	v9 =	vshll.u32 v9, v1  }
0x384: {  	v9 =	vbroadcast v9, $0x0  }
0x385: {  	[tilespmem:v5+s20+$0x0] =	vst.idx.msk $0xffff, v7  }
0x386: {  	v54 =	vadd.s32 v3, v9;
	[tilespmem:v6+s20+$0x0] =	vst.idx.msk $0xffff, v52  }
0x387: {  	s5 =	sadd.s32 $0xD, s13;
	v55 =	vadd.s32 v14, v9;
	v5 =	vor.u32 $0x4, v54;
	v7 =	vld [tilespmem:s0+$0x80]  }
0x388: {  	v56 =	vmov s5;
	v6 =	vor.u32 $0x4, v55;
	v57 =	vld [tilespmem:s0+$0x90]  }
0x389: {  	v8 =	vshrl.u32 v56, $0x3  }
0x38a: {  	v8 =	vshll.u32 v8, v1  }
0x38b: {  	v8 =	vbroadcast v8, $0x0  }
0x38c: {  	[tilespmem:v5+s20+$0x0] =	vst.idx.msk $0xffff, v7  }
0x38d: {  	v58 =	vadd.s32 v3, v8;
	[tilespmem:v6+s20+$0x0] =	vst.idx.msk $0xffff, v57  }
0x38e: {  	s10 =	sadd.s32 $0xE, s13;
	v59 =	vadd.s32 v14, v8;
	v5 =	vor.u32 $0x5, v58;
	v7 =	vld [tilespmem:s0+$0xA0]  }
0x38f: {  	v60 =	vmov s10;
	v6 =	vor.u32 $0x5, v59;
	v9 =	vld [tilespmem:s0+$0xB0]  }
0x390: {  	v8 =	vshrl.u32 v60, $0x3  }
0x391: {  	v8 =	vshll.u32 v8, v1  }
0x392: {  	v8 =	vbroadcast v8, $0x0  }
0x393: {  	[tilespmem:v5+s20+$0x0] =	vst.idx.msk $0xffff, v7  }
0x394: {  	v61 =	vadd.s32 v3, v8;
	[tilespmem:v6+s20+$0x0] =	vst.idx.msk $0xffff, v9  }
0x395: {  	s12 =	sadd.s32 $0xF, s13;
	v62 =	vadd.s32 v14, v8;
	v5 =	vor.u32 $0x6, v61;
	v7 =	vld [tilespmem:s0+$0xC0]  }
0x396: {  	v63 =	vmov s12;
	v6 =	vor.u32 $0x6, v62;
	v9 =	vld [tilespmem:s0+$0xD0]  }
0x397: {  	v8 =	vshrl.u32 v63, $0x3  }
0x398: {  	v8 =	vshll.u32 v8, v1  }
0x399: {  	v8 =	vbroadcast v8, $0x0  }
0x39a: {  	[tilespmem:v5+s20+$0x0] =	vst.idx.msk $0xffff, v7  }
0x39b: {  	v3 =	vadd.s32 v3, v8;
	[tilespmem:v6+s20+$0x0] =	vst.idx.msk $0xffff, v9  }
0x39c: {  	v4 =	vadd.s32 v14, v8;
	v3 =	vor.u32 $0x7, v3;
	v5 =	vld [tilespmem:s0+$0xE0]  }
0x39d: {  	v4 =	vor.u32 $0x7, v4;
	v6 =	vld [tilespmem:s0+$0xF0];
	_ =	sdelay $0x1  }
0x39e: {  	s13 =	sshll.u32 s31, $0x13  }
0x39f: {  	s0 =	sor.u32 s6, s13  }
0x3a0: {  	s0 =	sshrl.u32 s0, $0x3;
	[tilespmem:v3+s20+$0x0] =	vst.idx.msk $0xffff, v5  }
0x3a1: {  	s1 =	sadd.s32 s2, s0;
	[tilespmem:v4+s20+$0x0] =	vst.idx.msk $0xffff, v6  }
0x3a2: {  	[hbm4b:s1+s3] =	stream.linear.scatter [tilespmem:s20], [sflag:$0x4], $0x80, $0x38;
	[tilespmem:$0x13C00] =	vst v63  }
0x3a3: {  	s16 =	simm.s32 $0xF888;
	s14 =	sadd.s32 $0x10, s1  }
0x3a4: {  	[hbm4b:s14+s3] =	stream.linear.scatter [tilespmem:s16], [sflag:$0x4], $0x80, $0x38;
	[tilespmem:$0x13C00] =	vst v63  }
0x3a5: {  	s21 =	simm.s32 $0xF910;
	s18 =	sadd.s32 $0x20, s1  }
0x3a6: {  	[hbm4b:s18+s3] =	stream.linear.scatter [tilespmem:s21], [sflag:$0x4], $0x80, $0x38;
	[tilespmem:$0x13C00] =	vst v63  }
0x3a7: {  	s23 =	simm.s32 $0xF998;
	s22 =	sadd.s32 $0x30, s1  }
0x3a8: {  	[hbm4b:s22+s3] =	stream.linear.scatter [tilespmem:s23], [sflag:$0x4], $0x80, $0x38;
	[tilespmem:$0x13C00] =	vst v63  }
0x3a9: {  	s25 =	simm.s32 $0xFA20;
	s24 =	sadd.s32 $0x40, s1  }
0x3aa: {  	[hbm4b:s24+s3] =	stream.linear.scatter [tilespmem:s25], [sflag:$0x4], $0x80, $0x38;
	[tilespmem:$0x13C00] =	vst v63  }
0x3ab: {  	s31 =	simm.s32 $0xFAA8;
	s26 =	sadd.s32 $0x50, s1  }
0x3ac: {  	[hbm4b:s26+s3] =	stream.linear.scatter [tilespmem:s31], [sflag:$0x4], $0x80, $0x38;
	[tilespmem:$0x13C00] =	vst v63  }
0x3ad: {  	s13 =	simm.s32 $0xFB30;
	s12 =	sadd.s32 $0x60, s1  }
0x3ae: {  	[hbm4b:s12+s3] =	stream.linear.scatter [tilespmem:s13], [sflag:$0x4], $0x80, $0x38;
	[tilespmem:$0x13C00] =	vst v63  }
0x3af: {  	s14 =	sadd.s32 $0x70, s1;
	s16 =	simm.s32 $0xFBB8  }
0x3b0: {  	[hbm4b:s14+s3] =	stream.linear.scatter [tilespmem:s16], [sflag:$0x4], $0x80, $0x38;
	[tilespmem:$0x13C00] =	vst v63  }
0x3b1: {  	s18 =	sadd.s32 $0x80, s1;
	s21 =	simm.s32 $0x10900  }
0x3b2: {  	[hbm4b:s18+s3] =	stream.linear.scatter [tilespmem:s21], [sflag:$0x4], $0x80, $0x38;
	[tilespmem:$0x13C00] =	vst v63  }
0x3b3: {  	s22 =	sadd.s32 $0x90, s1;
	s23 =	simm.s32 $0x10988  }
0x3b4: {  	[hbm4b:s22+s3] =	stream.linear.scatter [tilespmem:s23], [sflag:$0x4], $0x80, $0x38;
	[tilespmem:$0x13C00] =	vst v63  }
0x3b5: {  	s24 =	sadd.s32 $0xA0, s1;
	s25 =	simm.s32 $0x10A10  }
0x3b6: {  	[hbm4b:s24+s3] =	stream.linear.scatter [tilespmem:s25], [sflag:$0x4], $0x80, $0x38;
	[tilespmem:$0x13C00] =	vst v63  }
0x3b7: {  	s26 =	sadd.s32 $0xB0, s1;
	s31 =	simm.s32 $0x10A98  }
0x3b8: {  	[hbm4b:s26+s3] =	stream.linear.scatter [tilespmem:s31], [sflag:$0x4], $0x80, $0x38;
	[tilespmem:$0x13C00] =	vst v63  }
0x3b9: {  	s12 =	sadd.s32 $0xC0, s1;
	s13 =	simm.s32 $0x10B20  }
0x3ba: {  	[hbm4b:s12+s3] =	stream.linear.scatter [tilespmem:s13], [sflag:$0x4], $0x80, $0x38;
	[tilespmem:$0x13C00] =	vst v63  }
0x3bb: {  	s14 =	sadd.s32 $0xD0, s1;
	s16 =	simm.s32 $0x10BA8  }
0x3bc: {  	[hbm4b:s14+s3] =	stream.linear.scatter [tilespmem:s16], [sflag:$0x4], $0x80, $0x38;
	[tilespmem:$0x13C00] =	vst v63  }
0x3bd: {  	s18 =	sadd.s32 $0xE0, s1;
	s21 =	simm.s32 $0x10C30  }
0x3be: {  	[hbm4b:s18+s3] =	stream.linear.scatter [tilespmem:s21], [sflag:$0x4], $0x80, $0x38;
	[tilespmem:$0x13C00] =	vst v63  }
0x3bf: {  	s22 =	sadd.s32 $0xF0, s1;
	s23 =	simm.s32 $0x10CB8  }
0x3c0: {  	[hbm4b:s22+s3] =	stream.linear.scatter [tilespmem:s23], [sflag:$0x4], $0x80, $0x38;
	[tilespmem:$0x13C00] =	vst v63  }
0x3c1: {  	s24 =	sadd.s32 $0x100, s1;
	s25 =	simm.s32 $0x11A00  }
0x3c2: {  	[hbm4b:s24+s3] =	stream.linear.scatter [tilespmem:s25], [sflag:$0x4], $0x80, $0x38;
	[tilespmem:$0x13C00] =	vst v63  }
0x3c3: {  	s26 =	sadd.s32 $0x110, s1;
	s31 =	simm.s32 $0x11A88  }
0x3c4: {  	[hbm4b:s26+s3] =	stream.linear.scatter [tilespmem:s31], [sflag:$0x4], $0x80, $0x38;
	[tilespmem:$0x13C00] =	vst v63  }
0x3c5: {  	s12 =	sadd.s32 $0x120, s1;
	s13 =	simm.s32 $0x11B10  }
0x3c6: {  	[hbm4b:s12+s3] =	stream.linear.scatter [tilespmem:s13], [sflag:$0x4], $0x80, $0x38;
	[tilespmem:$0x13C00] =	vst v63  }
0x3c7: {  	s14 =	sadd.s32 $0x130, s1;
	s16 =	simm.s32 $0x11B98  }
0x3c8: {  	[hbm4b:s14+s3] =	stream.linear.scatter [tilespmem:s16], [sflag:$0x4], $0x80, $0x38;
	[tilespmem:$0x13C00] =	vst v63  }
0x3c9: {  	s18 =	sadd.s32 $0x140, s1;
	s21 =	simm.s32 $0x11C20  }
0x3ca: {  	[hbm4b:s18+s3] =	stream.linear.scatter [tilespmem:s21], [sflag:$0x4], $0x80, $0x38;
	[tilespmem:$0x13C00] =	vst v63  }
0x3cb: {  	s22 =	sadd.s32 $0x150, s1;
	s23 =	simm.s32 $0x11CA8  }
0x3cc: {  	[hbm4b:s22+s3] =	stream.linear.scatter [tilespmem:s23], [sflag:$0x4], $0x80, $0x38;
	[tilespmem:$0x13C00] =	vst v63  }
0x3cd: {  	s24 =	sadd.s32 $0x160, s1;
	s25 =	simm.s32 $0x11D30  }
0x3ce: {  	[hbm4b:s24+s3] =	stream.linear.scatter [tilespmem:s25], [sflag:$0x4], $0x80, $0x38;
	[tilespmem:$0x13C00] =	vst v63  }
0x3cf: {  	s26 =	sadd.s32 $0x170, s1;
	s31 =	simm.s32 $0x11DB8  }
0x3d0: {  	[hbm4b:s26+s3] =	stream.linear.scatter [tilespmem:s31], [sflag:$0x4], $0x80, $0x38;
	[tilespmem:$0x13C00] =	vst v63  }
0x3d1: {  	s12 =	sadd.s32 $0x180, s1;
	s13 =	simm.s32 $0x12B00  }
0x3d2: {  	[hbm4b:s12+s3] =	stream.linear.scatter [tilespmem:s13], [sflag:$0x4], $0x80, $0x38;
	[tilespmem:$0x13C00] =	vst v63  }
0x3d3: {  	s14 =	sadd.s32 $0x190, s1;
	s16 =	simm.s32 $0x12B88  }
0x3d4: {  	[hbm4b:s14+s3] =	stream.linear.scatter [tilespmem:s16], [sflag:$0x4], $0x80, $0x38;
	[tilespmem:$0x13C00] =	vst v63  }
0x3d5: {  	s18 =	sadd.s32 $0x1A0, s1;
	s21 =	simm.s32 $0x12C10  }
0x3d6: {  	[hbm4b:s18+s3] =	stream.linear.scatter [tilespmem:s21], [sflag:$0x4], $0x80, $0x38;
	[tilespmem:$0x13C00] =	vst v63  }
0x3d7: {  	s22 =	sadd.s32 $0x1B0, s1;
	s23 =	simm.s32 $0x12C98  }
0x3d8: {  	[hbm4b:s22+s3] =	stream.linear.scatter [tilespmem:s23], [sflag:$0x4], $0x80, $0x38;
	[tilespmem:$0x13C00] =	vst v63  }
0x3d9: {  	s24 =	sadd.s32 $0x1C0, s1;
	s25 =	simm.s32 $0x12D20  }
0x3da: {  	[hbm4b:s24+s3] =	stream.linear.scatter [tilespmem:s25], [sflag:$0x4], $0x80, $0x38;
	[tilespmem:$0x13C00] =	vst v63  }
0x3db: {  	s26 =	sadd.s32 $0x1D0, s1;
	s31 =	simm.s32 $0x12DA8  }
0x3dc: {  	[hbm4b:s26+s3] =	stream.linear.scatter [tilespmem:s31], [sflag:$0x4], $0x80, $0x38;
	[tilespmem:$0x13C00] =	vst v63  }
0x3dd: {  	s12 =	sadd.s32 $0x1E0, s1;
	s13 =	simm.s32 $0x12E30  }
0x3de: {  	[hbm4b:s12+s3] =	stream.linear.scatter [tilespmem:s13], [sflag:$0x4], $0x80, $0x38;
	[tilespmem:$0x13C00] =	vst v63  }
0x3df: {  	s1 =	sadd.s32 $0x1F0, s1;
	s14 =	simm.s32 $0x12EB8  }
0x3e0: {  	[hbm4b:s1+s3] =	stream.linear.scatter [tilespmem:s14], [sflag:$0x4], $0x80, $0x38;
	[tilespmem:$0x13C00] =	vst v63  }
0x3e1: {  	s16 =	simm.s32 $0xFC40;
	s1 =	sadd.s32 s0, s7  }
0x3e2: {  	[hbm4b:s1+s3] =	stream.linear.scatter [tilespmem:s16], [sflag:$0x4], $0x80, $0x38;
	[tilespmem:$0x13C00] =	vst v63  }
0x3e3: {  	s21 =	simm.s32 $0xFCC8;
	s18 =	sadd.s32 $0x10, s1  }
0x3e4: {  	[hbm4b:s18+s3] =	stream.linear.scatter [tilespmem:s21], [sflag:$0x4], $0x80, $0x38;
	[tilespmem:$0x13C00] =	vst v63  }
0x3e5: {  	s23 =	simm.s32 $0xFD50;
	s22 =	sadd.s32 $0x20, s1  }
0x3e6: {  	[hbm4b:s22+s3] =	stream.linear.scatter [tilespmem:s23], [sflag:$0x4], $0x80, $0x38;
	[tilespmem:$0x13C00] =	vst v63  }
0x3e7: {  	s25 =	simm.s32 $0xFDD8;
	s24 =	sadd.s32 $0x30, s1  }
0x3e8: {  	[hbm4b:s24+s3] =	stream.linear.scatter [tilespmem:s25], [sflag:$0x4], $0x80, $0x38;
	[tilespmem:$0x13C00] =	vst v63  }
0x3e9: {  	s31 =	simm.s32 $0xFE60;
	s26 =	sadd.s32 $0x40, s1  }
0x3ea: {  	[hbm4b:s26+s3] =	stream.linear.scatter [tilespmem:s31], [sflag:$0x4], $0x80, $0x38;
	[tilespmem:$0x13C00] =	vst v63  }
0x3eb: {  	s13 =	simm.s32 $0xFEE8;
	s12 =	sadd.s32 $0x50, s1  }
0x3ec: {  	[hbm4b:s12+s3] =	stream.linear.scatter [tilespmem:s13], [sflag:$0x4], $0x80, $0x38;
	[tilespmem:$0x13C00] =	vst v63  }
0x3ed: {  	s14 =	sadd.s32 $0x60, s1;
	s16 =	simm.s32 $0xFF70  }
0x3ee: {  	[hbm4b:s14+s3] =	stream.linear.scatter [tilespmem:s16], [sflag:$0x4], $0x80, $0x38;
	[tilespmem:$0x13C00] =	vst v63  }
0x3ef: {  	s18 =	sadd.s32 $0x70, s1;
	s21 =	simm.s32 $0xFFF8  }
0x3f0: {  	[hbm4b:s18+s3] =	stream.linear.scatter [tilespmem:s21], [sflag:$0x4], $0x80, $0x38;
	[tilespmem:$0x13C00] =	vst v63  }
0x3f1: {  	s22 =	sadd.s32 $0x80, s1;
	s23 =	simm.s32 $0x10D40  }
0x3f2: {  	[hbm4b:s22+s3] =	stream.linear.scatter [tilespmem:s23], [sflag:$0x4], $0x80, $0x38;
	[tilespmem:$0x13C00] =	vst v63  }
0x3f3: {  	s24 =	sadd.s32 $0x90, s1;
	s25 =	simm.s32 $0x10DC8  }
0x3f4: {  	[hbm4b:s24+s3] =	stream.linear.scatter [tilespmem:s25], [sflag:$0x4], $0x80, $0x38;
	[tilespmem:$0x13C00] =	vst v63  }
0x3f5: {  	s26 =	sadd.s32 $0xA0, s1;
	s31 =	simm.s32 $0x10E50  }
0x3f6: {  	[hbm4b:s26+s3] =	stream.linear.scatter [tilespmem:s31], [sflag:$0x4], $0x80, $0x38;
	[tilespmem:$0x13C00] =	vst v63  }
0x3f7: {  	s12 =	sadd.s32 $0xB0, s1;
	s13 =	simm.s32 $0x10ED8  }
0x3f8: {  	[hbm4b:s12+s3] =	stream.linear.scatter [tilespmem:s13], [sflag:$0x4], $0x80, $0x38;
	[tilespmem:$0x13C00] =	vst v63  }
0x3f9: {  	s14 =	sadd.s32 $0xC0, s1;
	s16 =	simm.s32 $0x10F60  }
0x3fa: {  	[hbm4b:s14+s3] =	stream.linear.scatter [tilespmem:s16], [sflag:$0x4], $0x80, $0x38;
	[tilespmem:$0x13C00] =	vst v63  }
0x3fb: {  	s18 =	sadd.s32 $0xD0, s1;
	s21 =	simm.s32 $0x10FE8  }
0x3fc: {  	[hbm4b:s18+s3] =	stream.linear.scatter [tilespmem:s21], [sflag:$0x4], $0x80, $0x38;
	[tilespmem:$0x13C00] =	vst v63  }
0x3fd: {  	s22 =	sadd.s32 $0xE0, s1;
	s23 =	simm.s32 $0x11070  }
0x3fe: {  	[hbm4b:s22+s3] =	stream.linear.scatter [tilespmem:s23], [sflag:$0x4], $0x80, $0x38;
	[tilespmem:$0x13C00] =	vst v63  }
0x3ff: {  	s24 =	sadd.s32 $0xF0, s1;
	s25 =	simm.s32 $0x110F8  }
0x400: {  	[hbm4b:s24+s3] =	stream.linear.scatter [tilespmem:s25], [sflag:$0x4], $0x80, $0x38;
	[tilespmem:$0x13C00] =	vst v63  }
0x401: {  	s26 =	sadd.s32 $0x100, s1;
	s31 =	simm.s32 $0x11E40  }
0x402: {  	[hbm4b:s26+s3] =	stream.linear.scatter [tilespmem:s31], [sflag:$0x4], $0x80, $0x38;
	[tilespmem:$0x13C00] =	vst v63  }
0x403: {  	s12 =	sadd.s32 $0x110, s1;
	s13 =	simm.s32 $0x11EC8  }
0x404: {  	[hbm4b:s12+s3] =	stream.linear.scatter [tilespmem:s13], [sflag:$0x4], $0x80, $0x38;
	[tilespmem:$0x13C00] =	vst v63  }
0x405: {  	s14 =	sadd.s32 $0x120, s1;
	s16 =	simm.s32 $0x11F50  }
0x406: {  	[hbm4b:s14+s3] =	stream.linear.scatter [tilespmem:s16], [sflag:$0x4], $0x80, $0x38;
	[tilespmem:$0x13C00] =	vst v63  }
0x407: {  	s18 =	sadd.s32 $0x130, s1;
	s21 =	simm.s32 $0x11FD8  }
0x408: {  	[hbm4b:s18+s3] =	stream.linear.scatter [tilespmem:s21], [sflag:$0x4], $0x80, $0x38;
	[tilespmem:$0x13C00] =	vst v63  }
0x409: {  	s22 =	sadd.s32 $0x140, s1;
	s23 =	simm.s32 $0x12060  }
0x40a: {  	[hbm4b:s22+s3] =	stream.linear.scatter [tilespmem:s23], [sflag:$0x4], $0x80, $0x38;
	[tilespmem:$0x13C00] =	vst v63  }
0x40b: {  	s24 =	sadd.s32 $0x150, s1;
	s25 =	simm.s32 $0x120E8  }
0x40c: {  	[hbm4b:s24+s3] =	stream.linear.scatter [tilespmem:s25], [sflag:$0x4], $0x80, $0x38;
	[tilespmem:$0x13C00] =	vst v63  }
0x40d: {  	s26 =	sadd.s32 $0x160, s1;
	s31 =	simm.s32 $0x12170  }
0x40e: {  	[hbm4b:s26+s3] =	stream.linear.scatter [tilespmem:s31], [sflag:$0x4], $0x80, $0x38;
	[tilespmem:$0x13C00] =	vst v63  }
0x40f: {  	s12 =	sadd.s32 $0x170, s1;
	s13 =	simm.s32 $0x121F8  }
0x410: {  	[hbm4b:s12+s3] =	stream.linear.scatter [tilespmem:s13], [sflag:$0x4], $0x80, $0x38;
	[tilespmem:$0x13C00] =	vst v63  }
0x411: {  	s14 =	sadd.s32 $0x180, s1;
	s16 =	simm.s32 $0x12F40  }
0x412: {  	[hbm4b:s14+s3] =	stream.linear.scatter [tilespmem:s16], [sflag:$0x4], $0x80, $0x38;
	[tilespmem:$0x13C00] =	vst v63  }
0x413: {  	s18 =	sadd.s32 $0x190, s1;
	s21 =	simm.s32 $0x12FC8  }
0x414: {  	[hbm4b:s18+s3] =	stream.linear.scatter [tilespmem:s21], [sflag:$0x4], $0x80, $0x38;
	[tilespmem:$0x13C00] =	vst v63  }
0x415: {  	s22 =	sadd.s32 $0x1A0, s1;
	s23 =	simm.s32 $0x13050  }
0x416: {  	[hbm4b:s22+s3] =	stream.linear.scatter [tilespmem:s23], [sflag:$0x4], $0x80, $0x38;
	[tilespmem:$0x13C00] =	vst v63  }
0x417: {  	s24 =	sadd.s32 $0x1B0, s1;
	s25 =	simm.s32 $0x130D8  }
0x418: {  	[hbm4b:s24+s3] =	stream.linear.scatter [tilespmem:s25], [sflag:$0x4], $0x80, $0x38;
	[tilespmem:$0x13C00] =	vst v63  }
0x419: {  	s26 =	sadd.s32 $0x1C0, s1;
	s31 =	simm.s32 $0x13160  }
0x41a: {  	[hbm4b:s26+s3] =	stream.linear.scatter [tilespmem:s31], [sflag:$0x4], $0x80, $0x38;
	[tilespmem:$0x13C00] =	vst v63  }
0x41b: {  	s12 =	sadd.s32 $0x1D0, s1;
	s13 =	simm.s32 $0x131E8  }
0x41c: {  	[hbm4b:s12+s3] =	stream.linear.scatter [tilespmem:s13], [sflag:$0x4], $0x80, $0x38;
	[tilespmem:$0x13C00] =	vst v63  }
0x41d: {  	s14 =	sadd.s32 $0x1E0, s1;
	s16 =	simm.s32 $0x13270  }
0x41e: {  	[hbm4b:s14+s3] =	stream.linear.scatter [tilespmem:s16], [sflag:$0x4], $0x80, $0x38;
	[tilespmem:$0x13C00] =	vst v63  }
0x41f: {  	s1 =	sadd.s32 $0x1F0, s1;
	s18 =	simm.s32 $0x132F8  }
0x420: {  	[hbm4b:s1+s3] =	stream.linear.scatter [tilespmem:s18], [sflag:$0x4], $0x80, $0x38;
	[tilespmem:$0x13C00] =	vst v63  }
0x421: {  	s21 =	simm.s32 $0x10080;
	s1 =	sadd.s32 s0, s8  }
0x422: {  	[hbm4b:s1+s3] =	stream.linear.scatter [tilespmem:s21], [sflag:$0x4], $0x80, $0x38;
	[tilespmem:$0x13C00] =	vst v63  }
0x423: {  	s23 =	simm.s32 $0x10108;
	s22 =	sadd.s32 $0x10, s1  }
0x424: {  	[hbm4b:s22+s3] =	stream.linear.scatter [tilespmem:s23], [sflag:$0x4], $0x80, $0x38;
	[tilespmem:$0x13C00] =	vst v63  }
0x425: {  	s25 =	simm.s32 $0x10190;
	s24 =	sadd.s32 $0x20, s1  }
0x426: {  	[hbm4b:s24+s3] =	stream.linear.scatter [tilespmem:s25], [sflag:$0x4], $0x80, $0x38;
	[tilespmem:$0x13C00] =	vst v63  }
0x427: {  	s31 =	simm.s32 $0x10218;
	s26 =	sadd.s32 $0x30, s1  }
0x428: {  	[hbm4b:s26+s3] =	stream.linear.scatter [tilespmem:s31], [sflag:$0x4], $0x80, $0x38;
	[tilespmem:$0x13C00] =	vst v63  }
0x429: {  	s13 =	simm.s32 $0x102A0;
	s12 =	sadd.s32 $0x40, s1  }
0x42a: {  	[hbm4b:s12+s3] =	stream.linear.scatter [tilespmem:s13], [sflag:$0x4], $0x80, $0x38;
	[tilespmem:$0x13C00] =	vst v63  }
0x42b: {  	s16 =	simm.s32 $0x10328;
	s14 =	sadd.s32 $0x50, s1  }
0x42c: {  	[hbm4b:s14+s3] =	stream.linear.scatter [tilespmem:s16], [sflag:$0x4], $0x80, $0x38;
	[tilespmem:$0x13C00] =	vst v63  }
0x42d: {  	s18 =	sadd.s32 $0x60, s1;
	s21 =	simm.s32 $0x103B0  }
0x42e: {  	[hbm4b:s18+s3] =	stream.linear.scatter [tilespmem:s21], [sflag:$0x4], $0x80, $0x38;
	[tilespmem:$0x13C00] =	vst v63  }
0x42f: {  	s22 =	sadd.s32 $0x70, s1;
	s23 =	simm.s32 $0x10438  }
0x430: {  	[hbm4b:s22+s3] =	stream.linear.scatter [tilespmem:s23], [sflag:$0x4], $0x80, $0x38;
	[tilespmem:$0x13C00] =	vst v63  }
0x431: {  	s24 =	sadd.s32 $0x80, s1;
	s25 =	simm.s32 $0x11180  }
0x432: {  	[hbm4b:s24+s3] =	stream.linear.scatter [tilespmem:s25], [sflag:$0x4], $0x80, $0x38;
	[tilespmem:$0x13C00] =	vst v63  }
0x433: {  	s26 =	sadd.s32 $0x90, s1;
	s31 =	simm.s32 $0x11208  }
0x434: {  	[hbm4b:s26+s3] =	stream.linear.scatter [tilespmem:s31], [sflag:$0x4], $0x80, $0x38;
	[tilespmem:$0x13C00] =	vst v63  }
0x435: {  	s12 =	sadd.s32 $0xA0, s1;
	s13 =	simm.s32 $0x11290  }
0x436: {  	[hbm4b:s12+s3] =	stream.linear.scatter [tilespmem:s13], [sflag:$0x4], $0x80, $0x38;
	[tilespmem:$0x13C00] =	vst v63  }
0x437: {  	s14 =	sadd.s32 $0xB0, s1;
	s16 =	simm.s32 $0x11318  }
0x438: {  	[hbm4b:s14+s3] =	stream.linear.scatter [tilespmem:s16], [sflag:$0x4], $0x80, $0x38;
	[tilespmem:$0x13C00] =	vst v63  }
0x439: {  	s18 =	sadd.s32 $0xC0, s1;
	s21 =	simm.s32 $0x113A0  }
0x43a: {  	[hbm4b:s18+s3] =	stream.linear.scatter [tilespmem:s21], [sflag:$0x4], $0x80, $0x38;
	[tilespmem:$0x13C00] =	vst v63  }
0x43b: {  	s22 =	sadd.s32 $0xD0, s1;
	s23 =	simm.s32 $0x11428  }
0x43c: {  	[hbm4b:s22+s3] =	stream.linear.scatter [tilespmem:s23], [sflag:$0x4], $0x80, $0x38;
	[tilespmem:$0x13C00] =	vst v63  }
0x43d: {  	s24 =	sadd.s32 $0xE0, s1;
	s25 =	simm.s32 $0x114B0  }
0x43e: {  	[hbm4b:s24+s3] =	stream.linear.scatter [tilespmem:s25], [sflag:$0x4], $0x80, $0x38;
	[tilespmem:$0x13C00] =	vst v63  }
0x43f: {  	s26 =	sadd.s32 $0xF0, s1;
	s31 =	simm.s32 $0x11538  }
0x440: {  	[hbm4b:s26+s3] =	stream.linear.scatter [tilespmem:s31], [sflag:$0x4], $0x80, $0x38;
	[tilespmem:$0x13C00] =	vst v63  }
0x441: {  	s12 =	sadd.s32 $0x100, s1;
	s13 =	simm.s32 $0x12280  }
0x442: {  	[hbm4b:s12+s3] =	stream.linear.scatter [tilespmem:s13], [sflag:$0x4], $0x80, $0x38;
	[tilespmem:$0x13C00] =	vst v63  }
0x443: {  	s14 =	sadd.s32 $0x110, s1;
	s16 =	simm.s32 $0x12308  }
0x444: {  	[hbm4b:s14+s3] =	stream.linear.scatter [tilespmem:s16], [sflag:$0x4], $0x80, $0x38;
	[tilespmem:$0x13C00] =	vst v63  }
0x445: {  	s18 =	sadd.s32 $0x120, s1;
	s21 =	simm.s32 $0x12390  }
0x446: {  	[hbm4b:s18+s3] =	stream.linear.scatter [tilespmem:s21], [sflag:$0x4], $0x80, $0x38;
	[tilespmem:$0x13C00] =	vst v63  }
0x447: {  	s22 =	sadd.s32 $0x130, s1;
	s23 =	simm.s32 $0x12418  }
0x448: {  	[hbm4b:s22+s3] =	stream.linear.scatter [tilespmem:s23], [sflag:$0x4], $0x80, $0x38;
	[tilespmem:$0x13C00] =	vst v63  }
0x449: {  	s24 =	sadd.s32 $0x140, s1;
	s25 =	simm.s32 $0x124A0  }
0x44a: {  	[hbm4b:s24+s3] =	stream.linear.scatter [tilespmem:s25], [sflag:$0x4], $0x80, $0x38;
	[tilespmem:$0x13C00] =	vst v63  }
0x44b: {  	s26 =	sadd.s32 $0x150, s1;
	s31 =	simm.s32 $0x12528  }
0x44c: {  	[hbm4b:s26+s3] =	stream.linear.scatter [tilespmem:s31], [sflag:$0x4], $0x80, $0x38;
	[tilespmem:$0x13C00] =	vst v63  }
0x44d: {  	s12 =	sadd.s32 $0x160, s1;
	s13 =	simm.s32 $0x125B0  }
0x44e: {  	[hbm4b:s12+s3] =	stream.linear.scatter [tilespmem:s13], [sflag:$0x4], $0x80, $0x38;
	[tilespmem:$0x13C00] =	vst v63  }
0x44f: {  	s14 =	sadd.s32 $0x170, s1;
	s16 =	simm.s32 $0x12638  }
0x450: {  	[hbm4b:s14+s3] =	stream.linear.scatter [tilespmem:s16], [sflag:$0x4], $0x80, $0x38;
	[tilespmem:$0x13C00] =	vst v63  }
0x451: {  	s18 =	sadd.s32 $0x180, s1;
	s21 =	simm.s32 $0x13380  }
0x452: {  	[hbm4b:s18+s3] =	stream.linear.scatter [tilespmem:s21], [sflag:$0x4], $0x80, $0x38;
	[tilespmem:$0x13C00] =	vst v63  }
0x453: {  	s22 =	sadd.s32 $0x190, s1;
	s23 =	simm.s32 $0x13408  }
0x454: {  	[hbm4b:s22+s3] =	stream.linear.scatter [tilespmem:s23], [sflag:$0x4], $0x80, $0x38;
	[tilespmem:$0x13C00] =	vst v63  }
0x455: {  	s24 =	sadd.s32 $0x1A0, s1;
	s25 =	simm.s32 $0x13490  }
0x456: {  	[hbm4b:s24+s3] =	stream.linear.scatter [tilespmem:s25], [sflag:$0x4], $0x80, $0x38;
	[tilespmem:$0x13C00] =	vst v63  }
0x457: {  	s26 =	sadd.s32 $0x1B0, s1;
	s31 =	simm.s32 $0x13518  }
0x458: {  	[hbm4b:s26+s3] =	stream.linear.scatter [tilespmem:s31], [sflag:$0x4], $0x80, $0x38;
	[tilespmem:$0x13C00] =	vst v63  }
0x459: {  	s12 =	sadd.s32 $0x1C0, s1;
	s13 =	simm.s32 $0x135A0  }
0x45a: {  	[hbm4b:s12+s3] =	stream.linear.scatter [tilespmem:s13], [sflag:$0x4], $0x80, $0x38;
	[tilespmem:$0x13C00] =	vst v63  }
0x45b: {  	s14 =	sadd.s32 $0x1D0, s1;
	s16 =	simm.s32 $0x13628  }
0x45c: {  	[hbm4b:s14+s3] =	stream.linear.scatter [tilespmem:s16], [sflag:$0x4], $0x80, $0x38;
	[tilespmem:$0x13C00] =	vst v63  }
0x45d: {  	s18 =	sadd.s32 $0x1E0, s1;
	s21 =	simm.s32 $0x136B0  }
0x45e: {  	[hbm4b:s18+s3] =	stream.linear.scatter [tilespmem:s21], [sflag:$0x4], $0x80, $0x38;
	[tilespmem:$0x13C00] =	vst v63  }
0x45f: {  	s1 =	sadd.s32 $0x1F0, s1;
	s22 =	simm.s32 $0x13738  }
0x460: {  	[hbm4b:s1+s3] =	stream.linear.scatter [tilespmem:s22], [sflag:$0x4], $0x80, $0x38;
	[tilespmem:$0x13C00] =	vst v63  }
0x461: {  	s0 =	sadd.s32 s0, s9;
	s23 =	simm.s32 $0x104C0  }
0x462: {  	[hbm4b:s0+s3] =	stream.linear.scatter [tilespmem:s23], [sflag:$0x4], $0x80, $0x38;
	[tilespmem:$0x13C00] =	vst v63  }
0x463: {  	s24 =	sadd.s32 $0x10, s0;
	s25 =	simm.s32 $0x10548  }
0x464: {  	[hbm4b:s24+s3] =	stream.linear.scatter [tilespmem:s25], [sflag:$0x4], $0x80, $0x38;
	[tilespmem:$0x13C00] =	vst v63  }
0x465: {  	s26 =	sadd.s32 $0x20, s0;
	s31 =	simm.s32 $0x105D0  }
0x466: {  	[hbm4b:s26+s3] =	stream.linear.scatter [tilespmem:s31], [sflag:$0x4], $0x80, $0x38;
	[tilespmem:$0x13C00] =	vst v63  }
0x467: {  	s10 =	simm.s32 $0x10658;
	s5 =	sadd.s32 $0x30, s0  }
0x468: {  	[hbm4b:s5+s3] =	stream.linear.scatter [tilespmem:s10], [sflag:$0x4], $0x80, $0x38;
	[tilespmem:$0x13C00] =	vst v63  }
0x469: {  	s12 =	sadd.s32 $0x40, s0;
	s13 =	simm.s32 $0x106E0  }
0x46a: {  	[hbm4b:s12+s3] =	stream.linear.scatter [tilespmem:s13], [sflag:$0x4], $0x80, $0x38;
	[tilespmem:$0x13C00] =	vst v63  }
0x46b: {  	s14 =	sadd.s32 $0x50, s0;
	s16 =	simm.s32 $0x10768  }
0x46c: {  	[hbm4b:s14+s3] =	stream.linear.scatter [tilespmem:s16], [sflag:$0x4], $0x80, $0x38;
	[tilespmem:$0x13C00] =	vst v63  }
0x46d: {  	s18 =	sadd.s32 $0x60, s0;
	s21 =	simm.s32 $0x107F0  }
0x46e: {  	[hbm4b:s18+s3] =	stream.linear.scatter [tilespmem:s21], [sflag:$0x4], $0x80, $0x38;
	[tilespmem:$0x13C00] =	vst v63  }
0x46f: {  	s22 =	sadd.s32 $0x70, s0;
	s23 =	simm.s32 $0x10878  }
0x470: {  	[hbm4b:s22+s3] =	stream.linear.scatter [tilespmem:s23], [sflag:$0x4], $0x80, $0x38;
	[tilespmem:$0x13C00] =	vst v63  }
0x471: {  	s24 =	sadd.s32 $0x80, s0;
	s25 =	simm.s32 $0x115C0  }
0x472: {  	[hbm4b:s24+s3] =	stream.linear.scatter [tilespmem:s25], [sflag:$0x4], $0x80, $0x38;
	[tilespmem:$0x13C00] =	vst v63  }
0x473: {  	s26 =	sadd.s32 $0x90, s0;
	s31 =	simm.s32 $0x11648  }
0x474: {  	[hbm4b:s26+s3] =	stream.linear.scatter [tilespmem:s31], [sflag:$0x4], $0x80, $0x38;
	[tilespmem:$0x13C00] =	vst v63  }
0x475: {  	s5 =	sadd.s32 $0xA0, s0;
	s10 =	simm.s32 $0x116D0  }
0x476: {  	[hbm4b:s5+s3] =	stream.linear.scatter [tilespmem:s10], [sflag:$0x4], $0x80, $0x38;
	[tilespmem:$0x13C00] =	vst v63  }
0x477: {  	s12 =	sadd.s32 $0xB0, s0;
	s13 =	simm.s32 $0x11758  }
0x478: {  	[hbm4b:s12+s3] =	stream.linear.scatter [tilespmem:s13], [sflag:$0x4], $0x80, $0x38;
	[tilespmem:$0x13C00] =	vst v63  }
0x479: {  	s14 =	sadd.s32 $0xC0, s0;
	s16 =	simm.s32 $0x117E0  }
0x47a: {  	[hbm4b:s14+s3] =	stream.linear.scatter [tilespmem:s16], [sflag:$0x4], $0x80, $0x38;
	[tilespmem:$0x13C00] =	vst v63  }
0x47b: {  	s18 =	sadd.s32 $0xD0, s0;
	s21 =	simm.s32 $0x11868  }
0x47c: {  	[hbm4b:s18+s3] =	stream.linear.scatter [tilespmem:s21], [sflag:$0x4], $0x80, $0x38;
	[tilespmem:$0x13C00] =	vst v63  }
0x47d: {  	s22 =	sadd.s32 $0xE0, s0;
	s23 =	simm.s32 $0x118F0  }
0x47e: {  	[hbm4b:s22+s3] =	stream.linear.scatter [tilespmem:s23], [sflag:$0x4], $0x80, $0x38;
	[tilespmem:$0x13C00] =	vst v63  }
0x47f: {  	s24 =	sadd.s32 $0xF0, s0;
	s25 =	simm.s32 $0x11978  }
0x480: {  	[hbm4b:s24+s3] =	stream.linear.scatter [tilespmem:s25], [sflag:$0x4], $0x80, $0x38;
	[tilespmem:$0x13C00] =	vst v63  }
0x481: {  	s26 =	sadd.s32 $0x100, s0;
	s31 =	simm.s32 $0x126C0  }
0x482: {  	[hbm4b:s26+s3] =	stream.linear.scatter [tilespmem:s31], [sflag:$0x4], $0x80, $0x38;
	[tilespmem:$0x13C00] =	vst v63  }
0x483: {  	s5 =	sadd.s32 $0x110, s0;
	s10 =	simm.s32 $0x12748  }
0x484: {  	[hbm4b:s5+s3] =	stream.linear.scatter [tilespmem:s10], [sflag:$0x4], $0x80, $0x38;
	[tilespmem:$0x13C00] =	vst v63  }
0x485: {  	s12 =	sadd.s32 $0x120, s0;
	s13 =	simm.s32 $0x127D0  }
0x486: {  	[hbm4b:s12+s3] =	stream.linear.scatter [tilespmem:s13], [sflag:$0x4], $0x80, $0x38;
	[tilespmem:$0x13C00] =	vst v63  }
0x487: {  	s14 =	sadd.s32 $0x130, s0;
	s16 =	simm.s32 $0x12858  }
0x488: {  	[hbm4b:s14+s3] =	stream.linear.scatter [tilespmem:s16], [sflag:$0x4], $0x80, $0x38;
	[tilespmem:$0x13C00] =	vst v63  }
0x489: {  	s18 =	sadd.s32 $0x140, s0;
	s21 =	simm.s32 $0x128E0  }
0x48a: {  	[hbm4b:s18+s3] =	stream.linear.scatter [tilespmem:s21], [sflag:$0x4], $0x80, $0x38;
	[tilespmem:$0x13C00] =	vst v63  }
0x48b: {  	s22 =	sadd.s32 $0x150, s0;
	s23 =	simm.s32 $0x12968  }
0x48c: {  	[hbm4b:s22+s3] =	stream.linear.scatter [tilespmem:s23], [sflag:$0x4], $0x80, $0x38;
	[tilespmem:$0x13C00] =	vst v63  }
0x48d: {  	s24 =	sadd.s32 $0x160, s0;
	s25 =	simm.s32 $0x129F0  }
0x48e: {  	[hbm4b:s24+s3] =	stream.linear.scatter [tilespmem:s25], [sflag:$0x4], $0x80, $0x38;
	[tilespmem:$0x13C00] =	vst v63  }
0x48f: {  	s26 =	sadd.s32 $0x170, s0;
	s31 =	simm.s32 $0x12A78  }
0x490: {  	[hbm4b:s26+s3] =	stream.linear.scatter [tilespmem:s31], [sflag:$0x4], $0x80, $0x38;
	[tilespmem:$0x13C00] =	vst v63  }
0x491: {  	s5 =	sadd.s32 $0x180, s0;
	s10 =	simm.s32 $0x137C0  }
0x492: {  	[hbm4b:s5+s3] =	stream.linear.scatter [tilespmem:s10], [sflag:$0x4], $0x80, $0x38;
	[tilespmem:$0x13C00] =	vst v63  }
0x493: {  	s12 =	sadd.s32 $0x190, s0;
	s13 =	simm.s32 $0x13848  }
0x494: {  	[hbm4b:s12+s3] =	stream.linear.scatter [tilespmem:s13], [sflag:$0x4], $0x80, $0x38;
	[tilespmem:$0x13C00] =	vst v63  }
0x495: {  	s14 =	sadd.s32 $0x1A0, s0;
	s16 =	simm.s32 $0x138D0  }
0x496: {  	[hbm4b:s14+s3] =	stream.linear.scatter [tilespmem:s16], [sflag:$0x4], $0x80, $0x38;
	[tilespmem:$0x13C00] =	vst v63  }
0x497: {  	s18 =	sadd.s32 $0x1B0, s0;
	s21 =	simm.s32 $0x13958  }
0x498: {  	[hbm4b:s18+s3] =	stream.linear.scatter [tilespmem:s21], [sflag:$0x4], $0x80, $0x38;
	[tilespmem:$0x13C00] =	vst v63  }
0x499: {  	s30 =	sadd.s32 $0x1, s30;
	s22 =	sadd.s32 $0x1C0, s0;
	s23 =	simm.s32 $0x139E0  }
0x49a: {  	[hbm4b:s22+s3] =	stream.linear.scatter [tilespmem:s23], [sflag:$0x4], $0x80, $0x38;
	[tilespmem:$0x13C00] =	vst v63  }
0x49b: {  	p0 =	sne.s32 s30, $0xD;
	s24 =	sadd.s32 $0x1D0, s0;
	s25 =	simm.s32 $0x13A68  }
0x49c: {  	[hbm4b:s24+s3] =	stream.linear.scatter [tilespmem:s25], [sflag:$0x4], $0x80, $0x38;
	[tilespmem:$0x13C00] =	vst v63  }
.Ltmp2:
0x49d: {  	_ = 	snop;
	(pc) =	sbr.rel @p0 .LBB2_2-.Ltmp2, $4  }
0x49e: {  	s26 =	sadd.s32 $0x1E0, s0;
	s31 =	simm.s32 $0x13AF0  }
0x49f: {  	[hbm4b:s26+s3] =	stream.linear.scatter [tilespmem:s31], [sflag:$0x4], $0x80, $0x38;
	[tilespmem:$0x13C00] =	vst v63  }
0x4a0: {  	s0 =	sadd.s32 $0x1F0, s0  }
0x4a1: {  	[hbm4b:s0+s3] =	stream.linear.scatter [tilespmem:s11], [sflag:$0x4], $0x80, $0x38;
	[tilespmem:$0x13C00] =	vst v63  }
0x4a2: {  	s0 =	simm.s32 $0x3  }
0x4a3: {  	_ =	swait.ge [sflag:s0], $0x1000  }
0x4a4: {  	[sflag:s0] =	ssyncset.done $0x0  }
0x4a5: {  	[sflag:s0] =	ssyncadd.s32 $0xFFFFF000  }
0x4a6: {  	_ =	swait.ge [sflag:s0], $0x1000  }
0x4a7: {  	[sflag:s0] =	ssyncset.done $0x0  }
0x4a8: {  	[sflag:s0] =	ssyncadd.s32 $0xFFFFF000  }
0x4a9: {  	_ =	swait.ge [sflag:s0], $0x1000  }
0x4aa: {  	[sflag:s0] =	ssyncset.done $0x0  }
0x4ab: {  	[sflag:s0] =	ssyncadd.s32 $0xFFFFF000  }
0x4ac: {  	_ =	swait.ge [sflag:s0], $0x1000  }
0x4ad: {  	[sflag:s0] =	ssyncset.done $0x0  }
0x4ae: {  	[sflag:s0] =	ssyncadd.s32 $0xFFFFF000  }
0x4af: {  	_ =	swait.ge [sflag:s29], $0x1000  }
0x4b0: {  	[sflag:s29] =	ssyncset.done $0x0  }
0x4b1: {  	[sflag:s29] =	ssyncadd.s32 $0xFFFFF000  }
0x4b2: {  	_ =	swait.ge [sflag:s29], $0x1000  }
0x4b3: {  	[sflag:s29] =	ssyncset.done $0x0  }
0x4b4: {  	[sflag:s29] =	ssyncadd.s32 $0xFFFFF000  }
0x4b5: {  	_ =	swait.ge [sflag:s29], $0x1000  }
0x4b6: {  	[sflag:s29] =	ssyncset.done $0x0  }
0x4b7: {  	[sflag:s29] =	ssyncadd.s32 $0xFFFFF000  }
0x4b8: {  	_ =	swait.ge [sflag:s29], $0x1000  }
0x4b9: {  	s1 =	rddreg [dreg:$0x5]  }
0x4ba: {  	s31 =	rddreg [dreg:$0x4];
	s1 =	sadd.s32 $0x1, s1  }
0x4bb: {  	p0 =	sne.s32 s1, s31  }
.Ltmp3:
0x4bc: {  	_ = 	snop;
	(pc) =	sbr.rel @p0 .LBB2_1-.Ltmp3, $3  }
0x4bd: {  	_ =	sdelay $0x1  }
0x4be: {  	[sflag:s29] =	ssyncset.done $0x0  }
0x4bf: {  	[sflag:s29] =	ssyncadd.s32 $0xFFFFF000  }
0x4c0: {  	_ =	sfence.sel $0x180000  }
0x4c1: {  	[bflag:$0x0] =	sbarrier.arrive $0xFFFF  }
0x4c2: {  	_ =	strace $0x90000047  }
0x4c3: {  	s0 =	stileid.u32;
	[bflag:$0x2] =	sbarrier.arrive $0xFFFF  }
0x4c4: {  	p0 =	sne.s32 s0, $0x0;
	s0 =	rddreg [dreg:$0x2]  }
0x4c5: {  	s0 =	sadd.s32 @!p0 $0x100000, s0  }
0x4c6: {  	[sflag:s0] =	ssyncadd.tile.s32 @!p0 $0x1;
	_ =	shalt  }
.Lfunc_end2:
_tile_overlayer_lowered:
.L_overlay_start_2:
0x4c7: {  	(tag) =	ssettag $0x2  }
0x4c8: {  	s0 =	rddreg [dreg:$0x0];
	s2 =	stileid.u32  }
0x4c9: {  	s1 =	rddreg [dreg:$0x1];
	p0 =	sne.s32 s2, $0x0  }
0x4ca: {  	s3 =	rddreg [dreg:$0x2];
	[bflag:$0x3] =	sbarrier.arrive $0xFFFF;
	s2 =	simm.s32 @!p0 $0x1C05  }
0x4cb: {  	[timem:s3], [sflag:s2] =	dma.local @!p0 [hbm:s0], s1  }
0x4cc: {  	s0 =	simm.s32 @!p0 $0x5  }
0x4cd: {  	_ =	swait.ge @!p0 [sflag:s0], s1  }
0x4ce: {  	s1 =	ssub.s32 @!p0 $0x0, s1;
	[sflag:s0] =	ssyncset.done @!p0 $0x0  }
0x4cf: {  	[sflag:s0] =	ssyncadd.s32 @!p0 s1  }
0x4d0: {  	[bflag:$0x3] =	sbarrier.arrive $0xFFFF  }
0x4d1: {  	_ =	shalt  }

</sc_bundles>
